<compile_context>
chip_gen: v7x
topology: tpu7x:2x2x1
jax: 0.10.2.dev20260603
libtpu: 0.0.44.dev20260713+nightly
codegen_flags: <defaults>
</compile_context>

<pallas_src>
import functools

import jax
import jax.numpy as jnp
from jax import lax
from jax.experimental import pallas as pl
from jax.experimental.pallas import tpu as pltpu
from jax.experimental.pallas import tpu_sc as plsc

VOCAB = 100000
N_EMBD = 1024
B = 4
T = 2048

NC = 2
NS = 16
NW = NC * NS

TW = T // NW
C = 16
K = 5
NTC = TW // C
NCHUNK = B * NTC
GROUPS = C * N_EMBD // 16


def _body(idx_hbm, tok_hbm, pos_hbm, out_hbm, idx_v, pos0, pos1, *scratch):
    rows = list(scratch[:K])
    sem_g = list(scratch[K:2 * K])
    sem_s = list(scratch[2 * K:3 * K])
    sem_ix = scratch[3 * K]
    sem_pos = [scratch[3 * K + 1], scratch[3 * K + 2]]
    pos = [pos0, pos1]

    wid = lax.axis_index("s") * NC + lax.axis_index("c")
    t0 = wid * TW

    def issue_gather(q):
        tc, b = divmod(q, B)
        return pltpu.async_copy(
            tok_hbm.at[idx_v.at[b, pl.ds(tc * C, C)]], rows[q % K],
            sem_g[q % K])

    def issue_store(q):
        tc, b = divmod(q, B)
        return pltpu.async_copy(
            rows[q % K], out_hbm.at[b, pl.ds(t0 + tc * C, C)], sem_s[q % K])

    def issue_pos(tc):
        return pltpu.async_copy(
            pos_hbm.at[0, pl.ds(t0 + tc * C, C)], pos[tc % 2],
            sem_pos[tc % 2])

    def vpu_add(q):
        tc = q // B
        buf = rows[q % K]
        pbuf = pos[tc % 2]

        @plsc.parallel_loop(0, GROUPS, unroll=8)
        def _(g):
            r = g >> 6
            c = (g & 63) * 16
            plsc.addupdate(buf.at[r, pl.ds(c, 16)], pbuf[r, pl.ds(c, 16)])

    ix = [pltpu.async_copy(idx_hbm.at[b, pl.ds(t0, TW)],
                           idx_v.at[b], sem_ix) for b in range(B)]
    P = [None] * NTC
    P[0] = issue_pos(0)
    P[1] = issue_pos(1)
    for d in ix:
        d.wait()
    G = [None] * NCHUNK
    S = [None] * NCHUNK
    for i in range(K - 2):
        G[i] = issue_gather(i)
    for q in range(NCHUNK):
        tc, b = divmod(q, B)
        G[q].wait()
        if b == 0:
            P[tc].wait()
        if q + K - 2 < NCHUNK:
            if q - 2 >= 0:
                S[q - 2].wait()
            G[q + K - 2] = issue_gather(q + K - 2)
        vpu_add(q)
        S[q] = issue_store(q)
        if b == B - 1 and tc + 2 < NTC:
            P[tc + 2] = issue_pos(tc + 2)
    for q in range(NCHUNK - K, NCHUNK):
        S[q].wait()


_mesh = plsc.VectorSubcoreMesh(core_axis_name="c", subcore_axis_name="s")

_sc_call = functools.partial(
    pl.kernel,
    out_type=jax.ShapeDtypeStruct((B, T, N_EMBD), jnp.float32),
    mesh=_mesh,
    scratch_types=[
        pltpu.VMEM((B, TW), jnp.int32),
        pltpu.VMEM((C, N_EMBD), jnp.float32),
        pltpu.VMEM((C, N_EMBD), jnp.float32),
    ]
    + [pltpu.VMEM((C, N_EMBD), jnp.float32)] * K
    + [pltpu.SemaphoreType.DMA] * (2 * K + 3),
)(_body)


@jax.jit
def kernel(idx, tok_emb, pos_emb):
    return _sc_call(idx.astype(jnp.int32), tok_emb, pos_emb)

# --- scband reference (transcript-rebuilt; emitter-appended) ---
"""Pipeline reference for scband-embedding-stem-76708115906963 (READ-ONLY COPY).

The authoritative reference and input builder live on the scoring server;
editing this copy changes nothing except your own understanding.
"""

import jax, jax.numpy as jnp
import numpy as np

VOCAB = 100000
BLOCK = 2048
N_EMBD = 1024
B = 4
T = 2048

def setup_inputs(seed: int = 0) -> dict:
    key = jax.random.key(seed)
    k_idx, k_tok, k_pos = jax.random.split(key, 3)
    idx = jax.random.randint(k_idx, (B, T), 0, VOCAB, dtype=jnp.int64 if jax.config.jax_enable_x64 else jnp.int32)
    tok_emb = jax.random.normal(k_tok, (VOCAB, N_EMBD), dtype=jnp.float32) * 0.02
    pos_emb = jnp.zeros((1, BLOCK, N_EMBD), dtype=jnp.float32)
    return {"idx": idx, "tok_emb": tok_emb, "pos_emb": pos_emb}

def reference(idx, tok_emb, pos_emb):
    # token embedding lookup (gather)
    token_embeddings = jnp.take(tok_emb, idx, axis=0)  # [B, T, n_embd]
    t = idx.shape[1]
    position_embeddings = pos_emb[:, :t, :]  # [1, T, n_embd]
    # dropout is identity in eval / deterministic reference
    return token_embeddings + position_embeddings

if __name__ == "__main__":
    import jax
    _d = setup_inputs()
    print(jax.jit(kernel)(*tuple(_d.values())))

</pallas_src>

<mosaic_0001>
#map = affine_map<(d0, d1) -> (0, 0)>
#map1 = affine_map<(d0, d1) -> (0, 0, 0)>
module attributes {stable_mosaic.version = 14 : i64} {
  func.func @_body(%arg0: i32, %arg1: i32, %arg2: memref<4x2048xi32, #tpu.memory_space<hbm>>, %arg3: memref<100000x1024xf32, #tpu.memory_space<hbm>>, %arg4: memref<1x2048x1024xf32, #tpu.memory_space<hbm>>, %arg5: memref<4x2048x1024xf32, #tpu.memory_space<hbm>>, %arg6: memref<4x64xi32, #tpu.memory_space<vmem>>, %arg7: memref<16x1024xf32, #tpu.memory_space<vmem>>, %arg8: memref<16x1024xf32, #tpu.memory_space<vmem>>, %arg9: memref<16x1024xf32, #tpu.memory_space<vmem>>, %arg10: memref<16x1024xf32, #tpu.memory_space<vmem>>, %arg11: memref<16x1024xf32, #tpu.memory_space<vmem>>, %arg12: memref<16x1024xf32, #tpu.memory_space<vmem>>, %arg13: memref<16x1024xf32, #tpu.memory_space<vmem>>, %arg14: memref<!tpu.dma_semaphore, #tpu.memory_space<semaphore_mem>>, %arg15: memref<!tpu.dma_semaphore, #tpu.memory_space<semaphore_mem>>, %arg16: memref<!tpu.dma_semaphore, #tpu.memory_space<semaphore_mem>>, %arg17: memref<!tpu.dma_semaphore, #tpu.memory_space<semaphore_mem>>, %arg18: memref<!tpu.dma_semaphore, #tpu.memory_space<semaphore_mem>>, %arg19: memref<!tpu.dma_semaphore, #tpu.memory_space<semaphore_mem>>, %arg20: memref<!tpu.dma_semaphore, #tpu.memory_space<semaphore_mem>>, %arg21: memref<!tpu.dma_semaphore, #tpu.memory_space<semaphore_mem>>, %arg22: memref<!tpu.dma_semaphore, #tpu.memory_space<semaphore_mem>>, %arg23: memref<!tpu.dma_semaphore, #tpu.memory_space<semaphore_mem>>, %arg24: memref<!tpu.dma_semaphore, #tpu.memory_space<semaphore_mem>>, %arg25: memref<!tpu.dma_semaphore, #tpu.memory_space<semaphore_mem>>, %arg26: memref<!tpu.dma_semaphore, #tpu.memory_space<semaphore_mem>>) attributes {dimension_semantics = [#tpu.dimension_semantics<core_parallel>, #tpu.dimension_semantics<subcore_parallel>], iteration_bounds = array<i64: 2, 16>, scalar_prefetch = 0 : i64, scratch_operands = 21 : i64, tpu.core_type = #tpu.core_type<sc_vector_subcore>, window_params = [{transform_indices = #map}, {transform_indices = #map}, {transform_indices = #map1}, {transform_indices = #map1}]} {
    %mul3A = arith.constant 2 : i32
    %mul3A_0 = arith.muli %arg1, %mul3A : i32
    %add3A = arith.addi %mul3A_0, %arg0 : i32
    %mul3A_1 = arith.constant 64 : i32
    %mul3A_2 = arith.muli %add3A, %mul3A_1 : i32
    %dma_start3A = arith.constant 0 : i32
    %dma_start3A_3 = arith.constant 0 : i32
    %dma_start3A_4 = arith.constant 0 : i32
    %dma_start3A_5 = tpu.memref_slice %arg6[%dma_start3A_3, %dma_start3A_4] : memref<4x64xi32, #tpu.memory_space<vmem>> -> memref<1x64xi32, #tpu.memory_space<vmem>>
    %dma_start3A_6 = tpu.memref_squeeze %dma_start3A_5 : memref<1x64xi32, #tpu.memory_space<vmem>> -> memref<64xi32, #tpu.memory_space<vmem>>
    %dma_start3A_7 = tpu.memref_slice %arg2[%dma_start3A, %mul3A_2] : memref<4x2048xi32, #tpu.memory_space<hbm>> -> memref<1x64xi32, #tpu.memory_space<hbm>>
    %dma_start3A_8 = tpu.memref_squeeze %dma_start3A_7 : memref<1x64xi32, #tpu.memory_space<hbm>> -> memref<64xi32, #tpu.memory_space<hbm>>
    %dma_start3A_9 = arith.constant 0 : i32
    %dma_start3A_10 = tpu.memref_slice %arg6[%dma_start3A_3, %dma_start3A_9] : memref<4x64xi32, #tpu.memory_space<vmem>> -> memref<1x64xi32, #tpu.memory_space<vmem>>
    %dma_start3A_11 = tpu.memref_squeeze %dma_start3A_10 : memref<1x64xi32, #tpu.memory_space<vmem>> -> memref<64xi32, #tpu.memory_space<vmem>>
    %dma_start3A_12 = tpu.memref_slice %arg2[%dma_start3A, %mul3A_2] : memref<4x2048xi32, #tpu.memory_space<hbm>> -> memref<1x64xi32, #tpu.memory_space<hbm>>
    %dma_start3A_13 = tpu.memref_squeeze %dma_start3A_12 : memref<1x64xi32, #tpu.memory_space<hbm>> -> memref<64xi32, #tpu.memory_space<hbm>>
    tpu.enqueue_dma source(%dma_start3A_13 : memref<64xi32, #tpu.memory_space<hbm>>) target(%dma_start3A_11 : memref<64xi32, #tpu.memory_space<vmem>>) target_semaphore(%arg24 : memref<!tpu.dma_semaphore, #tpu.memory_space<semaphore_mem>>)
    %dma_start3A_14 = arith.constant 1 : i32
    %dma_start3A_15 = arith.constant 1 : i32
    %dma_start3A_16 = arith.constant 0 : i32
    %dma_start3A_17 = tpu.memref_slice %arg6[%dma_start3A_15, %dma_start3A_16] : memref<4x64xi32, #tpu.memory_space<vmem>> -> memref<1x64xi32, #tpu.memory_space<vmem>>
    %dma_start3A_18 = tpu.memref_squeeze %dma_start3A_17 : memref<1x64xi32, #tpu.memory_space<vmem>> -> memref<64xi32, #tpu.memory_space<vmem>>
    %dma_start3A_19 = tpu.memref_slice %arg2[%dma_start3A_14, %mul3A_2] : memref<4x2048xi32, #tpu.memory_space<hbm>> -> memref<1x64xi32, #tpu.memory_space<hbm>>
    %dma_start3A_20 = tpu.memref_squeeze %dma_start3A_19 : memref<1x64xi32, #tpu.memory_space<hbm>> -> memref<64xi32, #tpu.memory_space<hbm>>
    %dma_start3A_21 = arith.constant 0 : i32
    %dma_start3A_22 = tpu.memref_slice %arg6[%dma_start3A_15, %dma_start3A_21] : memref<4x64xi32, #tpu.memory_space<vmem>> -> memref<1x64xi32, #tpu.memory_space<vmem>>
    %dma_start3A_23 = tpu.memref_squeeze %dma_start3A_22 : memref<1x64xi32, #tpu.memory_space<vmem>> -> memref<64xi32, #tpu.memory_space<vmem>>
    %dma_start3A_24 = tpu.memref_slice %arg2[%dma_start3A_14, %mul3A_2] : memref<4x2048xi32, #tpu.memory_space<hbm>> -> memref<1x64xi32, #tpu.memory_space<hbm>>
    %dma_start3A_25 = tpu.memref_squeeze %dma_start3A_24 : memref<1x64xi32, #tpu.memory_space<hbm>> -> memref<64xi32, #tpu.memory_space<hbm>>
    tpu.enqueue_dma source(%dma_start3A_25 : memref<64xi32, #tpu.memory_space<hbm>>) target(%dma_start3A_23 : memref<64xi32, #tpu.memory_space<vmem>>) target_semaphore(%arg24 : memref<!tpu.dma_semaphore, #tpu.memory_space<semaphore_mem>>)
    %dma_start3A_26 = arith.constant 2 : i32
    %dma_start3A_27 = arith.constant 2 : i32
    %dma_start3A_28 = arith.constant 0 : i32
    %dma_start3A_29 = tpu.memref_slice %arg6[%dma_start3A_27, %dma_start3A_28] : memref<4x64xi32, #tpu.memory_space<vmem>> -> memref<1x64xi32, #tpu.memory_space<vmem>>
    %dma_start3A_30 = tpu.memref_squeeze %dma_start3A_29 : memref<1x64xi32, #tpu.memory_space<vmem>> -> memref<64xi32, #tpu.memory_space<vmem>>
    %dma_start3A_31 = tpu.memref_slice %arg2[%dma_start3A_26, %mul3A_2] : memref<4x2048xi32, #tpu.memory_space<hbm>> -> memref<1x64xi32, #tpu.memory_space<hbm>>
    %dma_start3A_32 = tpu.memref_squeeze %dma_start3A_31 : memref<1x64xi32, #tpu.memory_space<hbm>> -> memref<64xi32, #tpu.memory_space<hbm>>
    %dma_start3A_33 = arith.constant 0 : i32
    %dma_start3A_34 = tpu.memref_slice %arg6[%dma_start3A_27, %dma_start3A_33] : memref<4x64xi32, #tpu.memory_space<vmem>> -> memref<1x64xi32, #tpu.memory_space<vmem>>
    %dma_start3A_35 = tpu.memref_squeeze %dma_start3A_34 : memref<1x64xi32, #tpu.memory_space<vmem>> -> memref<64xi32, #tpu.memory_space<vmem>>
    %dma_start3A_36 = tpu.memref_slice %arg2[%dma_start3A_26, %mul3A_2] : memref<4x2048xi32, #tpu.memory_space<hbm>> -> memref<1x64xi32, #tpu.memory_space<hbm>>
    %dma_start3A_37 = tpu.memref_squeeze %dma_start3A_36 : memref<1x64xi32, #tpu.memory_space<hbm>> -> memref<64xi32, #tpu.memory_space<hbm>>
    tpu.enqueue_dma source(%dma_start3A_37 : memref<64xi32, #tpu.memory_space<hbm>>) target(%dma_start3A_35 : memref<64xi32, #tpu.memory_space<vmem>>) target_semaphore(%arg24 : memref<!tpu.dma_semaphore, #tpu.memory_space<semaphore_mem>>)
    %dma_start3A_38 = arith.constant 3 : i32
    %dma_start3A_39 = arith.constant 3 : i32
    %dma_start3A_40 = arith.constant 0 : i32
    %dma_start3A_41 = tpu.memref_slice %arg6[%dma_start3A_39, %dma_start3A_40] : memref<4x64xi32, #tpu.memory_space<vmem>> -> memref<1x64xi32, #tpu.memory_space<vmem>>
    %dma_start3A_42 = tpu.memref_squeeze %dma_start3A_41 : memref<1x64xi32, #tpu.memory_space<vmem>> -> memref<64xi32, #tpu.memory_space<vmem>>
    %dma_start3A_43 = tpu.memref_slice %arg2[%dma_start3A_38, %mul3A_2] : memref<4x2048xi32, #tpu.memory_space<hbm>> -> memref<1x64xi32, #tpu.memory_space<hbm>>
    %dma_start3A_44 = tpu.memref_squeeze %dma_start3A_43 : memref<1x64xi32, #tpu.memory_space<hbm>> -> memref<64xi32, #tpu.memory_space<hbm>>
    %dma_start3A_45 = arith.constant 0 : i32
    %dma_start3A_46 = tpu.memref_slice %arg6[%dma_start3A_39, %dma_start3A_45] : memref<4x64xi32, #tpu.memory_space<vmem>> -> memref<1x64xi32, #tpu.memory_space<vmem>>
    %dma_start3A_47 = tpu.memref_squeeze %dma_start3A_46 : memref<1x64xi32, #tpu.memory_space<vmem>> -> memref<64xi32, #tpu.memory_space<vmem>>
    %dma_start3A_48 = tpu.memref_slice %arg2[%dma_start3A_38, %mul3A_2] : memref<4x2048xi32, #tpu.memory_space<hbm>> -> memref<1x64xi32, #tpu.memory_space<hbm>>
    %dma_start3A_49 = tpu.memref_squeeze %dma_start3A_48 : memref<1x64xi32, #tpu.memory_space<hbm>> -> memref<64xi32, #tpu.memory_space<hbm>>
    tpu.enqueue_dma source(%dma_start3A_49 : memref<64xi32, #tpu.memory_space<hbm>>) target(%dma_start3A_47 : memref<64xi32, #tpu.memory_space<vmem>>) target_semaphore(%arg24 : memref<!tpu.dma_semaphore, #tpu.memory_space<semaphore_mem>>)
    %add3A_50 = arith.constant 0 : i32
    %add3A_51 = arith.addi %mul3A_2, %add3A_50 : i32
    %dma_start3A_52 = arith.constant 0 : i32
    %dma_start3A_53 = arith.constant 0 : i32
    %dma_start3A_54 = tpu.memref_slice %arg4[%dma_start3A_52, %add3A_51, %dma_start3A_53] : memref<1x2048x1024xf32, #tpu.memory_space<hbm>> -> memref<1x16x1024xf32, #tpu.memory_space<hbm>>
    %dma_start3A_55 = tpu.memref_squeeze %dma_start3A_54 : memref<1x16x1024xf32, #tpu.memory_space<hbm>> -> memref<16x1024xf32, #tpu.memory_space<hbm>>
    %dma_start3A_56 = arith.constant 0 : i32
    %dma_start3A_57 = tpu.memref_slice %arg4[%dma_start3A_52, %add3A_51, %dma_start3A_56] : memref<1x2048x1024xf32, #tpu.memory_space<hbm>> -> memref<1x16x1024xf32, #tpu.memory_space<hbm>>
    %dma_start3A_58 = tpu.memref_squeeze %dma_start3A_57 : memref<1x16x1024xf32, #tpu.memory_space<hbm>> -> memref<16x1024xf32, #tpu.memory_space<hbm>>
    tpu.enqueue_dma source(%dma_start3A_58 : memref<16x1024xf32, #tpu.memory_space<hbm>>) target(%arg7 : memref<16x1024xf32, #tpu.memory_space<vmem>>) target_semaphore(%arg25 : memref<!tpu.dma_semaphore, #tpu.memory_space<semaphore_mem>>)
    %add3A_59 = arith.constant 16 : i32
    %add3A_60 = arith.addi %mul3A_2, %add3A_59 : i32
    %dma_start3A_61 = arith.constant 0 : i32
    %dma_start3A_62 = arith.constant 0 : i32
    %dma_start3A_63 = tpu.memref_slice %arg4[%dma_start3A_61, %add3A_60, %dma_start3A_62] : memref<1x2048x1024xf32, #tpu.memory_space<hbm>> -> memref<1x16x1024xf32, #tpu.memory_space<hbm>>
    %dma_start3A_64 = tpu.memref_squeeze %dma_start3A_63 : memref<1x16x1024xf32, #tpu.memory_space<hbm>> -> memref<16x1024xf32, #tpu.memory_space<hbm>>
    %dma_start3A_65 = arith.constant 0 : i32
    %dma_start3A_66 = tpu.memref_slice %arg4[%dma_start3A_61, %add3A_60, %dma_start3A_65] : memref<1x2048x1024xf32, #tpu.memory_space<hbm>> -> memref<1x16x1024xf32, #tpu.memory_space<hbm>>
    %dma_start3A_67 = tpu.memref_squeeze %dma_start3A_66 : memref<1x16x1024xf32, #tpu.memory_space<hbm>> -> memref<16x1024xf32, #tpu.memory_space<hbm>>
    tpu.enqueue_dma source(%dma_start3A_67 : memref<16x1024xf32, #tpu.memory_space<hbm>>) target(%arg8 : memref<16x1024xf32, #tpu.memory_space<vmem>>) target_semaphore(%arg26 : memref<!tpu.dma_semaphore, #tpu.memory_space<semaphore_mem>>)
    %dma_wait3A = arith.constant 0 : i32
    %dma_wait3A_68 = arith.constant 0 : i32
    %dma_wait3A_69 = arith.constant 0 : i32
    %dma_wait3A_70 = tpu.memref_slice %arg6[%dma_wait3A_68, %dma_wait3A_69] : memref<4x64xi32, #tpu.memory_space<vmem>> -> memref<1x64xi32, #tpu.memory_space<vmem>>
    %dma_wait3A_71 = tpu.memref_squeeze %dma_wait3A_70 : memref<1x64xi32, #tpu.memory_space<vmem>> -> memref<64xi32, #tpu.memory_space<vmem>>
    %dma_wait3A_72 = tpu.memref_slice %arg2[%dma_wait3A, %mul3A_2] : memref<4x2048xi32, #tpu.memory_space<hbm>> -> memref<1x64xi32, #tpu.memory_space<hbm>>
    %dma_wait3A_73 = tpu.memref_squeeze %dma_wait3A_72 : memref<1x64xi32, #tpu.memory_space<hbm>> -> memref<64xi32, #tpu.memory_space<hbm>>
    %dma_wait3A_74 = arith.constant 0 : i32
    %dma_wait3A_75 = tpu.memref_slice %arg6[%dma_wait3A_68, %dma_wait3A_74] : memref<4x64xi32, #tpu.memory_space<vmem>> -> memref<1x64xi32, #tpu.memory_space<vmem>>
    %dma_wait3A_76 = tpu.memref_squeeze %dma_wait3A_75 : memref<1x64xi32, #tpu.memory_space<vmem>> -> memref<64xi32, #tpu.memory_space<vmem>>
    %dma_wait3A_77 = tpu.memref_slice %arg2[%dma_wait3A, %mul3A_2] : memref<4x2048xi32, #tpu.memory_space<hbm>> -> memref<1x64xi32, #tpu.memory_space<hbm>>
    %dma_wait3A_78 = tpu.memref_squeeze %dma_wait3A_77 : memref<1x64xi32, #tpu.memory_space<hbm>> -> memref<64xi32, #tpu.memory_space<hbm>>
    tpu.wait_dma2 semaphore(%arg24 : memref<!tpu.dma_semaphore, #tpu.memory_space<semaphore_mem>>) src(%dma_wait3A_78 : memref<64xi32, #tpu.memory_space<hbm>>) dst(%dma_wait3A_76 : memref<64xi32, #tpu.memory_space<vmem>>)
    %dma_wait3A_79 = arith.constant 1 : i32
    %dma_wait3A_80 = arith.constant 1 : i32
    %dma_wait3A_81 = arith.constant 0 : i32
    %dma_wait3A_82 = tpu.memref_slice %arg6[%dma_wait3A_80, %dma_wait3A_81] : memref<4x64xi32, #tpu.memory_space<vmem>> -> memref<1x64xi32, #tpu.memory_space<vmem>>
    %dma_wait3A_83 = tpu.memref_squeeze %dma_wait3A_82 : memref<1x64xi32, #tpu.memory_space<vmem>> -> memref<64xi32, #tpu.memory_space<vmem>>
    %dma_wait3A_84 = tpu.memref_slice %arg2[%dma_wait3A_79, %mul3A_2] : memref<4x2048xi32, #tpu.memory_space<hbm>> -> memref<1x64xi32, #tpu.memory_space<hbm>>
    %dma_wait3A_85 = tpu.memref_squeeze %dma_wait3A_84 : memref<1x64xi32, #tpu.memory_space<hbm>> -> memref<64xi32, #tpu.memory_space<hbm>>
    %dma_wait3A_86 = arith.constant 0 : i32
    %dma_wait3A_87 = tpu.memref_slice %arg6[%dma_wait3A_80, %dma_wait3A_86] : memref<4x64xi32, #tpu.memory_space<vmem>> -> memref<1x64xi32, #tpu.memory_space<vmem>>
    %dma_wait3A_88 = tpu.memref_squeeze %dma_wait3A_87 : memref<1x64xi32, #tpu.memory_space<vmem>> -> memref<64xi32, #tpu.memory_space<vmem>>
    %dma_wait3A_89 = tpu.memref_slice %arg2[%dma_wait3A_79, %mul3A_2] : memref<4x2048xi32, #tpu.memory_space<hbm>> -> memref<1x64xi32, #tpu.memory_space<hbm>>
    %dma_wait3A_90 = tpu.memref_squeeze %dma_wait3A_89 : memref<1x64xi32, #tpu.memory_space<hbm>> -> memref<64xi32, #tpu.memory_space<hbm>>
    tpu.wait_dma2 semaphore(%arg24 : memref<!tpu.dma_semaphore, #tpu.memory_space<semaphore_mem>>) src(%dma_wait3A_90 : memref<64xi32, #tpu.memory_space<hbm>>) dst(%dma_wait3A_88 : memref<64xi32, #tpu.memory_space<vmem>>)
    %dma_wait3A_91 = arith.constant 2 : i32
    %dma_wait3A_92 = arith.constant 2 : i32
    %dma_wait3A_93 = arith.constant 0 : i32
    %dma_wait3A_94 = tpu.memref_slice %arg6[%dma_wait3A_92, %dma_wait3A_93] : memref<4x64xi32, #tpu.memory_space<vmem>> -> memref<1x64xi32, #tpu.memory_space<vmem>>
    %dma_wait3A_95 = tpu.memref_squeeze %dma_wait3A_94 : memref<1x64xi32, #tpu.memory_space<vmem>> -> memref<64xi32, #tpu.memory_space<vmem>>
    %dma_wait3A_96 = tpu.memref_slice %arg2[%dma_wait3A_91, %mul3A_2] : memref<4x2048xi32, #tpu.memory_space<hbm>> -> memref<1x64xi32, #tpu.memory_space<hbm>>
    %dma_wait3A_97 = tpu.memref_squeeze %dma_wait3A_96 : memref<1x64xi32, #tpu.memory_space<hbm>> -> memref<64xi32, #tpu.memory_space<hbm>>
    %dma_wait3A_98 = arith.constant 0 : i32
    %dma_wait3A_99 = tpu.memref_slice %arg6[%dma_wait3A_92, %dma_wait3A_98] : memref<4x64xi32, #tpu.memory_space<vmem>> -> memref<1x64xi32, #tpu.memory_space<vmem>>
    %dma_wait3A_100 = tpu.memref_squeeze %dma_wait3A_99 : memref<1x64xi32, #tpu.memory_space<vmem>> -> memref<64xi32, #tpu.memory_space<vmem>>
    %dma_wait3A_101 = tpu.memref_slice %arg2[%dma_wait3A_91, %mul3A_2] : memref<4x2048xi32, #tpu.memory_space<hbm>> -> memref<1x64xi32, #tpu.memory_space<hbm>>
    %dma_wait3A_102 = tpu.memref_squeeze %dma_wait3A_101 : memref<1x64xi32, #tpu.memory_space<hbm>> -> memref<64xi32, #tpu.memory_space<hbm>>
    tpu.wait_dma2 semaphore(%arg24 : memref<!tpu.dma_semaphore, #tpu.memory_space<semaphore_mem>>) src(%dma_wait3A_102 : memref<64xi32, #tpu.memory_space<hbm>>) dst(%dma_wait3A_100 : memref<64xi32, #tpu.memory_space<vmem>>)
    %dma_wait3A_103 = arith.constant 3 : i32
    %dma_wait3A_104 = arith.constant 3 : i32
    %dma_wait3A_105 = arith.constant 0 : i32
    %dma_wait3A_106 = tpu.memref_slice %arg6[%dma_wait3A_104, %dma_wait3A_105] : memref<4x64xi32, #tpu.memory_space<vmem>> -> memref<1x64xi32, #tpu.memory_space<vmem>>
    %dma_wait3A_107 = tpu.memref_squeeze %dma_wait3A_106 : memref<1x64xi32, #tpu.memory_space<vmem>> -> memref<64xi32, #tpu.memory_space<vmem>>
    %dma_wait3A_108 = tpu.memref_slice %arg2[%dma_wait3A_103, %mul3A_2] : memref<4x2048xi32, #tpu.memory_space<hbm>> -> memref<1x64xi32, #tpu.memory_space<hbm>>
    %dma_wait3A_109 = tpu.memref_squeeze %dma_wait3A_108 : memref<1x64xi32, #tpu.memory_space<hbm>> -> memref<64xi32, #tpu.memory_space<hbm>>
    %dma_wait3A_110 = arith.constant 0 : i32
    %dma_wait3A_111 = tpu.memref_slice %arg6[%dma_wait3A_104, %dma_wait3A_110] : memref<4x64xi32, #tpu.memory_space<vmem>> -> memref<1x64xi32, #tpu.memory_space<vmem>>
    %dma_wait3A_112 = tpu.memref_squeeze %dma_wait3A_111 : memref<1x64xi32, #tpu.memory_space<vmem>> -> memref<64xi32, #tpu.memory_space<vmem>>
    %dma_wait3A_113 = tpu.memref_slice %arg2[%dma_wait3A_103, %mul3A_2] : memref<4x2048xi32, #tpu.memory_space<hbm>> -> memref<1x64xi32, #tpu.memory_space<hbm>>
    %dma_wait3A_114 = tpu.memref_squeeze %dma_wait3A_113 : memref<1x64xi32, #tpu.memory_space<hbm>> -> memref<64xi32, #tpu.memory_space<hbm>>
    tpu.wait_dma2 semaphore(%arg24 : memref<!tpu.dma_semaphore, #tpu.memory_space<semaphore_mem>>) src(%dma_wait3A_114 : memref<64xi32, #tpu.memory_space<hbm>>) dst(%dma_wait3A_112 : memref<64xi32, #tpu.memory_space<vmem>>)
    %dma_start3A_115 = arith.constant 0 : i32
    %dma_start3A_116 = arith.constant 0 : i32
    %dma_start3A_117 = tpu.memref_slice %arg6[%dma_start3A_115, %dma_start3A_116] : memref<4x64xi32, #tpu.memory_space<vmem>> -> memref<1x16xi32, #tpu.memory_space<vmem>>
    %dma_start3A_118 = tpu.memref_squeeze %dma_start3A_117 : memref<1x16xi32, #tpu.memory_space<vmem>> -> memref<16xi32, #tpu.memory_space<vmem>>
    %dma_start3A_119 = arith.constant 0 : i32
    %dma_start3A_120 = arith.constant 0 : i32
    %dma_start3A_121 = tpu.memref_slice %arg3[%dma_start3A_119, %dma_start3A_120] : memref<100000x1024xf32, #tpu.memory_space<hbm>> -> memref<100000x1024xf32, #tpu.memory_space<hbm>>
    tpu.enqueue_indirect_dma source(%dma_start3A_121 : memref<100000x1024xf32, #tpu.memory_space<hbm>>) target(%arg9 : memref<16x1024xf32, #tpu.memory_space<vmem>>) offsets(%dma_start3A_118 : memref<16xi32, #tpu.memory_space<vmem>>) semaphore(%arg14 : memref<!tpu.dma_semaphore, #tpu.memory_space<semaphore_mem>>)
    %dma_start3A_122 = arith.constant 1 : i32
    %dma_start3A_123 = arith.constant 0 : i32
    %dma_start3A_124 = tpu.memref_slice %arg6[%dma_start3A_122, %dma_start3A_123] : memref<4x64xi32, #tpu.memory_space<vmem>> -> memref<1x16xi32, #tpu.memory_space<vmem>>
    %dma_start3A_125 = tpu.memref_squeeze %dma_start3A_124 : memref<1x16xi32, #tpu.memory_space<vmem>> -> memref<16xi32, #tpu.memory_space<vmem>>
    %dma_start3A_126 = arith.constant 0 : i32
    %dma_start3A_127 = arith.constant 0 : i32
    %dma_start3A_128 = tpu.memref_slice %arg3[%dma_start3A_126, %dma_start3A_127] : memref<100000x1024xf32, #tpu.memory_space<hbm>> -> memref<100000x1024xf32, #tpu.memory_space<hbm>>
    tpu.enqueue_indirect_dma source(%dma_start3A_128 : memref<100000x1024xf32, #tpu.memory_space<hbm>>) target(%arg10 : memref<16x1024xf32, #tpu.memory_space<vmem>>) offsets(%dma_start3A_125 : memref<16xi32, #tpu.memory_space<vmem>>) semaphore(%arg15 : memref<!tpu.dma_semaphore, #tpu.memory_space<semaphore_mem>>)
    %dma_start3A_129 = arith.constant 2 : i32
    %dma_start3A_130 = arith.constant 0 : i32
    %dma_start3A_131 = tpu.memref_slice %arg6[%dma_start3A_129, %dma_start3A_130] : memref<4x64xi32, #tpu.memory_space<vmem>> -> memref<1x16xi32, #tpu.memory_space<vmem>>
    %dma_start3A_132 = tpu.memref_squeeze %dma_start3A_131 : memref<1x16xi32, #tpu.memory_space<vmem>> -> memref<16xi32, #tpu.memory_space<vmem>>
    %dma_start3A_133 = arith.constant 0 : i32
    %dma_start3A_134 = arith.constant 0 : i32
    %dma_start3A_135 = tpu.memref_slice %arg3[%dma_start3A_133, %dma_start3A_134] : memref<100000x1024xf32, #tpu.memory_space<hbm>> -> memref<100000x1024xf32, #tpu.memory_space<hbm>>
    tpu.enqueue_indirect_dma source(%dma_start3A_135 : memref<100000x1024xf32, #tpu.memory_space<hbm>>) target(%arg11 : memref<16x1024xf32, #tpu.memory_space<vmem>>) offsets(%dma_start3A_132 : memref<16xi32, #tpu.memory_space<vmem>>) semaphore(%arg16 : memref<!tpu.dma_semaphore, #tpu.memory_space<semaphore_mem>>)
    %dma_wait3A_136 = arith.constant 0 : i32
    %dma_wait3A_137 = arith.constant 0 : i32
    %dma_wait3A_138 = tpu.memref_slice %arg6[%dma_wait3A_136, %dma_wait3A_137] : memref<4x64xi32, #tpu.memory_space<vmem>> -> memref<1x16xi32, #tpu.memory_space<vmem>>
    %dma_wait3A_139 = tpu.memref_squeeze %dma_wait3A_138 : memref<1x16xi32, #tpu.memory_space<vmem>> -> memref<16xi32, #tpu.memory_space<vmem>>
    %dma_wait3A_140 = arith.constant 0 : i32
    %dma_wait3A_141 = arith.constant 0 : i32
    %dma_wait3A_142 = tpu.memref_slice %arg3[%dma_wait3A_140, %dma_wait3A_141] : memref<100000x1024xf32, #tpu.memory_space<hbm>> -> memref<100000x1024xf32, #tpu.memory_space<hbm>>
    tpu.wait_indirect_dma semaphore(%arg14 : memref<!tpu.dma_semaphore, #tpu.memory_space<semaphore_mem>>) src(%dma_wait3A_142 : memref<100000x1024xf32, #tpu.memory_space<hbm>>) dst(%arg9 : memref<16x1024xf32, #tpu.memory_space<vmem>>)
    %dma_wait3A_143 = arith.constant 0 : i32
    %dma_wait3A_144 = arith.constant 0 : i32
    %dma_wait3A_145 = tpu.memref_slice %arg4[%dma_wait3A_143, %add3A_51, %dma_wait3A_144] : memref<1x2048x1024xf32, #tpu.memory_space<hbm>> -> memref<1x16x1024xf32, #tpu.memory_space<hbm>>
    %dma_wait3A_146 = tpu.memref_squeeze %dma_wait3A_145 : memref<1x16x1024xf32, #tpu.memory_space<hbm>> -> memref<16x1024xf32, #tpu.memory_space<hbm>>
    %dma_wait3A_147 = arith.constant 0 : i32
    %dma_wait3A_148 = tpu.memref_slice %arg4[%dma_wait3A_143, %add3A_51, %dma_wait3A_147] : memref<1x2048x1024xf32, #tpu.memory_space<hbm>> -> memref<1x16x1024xf32, #tpu.memory_space<hbm>>
    %dma_wait3A_149 = tpu.memref_squeeze %dma_wait3A_148 : memref<1x16x1024xf32, #tpu.memory_space<hbm>> -> memref<16x1024xf32, #tpu.memory_space<hbm>>
    tpu.wait_dma2 semaphore(%arg25 : memref<!tpu.dma_semaphore, #tpu.memory_space<semaphore_mem>>) src(%dma_wait3A_149 : memref<16x1024xf32, #tpu.memory_space<hbm>>) dst(%arg7 : memref<16x1024xf32, #tpu.memory_space<vmem>>)
    %dma_start3A_150 = arith.constant 3 : i32
    %dma_start3A_151 = arith.constant 0 : i32
    %dma_start3A_152 = tpu.memref_slice %arg6[%dma_start3A_150, %dma_start3A_151] : memref<4x64xi32, #tpu.memory_space<vmem>> -> memref<1x16xi32, #tpu.memory_space<vmem>>
    %dma_start3A_153 = tpu.memref_squeeze %dma_start3A_152 : memref<1x16xi32, #tpu.memory_space<vmem>> -> memref<16xi32, #tpu.memory_space<vmem>>
    %dma_start3A_154 = arith.constant 0 : i32
    %dma_start3A_155 = arith.constant 0 : i32
    %dma_start3A_156 = tpu.memref_slice %arg3[%dma_start3A_154, %dma_start3A_155] : memref<100000x1024xf32, #tpu.memory_space<hbm>> -> memref<100000x1024xf32, #tpu.memory_space<hbm>>
    tpu.enqueue_indirect_dma source(%dma_start3A_156 : memref<100000x1024xf32, #tpu.memory_space<hbm>>) target(%arg12 : memref<16x1024xf32, #tpu.memory_space<vmem>>) offsets(%dma_start3A_153 : memref<16xi32, #tpu.memory_space<vmem>>) semaphore(%arg17 : memref<!tpu.dma_semaphore, #tpu.memory_space<semaphore_mem>>)
    %parallel_loop3A = arith.constant 0 : i32
    %parallel_loop3A_157 = arith.constant 1024 : i32
    %parallel_loop3A_158 = arith.constant 1 : i32
    scf.for %parallel_loop3A_688 = %parallel_loop3A to %parallel_loop3A_157 step %parallel_loop3A_158  : i32 {
      %parallel_loop3A_689 = arith.constant 6 : i32
      %parallel_loop3A_690 = arith.shrsi %parallel_loop3A_688, %parallel_loop3A_689 : i32
      %parallel_loop3A_691 = arith.constant 63 : i32
      %parallel_loop3A_692 = arith.andi %parallel_loop3A_688, %parallel_loop3A_691 : i32
      %parallel_loop3A_693 = arith.constant 16 : i32
      %parallel_loop3A_694 = arith.muli %parallel_loop3A_692, %parallel_loop3A_693 : i32
      %parallel_loop3A_695 = arith.index_cast %parallel_loop3A_690 : i32 to index
      %parallel_loop3A_696 = arith.index_cast %parallel_loop3A_694 : i32 to index
      %parallel_loop3A_697 = tpu.vector_load %arg7[%parallel_loop3A_695, %parallel_loop3A_696] {strides = array<i32>} : memref<16x1024xf32, #tpu.memory_space<vmem>>, vector<1x16xf32>,
      %parallel_loop3A_698 = vector.shape_cast %parallel_loop3A_697 : vector<1x16xf32> to vector<16xf32>
      %parallel_loop3A_699 = arith.index_cast %parallel_loop3A_690 : i32 to index
      %parallel_loop3A_700 = arith.index_cast %parallel_loop3A_694 : i32 to index
      %parallel_loop3A_701 = tpu.vector_load %arg9[%parallel_loop3A_699, %parallel_loop3A_700] {strides = array<i32>} : memref<16x1024xf32, #tpu.memory_space<vmem>>, vector<1x16xf32>,
      %parallel_loop3A_702 = vector.shape_cast %parallel_loop3A_701 : vector<1x16xf32> to vector<16xf32>
      %parallel_loop3A_703 = vector.shape_cast %parallel_loop3A_698 : vector<16xf32> to vector<1x16xf32>
      tpu.vector_store %arg9[%parallel_loop3A_699, %parallel_loop3A_700], %parallel_loop3A_703 {add = true, strides = array<i32>} : memref<16x1024xf32, #tpu.memory_space<vmem>>, vector<1x16xf32>,
    } {sc.loop_unroll_factor = 8 : i64, sc.parallel_access}
    %add3A_159 = arith.constant 0 : i32
    %add3A_160 = arith.addi %mul3A_2, %add3A_159 : i32
    %dma_start3A_161 = arith.constant 0 : i32
    %dma_start3A_162 = arith.constant 0 : i32
    %dma_start3A_163 = tpu.memref_slice %arg5[%dma_start3A_161, %add3A_160, %dma_start3A_162] : memref<4x2048x1024xf32, #tpu.memory_space<hbm>> -> memref<1x16x1024xf32, #tpu.memory_space<hbm>>
    %dma_start3A_164 = tpu.memref_squeeze %dma_start3A_163 : memref<1x16x1024xf32, #tpu.memory_space<hbm>> -> memref<16x1024xf32, #tpu.memory_space<hbm>>
    %dma_start3A_165 = arith.constant 0 : i32
    %dma_start3A_166 = tpu.memref_slice %arg5[%dma_start3A_161, %add3A_160, %dma_start3A_165] : memref<4x2048x1024xf32, #tpu.memory_space<hbm>> -> memref<1x16x1024xf32, #tpu.memory_space<hbm>>
    %dma_start3A_167 = tpu.memref_squeeze %dma_start3A_166 : memref<1x16x1024xf32, #tpu.memory_space<hbm>> -> memref<16x1024xf32, #tpu.memory_space<hbm>>
    tpu.enqueue_dma source(%arg9 : memref<16x1024xf32, #tpu.memory_space<vmem>>) target(%dma_start3A_167 : memref<16x1024xf32, #tpu.memory_space<hbm>>) target_semaphore(%arg19 : memref<!tpu.dma_semaphore, #tpu.memory_space<semaphore_mem>>)
    %dma_wait3A_168 = arith.constant 1 : i32
    %dma_wait3A_169 = arith.constant 0 : i32
    %dma_wait3A_170 = tpu.memref_slice %arg6[%dma_wait3A_168, %dma_wait3A_169] : memref<4x64xi32, #tpu.memory_space<vmem>> -> memref<1x16xi32, #tpu.memory_space<vmem>>
    %dma_wait3A_171 = tpu.memref_squeeze %dma_wait3A_170 : memref<1x16xi32, #tpu.memory_space<vmem>> -> memref<16xi32, #tpu.memory_space<vmem>>
    %dma_wait3A_172 = arith.constant 0 : i32
    %dma_wait3A_173 = arith.constant 0 : i32
    %dma_wait3A_174 = tpu.memref_slice %arg3[%dma_wait3A_172, %dma_wait3A_173] : memref<100000x1024xf32, #tpu.memory_space<hbm>> -> memref<100000x1024xf32, #tpu.memory_space<hbm>>
    tpu.wait_indirect_dma semaphore(%arg15 : memref<!tpu.dma_semaphore, #tpu.memory_space<semaphore_mem>>) src(%dma_wait3A_174 : memref<100000x1024xf32, #tpu.memory_space<hbm>>) dst(%arg10 : memref<16x1024xf32, #tpu.memory_space<vmem>>)
    %dma_start3A_175 = arith.constant 0 : i32
    %dma_start3A_176 = arith.constant 16 : i32
    %dma_start3A_177 = tpu.memref_slice %arg6[%dma_start3A_175, %dma_start3A_176] : memref<4x64xi32, #tpu.memory_space<vmem>> -> memref<1x16xi32, #tpu.memory_space<vmem>>
    %dma_start3A_178 = tpu.memref_squeeze %dma_start3A_177 : memref<1x16xi32, #tpu.memory_space<vmem>> -> memref<16xi32, #tpu.memory_space<vmem>>
    %dma_start3A_179 = arith.constant 0 : i32
    %dma_start3A_180 = arith.constant 0 : i32
    %dma_start3A_181 = tpu.memref_slice %arg3[%dma_start3A_179, %dma_start3A_180] : memref<100000x1024xf32, #tpu.memory_space<hbm>> -> memref<100000x1024xf32, #tpu.memory_space<hbm>>
    tpu.enqueue_indirect_dma source(%dma_start3A_181 : memref<100000x1024xf32, #tpu.memory_space<hbm>>) target(%arg13 : memref<16x1024xf32, #tpu.memory_space<vmem>>) offsets(%dma_start3A_178 : memref<16xi32, #tpu.memory_space<vmem>>) semaphore(%arg18 : memref<!tpu.dma_semaphore, #tpu.memory_space<semaphore_mem>>)
    %parallel_loop3A_182 = arith.constant 0 : i32
    %parallel_loop3A_183 = arith.constant 1024 : i32
    %parallel_loop3A_184 = arith.constant 1 : i32
    scf.for %parallel_loop3A_688 = %parallel_loop3A_182 to %parallel_loop3A_183 step %parallel_loop3A_184  : i32 {
      %parallel_loop3A_689 = arith.constant 6 : i32
      %parallel_loop3A_690 = arith.shrsi %parallel_loop3A_688, %parallel_loop3A_689 : i32
      %parallel_loop3A_691 = arith.constant 63 : i32
      %parallel_loop3A_692 = arith.andi %parallel_loop3A_688, %parallel_loop3A_691 : i32
      %parallel_loop3A_693 = arith.constant 16 : i32
      %parallel_loop3A_694 = arith.muli %parallel_loop3A_692, %parallel_loop3A_693 : i32
      %parallel_loop3A_695 = arith.index_cast %parallel_loop3A_690 : i32 to index
      %parallel_loop3A_696 = arith.index_cast %parallel_loop3A_694 : i32 to index
      %parallel_loop3A_697 = tpu.vector_load %arg7[%parallel_loop3A_695, %parallel_loop3A_696] {strides = array<i32>} : memref<16x1024xf32, #tpu.memory_space<vmem>>, vector<1x16xf32>,
      %parallel_loop3A_698 = vector.shape_cast %parallel_loop3A_697 : vector<1x16xf32> to vector<16xf32>
      %parallel_loop3A_699 = arith.index_cast %parallel_loop3A_690 : i32 to index
      %parallel_loop3A_700 = arith.index_cast %parallel_loop3A_694 : i32 to index
      %parallel_loop3A_701 = tpu.vector_load %arg10[%parallel_loop3A_699, %parallel_loop3A_700] {strides = array<i32>} : memref<16x1024xf32, #tpu.memory_space<vmem>>, vector<1x16xf32>,
      %parallel_loop3A_702 = vector.shape_cast %parallel_loop3A_701 : vector<1x16xf32> to vector<16xf32>
      %parallel_loop3A_703 = vector.shape_cast %parallel_loop3A_698 : vector<16xf32> to vector<1x16xf32>
      tpu.vector_store %arg10[%parallel_loop3A_699, %parallel_loop3A_700], %parallel_loop3A_703 {add = true, strides = array<i32>} : memref<16x1024xf32, #tpu.memory_space<vmem>>, vector<1x16xf32>,
    } {sc.loop_unroll_factor = 8 : i64, sc.parallel_access}
    %add3A_185 = arith.constant 0 : i32
    %add3A_186 = arith.addi %mul3A_2, %add3A_185 : i32
    %dma_start3A_187 = arith.constant 1 : i32
    %dma_start3A_188 = arith.constant 0 : i32
    %dma_start3A_189 = tpu.memref_slice %arg5[%dma_start3A_187, %add3A_186, %dma_start3A_188] : memref<4x2048x1024xf32, #tpu.memory_space<hbm>> -> memref<1x16x1024xf32, #tpu.memory_space<hbm>>
    %dma_start3A_190 = tpu.memref_squeeze %dma_start3A_189 : memref<1x16x1024xf32, #tpu.memory_space<hbm>> -> memref<16x1024xf32, #tpu.memory_space<hbm>>
    %dma_start3A_191 = arith.constant 0 : i32
    %dma_start3A_192 = tpu.memref_slice %arg5[%dma_start3A_187, %add3A_186, %dma_start3A_191] : memref<4x2048x1024xf32, #tpu.memory_space<hbm>> -> memref<1x16x1024xf32, #tpu.memory_space<hbm>>
    %dma_start3A_193 = tpu.memref_squeeze %dma_start3A_192 : memref<1x16x1024xf32, #tpu.memory_space<hbm>> -> memref<16x1024xf32, #tpu.memory_space<hbm>>
    tpu.enqueue_dma source(%arg10 : memref<16x1024xf32, #tpu.memory_space<vmem>>) target(%dma_start3A_193 : memref<16x1024xf32, #tpu.memory_space<hbm>>) target_semaphore(%arg20 : memref<!tpu.dma_semaphore, #tpu.memory_space<semaphore_mem>>)
    %dma_wait3A_194 = arith.constant 2 : i32
    %dma_wait3A_195 = arith.constant 0 : i32
    %dma_wait3A_196 = tpu.memref_slice %arg6[%dma_wait3A_194, %dma_wait3A_195] : memref<4x64xi32, #tpu.memory_space<vmem>> -> memref<1x16xi32, #tpu.memory_space<vmem>>
    %dma_wait3A_197 = tpu.memref_squeeze %dma_wait3A_196 : memref<1x16xi32, #tpu.memory_space<vmem>> -> memref<16xi32, #tpu.memory_space<vmem>>
    %dma_wait3A_198 = arith.constant 0 : i32
    %dma_wait3A_199 = arith.constant 0 : i32
    %dma_wait3A_200 = tpu.memref_slice %arg3[%dma_wait3A_198, %dma_wait3A_199] : memref<100000x1024xf32, #tpu.memory_space<hbm>> -> memref<100000x1024xf32, #tpu.memory_space<hbm>>
    tpu.wait_indirect_dma semaphore(%arg16 : memref<!tpu.dma_semaphore, #tpu.memory_space<semaphore_mem>>) src(%dma_wait3A_200 : memref<100000x1024xf32, #tpu.memory_space<hbm>>) dst(%arg11 : memref<16x1024xf32, #tpu.memory_space<vmem>>)
    %dma_wait3A_201 = arith.constant 0 : i32
    %dma_wait3A_202 = arith.constant 0 : i32
    %dma_wait3A_203 = tpu.memref_slice %arg5[%dma_wait3A_201, %add3A_160, %dma_wait3A_202] : memref<4x2048x1024xf32, #tpu.memory_space<hbm>> -> memref<1x16x1024xf32, #tpu.memory_space<hbm>>
    %dma_wait3A_204 = tpu.memref_squeeze %dma_wait3A_203 : memref<1x16x1024xf32, #tpu.memory_space<hbm>> -> memref<16x1024xf32, #tpu.memory_space<hbm>>
    %dma_wait3A_205 = arith.constant 0 : i32
    %dma_wait3A_206 = tpu.memref_slice %arg5[%dma_wait3A_201, %add3A_160, %dma_wait3A_205] : memref<4x2048x1024xf32, #tpu.memory_space<hbm>> -> memref<1x16x1024xf32, #tpu.memory_space<hbm>>
    %dma_wait3A_207 = tpu.memref_squeeze %dma_wait3A_206 : memref<1x16x1024xf32, #tpu.memory_space<hbm>> -> memref<16x1024xf32, #tpu.memory_space<hbm>>
    tpu.wait_dma2 semaphore(%arg19 : memref<!tpu.dma_semaphore, #tpu.memory_space<semaphore_mem>>) src(%arg9 : memref<16x1024xf32, #tpu.memory_space<vmem>>) dst(%dma_wait3A_207 : memref<16x1024xf32, #tpu.memory_space<hbm>>)
    %dma_start3A_208 = arith.constant 1 : i32
    %dma_start3A_209 = arith.constant 16 : i32
    %dma_start3A_210 = tpu.memref_slice %arg6[%dma_start3A_208, %dma_start3A_209] : memref<4x64xi32, #tpu.memory_space<vmem>> -> memref<1x16xi32, #tpu.memory_space<vmem>>
    %dma_start3A_211 = tpu.memref_squeeze %dma_start3A_210 : memref<1x16xi32, #tpu.memory_space<vmem>> -> memref<16xi32, #tpu.memory_space<vmem>>
    %dma_start3A_212 = arith.constant 0 : i32
    %dma_start3A_213 = arith.constant 0 : i32
    %dma_start3A_214 = tpu.memref_slice %arg3[%dma_start3A_212, %dma_start3A_213] : memref<100000x1024xf32, #tpu.memory_space<hbm>> -> memref<100000x1024xf32, #tpu.memory_space<hbm>>
    tpu.enqueue_indirect_dma source(%dma_start3A_214 : memref<100000x1024xf32, #tpu.memory_space<hbm>>) target(%arg9 : memref<16x1024xf32, #tpu.memory_space<vmem>>) offsets(%dma_start3A_211 : memref<16xi32, #tpu.memory_space<vmem>>) semaphore(%arg14 : memref<!tpu.dma_semaphore, #tpu.memory_space<semaphore_mem>>)
    %parallel_loop3A_215 = arith.constant 0 : i32
    %parallel_loop3A_216 = arith.constant 1024 : i32
    %parallel_loop3A_217 = arith.constant 1 : i32
    scf.for %parallel_loop3A_688 = %parallel_loop3A_215 to %parallel_loop3A_216 step %parallel_loop3A_217  : i32 {
      %parallel_loop3A_689 = arith.constant 6 : i32
      %parallel_loop3A_690 = arith.shrsi %parallel_loop3A_688, %parallel_loop3A_689 : i32
      %parallel_loop3A_691 = arith.constant 63 : i32
      %parallel_loop3A_692 = arith.andi %parallel_loop3A_688, %parallel_loop3A_691 : i32
      %parallel_loop3A_693 = arith.constant 16 : i32
      %parallel_loop3A_694 = arith.muli %parallel_loop3A_692, %parallel_loop3A_693 : i32
      %parallel_loop3A_695 = arith.index_cast %parallel_loop3A_690 : i32 to index
      %parallel_loop3A_696 = arith.index_cast %parallel_loop3A_694 : i32 to index
      %parallel_loop3A_697 = tpu.vector_load %arg7[%parallel_loop3A_695, %parallel_loop3A_696] {strides = array<i32>} : memref<16x1024xf32, #tpu.memory_space<vmem>>, vector<1x16xf32>,
      %parallel_loop3A_698 = vector.shape_cast %parallel_loop3A_697 : vector<1x16xf32> to vector<16xf32>
      %parallel_loop3A_699 = arith.index_cast %parallel_loop3A_690 : i32 to index
      %parallel_loop3A_700 = arith.index_cast %parallel_loop3A_694 : i32 to index
      %parallel_loop3A_701 = tpu.vector_load %arg11[%parallel_loop3A_699, %parallel_loop3A_700] {strides = array<i32>} : memref<16x1024xf32, #tpu.memory_space<vmem>>, vector<1x16xf32>,
      %parallel_loop3A_702 = vector.shape_cast %parallel_loop3A_701 : vector<1x16xf32> to vector<16xf32>
      %parallel_loop3A_703 = vector.shape_cast %parallel_loop3A_698 : vector<16xf32> to vector<1x16xf32>
      tpu.vector_store %arg11[%parallel_loop3A_699, %parallel_loop3A_700], %parallel_loop3A_703 {add = true, strides = array<i32>} : memref<16x1024xf32, #tpu.memory_space<vmem>>, vector<1x16xf32>,
    } {sc.loop_unroll_factor = 8 : i64, sc.parallel_access}
    %add3A_218 = arith.constant 0 : i32
    %add3A_219 = arith.addi %mul3A_2, %add3A_218 : i32
    %dma_start3A_220 = arith.constant 2 : i32
    %dma_start3A_221 = arith.constant 0 : i32
    %dma_start3A_222 = tpu.memref_slice %arg5[%dma_start3A_220, %add3A_219, %dma_start3A_221] : memref<4x2048x1024xf32, #tpu.memory_space<hbm>> -> memref<1x16x1024xf32, #tpu.memory_space<hbm>>
    %dma_start3A_223 = tpu.memref_squeeze %dma_start3A_222 : memref<1x16x1024xf32, #tpu.memory_space<hbm>> -> memref<16x1024xf32, #tpu.memory_space<hbm>>
    %dma_start3A_224 = arith.constant 0 : i32
    %dma_start3A_225 = tpu.memref_slice %arg5[%dma_start3A_220, %add3A_219, %dma_start3A_224] : memref<4x2048x1024xf32, #tpu.memory_space<hbm>> -> memref<1x16x1024xf32, #tpu.memory_space<hbm>>
    %dma_start3A_226 = tpu.memref_squeeze %dma_start3A_225 : memref<1x16x1024xf32, #tpu.memory_space<hbm>> -> memref<16x1024xf32, #tpu.memory_space<hbm>>
    tpu.enqueue_dma source(%arg11 : memref<16x1024xf32, #tpu.memory_space<vmem>>) target(%dma_start3A_226 : memref<16x1024xf32, #tpu.memory_space<hbm>>) target_semaphore(%arg21 : memref<!tpu.dma_semaphore, #tpu.memory_space<semaphore_mem>>)
    %dma_wait3A_227 = arith.constant 3 : i32
    %dma_wait3A_228 = arith.constant 0 : i32
    %dma_wait3A_229 = tpu.memref_slice %arg6[%dma_wait3A_227, %dma_wait3A_228] : memref<4x64xi32, #tpu.memory_space<vmem>> -> memref<1x16xi32, #tpu.memory_space<vmem>>
    %dma_wait3A_230 = tpu.memref_squeeze %dma_wait3A_229 : memref<1x16xi32, #tpu.memory_space<vmem>> -> memref<16xi32, #tpu.memory_space<vmem>>
    %dma_wait3A_231 = arith.constant 0 : i32
    %dma_wait3A_232 = arith.constant 0 : i32
    %dma_wait3A_233 = tpu.memref_slice %arg3[%dma_wait3A_231, %dma_wait3A_232] : memref<100000x1024xf32, #tpu.memory_space<hbm>> -> memref<100000x1024xf32, #tpu.memory_space<hbm>>
    tpu.wait_indirect_dma semaphore(%arg17 : memref<!tpu.dma_semaphore, #tpu.memory_space<semaphore_mem>>) src(%dma_wait3A_233 : memref<100000x1024xf32, #tpu.memory_space<hbm>>) dst(%arg12 : memref<16x1024xf32, #tpu.memory_space<vmem>>)
    %dma_wait3A_234 = arith.constant 1 : i32
    %dma_wait3A_235 = arith.constant 0 : i32
    %dma_wait3A_236 = tpu.memref_slice %arg5[%dma_wait3A_234, %add3A_186, %dma_wait3A_235] : memref<4x2048x1024xf32, #tpu.memory_space<hbm>> -> memref<1x16x1024xf32, #tpu.memory_space<hbm>>
    %dma_wait3A_237 = tpu.memref_squeeze %dma_wait3A_236 : memref<1x16x1024xf32, #tpu.memory_space<hbm>> -> memref<16x1024xf32, #tpu.memory_space<hbm>>
    %dma_wait3A_238 = arith.constant 0 : i32
    %dma_wait3A_239 = tpu.memref_slice %arg5[%dma_wait3A_234, %add3A_186, %dma_wait3A_238] : memref<4x2048x1024xf32, #tpu.memory_space<hbm>> -> memref<1x16x1024xf32, #tpu.memory_space<hbm>>
    %dma_wait3A_240 = tpu.memref_squeeze %dma_wait3A_239 : memref<1x16x1024xf32, #tpu.memory_space<hbm>> -> memref<16x1024xf32, #tpu.memory_space<hbm>>
    tpu.wait_dma2 semaphore(%arg20 : memref<!tpu.dma_semaphore, #tpu.memory_space<semaphore_mem>>) src(%arg10 : memref<16x1024xf32, #tpu.memory_space<vmem>>) dst(%dma_wait3A_240 : memref<16x1024xf32, #tpu.memory_space<hbm>>)
    %dma_start3A_241 = arith.constant 2 : i32
    %dma_start3A_242 = arith.constant 16 : i32
    %dma_start3A_243 = tpu.memref_slice %arg6[%dma_start3A_241, %dma_start3A_242] : memref<4x64xi32, #tpu.memory_space<vmem>> -> memref<1x16xi32, #tpu.memory_space<vmem>>
    %dma_start3A_244 = tpu.memref_squeeze %dma_start3A_243 : memref<1x16xi32, #tpu.memory_space<vmem>> -> memref<16xi32, #tpu.memory_space<vmem>>
    %dma_start3A_245 = arith.constant 0 : i32
    %dma_start3A_246 = arith.constant 0 : i32
    %dma_start3A_247 = tpu.memref_slice %arg3[%dma_start3A_245, %dma_start3A_246] : memref<100000x1024xf32, #tpu.memory_space<hbm>> -> memref<100000x1024xf32, #tpu.memory_space<hbm>>
    tpu.enqueue_indirect_dma source(%dma_start3A_247 : memref<100000x1024xf32, #tpu.memory_space<hbm>>) target(%arg10 : memref<16x1024xf32, #tpu.memory_space<vmem>>) offsets(%dma_start3A_244 : memref<16xi32, #tpu.memory_space<vmem>>) semaphore(%arg15 : memref<!tpu.dma_semaphore, #tpu.memory_space<semaphore_mem>>)
    %parallel_loop3A_248 = arith.constant 0 : i32
    %parallel_loop3A_249 = arith.constant 1024 : i32
    %parallel_loop3A_250 = arith.constant 1 : i32
    scf.for %parallel_loop3A_688 = %parallel_loop3A_248 to %parallel_loop3A_249 step %parallel_loop3A_250  : i32 {
      %parallel_loop3A_689 = arith.constant 6 : i32
      %parallel_loop3A_690 = arith.shrsi %parallel_loop3A_688, %parallel_loop3A_689 : i32
      %parallel_loop3A_691 = arith.constant 63 : i32
      %parallel_loop3A_692 = arith.andi %parallel_loop3A_688, %parallel_loop3A_691 : i32
      %parallel_loop3A_693 = arith.constant 16 : i32
      %parallel_loop3A_694 = arith.muli %parallel_loop3A_692, %parallel_loop3A_693 : i32
      %parallel_loop3A_695 = arith.index_cast %parallel_loop3A_690 : i32 to index
      %parallel_loop3A_696 = arith.index_cast %parallel_loop3A_694 : i32 to index
      %parallel_loop3A_697 = tpu.vector_load %arg7[%parallel_loop3A_695, %parallel_loop3A_696] {strides = array<i32>} : memref<16x1024xf32, #tpu.memory_space<vmem>>, vector<1x16xf32>,
      %parallel_loop3A_698 = vector.shape_cast %parallel_loop3A_697 : vector<1x16xf32> to vector<16xf32>
      %parallel_loop3A_699 = arith.index_cast %parallel_loop3A_690 : i32 to index
      %parallel_loop3A_700 = arith.index_cast %parallel_loop3A_694 : i32 to index
      %parallel_loop3A_701 = tpu.vector_load %arg12[%parallel_loop3A_699, %parallel_loop3A_700] {strides = array<i32>} : memref<16x1024xf32, #tpu.memory_space<vmem>>, vector<1x16xf32>,
      %parallel_loop3A_702 = vector.shape_cast %parallel_loop3A_701 : vector<1x16xf32> to vector<16xf32>
      %parallel_loop3A_703 = vector.shape_cast %parallel_loop3A_698 : vector<16xf32> to vector<1x16xf32>
      tpu.vector_store %arg12[%parallel_loop3A_699, %parallel_loop3A_700], %parallel_loop3A_703 {add = true, strides = array<i32>} : memref<16x1024xf32, #tpu.memory_space<vmem>>, vector<1x16xf32>,
    } {sc.loop_unroll_factor = 8 : i64, sc.parallel_access}
    %add3A_251 = arith.constant 0 : i32
    %add3A_252 = arith.addi %mul3A_2, %add3A_251 : i32
    %dma_start3A_253 = arith.constant 3 : i32
    %dma_start3A_254 = arith.constant 0 : i32
    %dma_start3A_255 = tpu.memref_slice %arg5[%dma_start3A_253, %add3A_252, %dma_start3A_254] : memref<4x2048x1024xf32, #tpu.memory_space<hbm>> -> memref<1x16x1024xf32, #tpu.memory_space<hbm>>
    %dma_start3A_256 = tpu.memref_squeeze %dma_start3A_255 : memref<1x16x1024xf32, #tpu.memory_space<hbm>> -> memref<16x1024xf32, #tpu.memory_space<hbm>>
    %dma_start3A_257 = arith.constant 0 : i32
    %dma_start3A_258 = tpu.memref_slice %arg5[%dma_start3A_253, %add3A_252, %dma_start3A_257] : memref<4x2048x1024xf32, #tpu.memory_space<hbm>> -> memref<1x16x1024xf32, #tpu.memory_space<hbm>>
    %dma_start3A_259 = tpu.memref_squeeze %dma_start3A_258 : memref<1x16x1024xf32, #tpu.memory_space<hbm>> -> memref<16x1024xf32, #tpu.memory_space<hbm>>
    tpu.enqueue_dma source(%arg12 : memref<16x1024xf32, #tpu.memory_space<vmem>>) target(%dma_start3A_259 : memref<16x1024xf32, #tpu.memory_space<hbm>>) target_semaphore(%arg22 : memref<!tpu.dma_semaphore, #tpu.memory_space<semaphore_mem>>)
    %add3A_260 = arith.constant 32 : i32
    %add3A_261 = arith.addi %mul3A_2, %add3A_260 : i32
    %dma_start3A_262 = arith.constant 0 : i32
    %dma_start3A_263 = arith.constant 0 : i32
    %dma_start3A_264 = tpu.memref_slice %arg4[%dma_start3A_262, %add3A_261, %dma_start3A_263] : memref<1x2048x1024xf32, #tpu.memory_space<hbm>> -> memref<1x16x1024xf32, #tpu.memory_space<hbm>>
    %dma_start3A_265 = tpu.memref_squeeze %dma_start3A_264 : memref<1x16x1024xf32, #tpu.memory_space<hbm>> -> memref<16x1024xf32, #tpu.memory_space<hbm>>
    %dma_start3A_266 = arith.constant 0 : i32
    %dma_start3A_267 = tpu.memref_slice %arg4[%dma_start3A_262, %add3A_261, %dma_start3A_266] : memref<1x2048x1024xf32, #tpu.memory_space<hbm>> -> memref<1x16x1024xf32, #tpu.memory_space<hbm>>
    %dma_start3A_268 = tpu.memref_squeeze %dma_start3A_267 : memref<1x16x1024xf32, #tpu.memory_space<hbm>> -> memref<16x1024xf32, #tpu.memory_space<hbm>>
    tpu.enqueue_dma source(%dma_start3A_268 : memref<16x1024xf32, #tpu.memory_space<hbm>>) target(%arg7 : memref<16x1024xf32, #tpu.memory_space<vmem>>) target_semaphore(%arg25 : memref<!tpu.dma_semaphore, #tpu.memory_space<semaphore_mem>>)
    %dma_wait3A_269 = arith.constant 0 : i32
    %dma_wait3A_270 = arith.constant 16 : i32
    %dma_wait3A_271 = tpu.memref_slice %arg6[%dma_wait3A_269, %dma_wait3A_270] : memref<4x64xi32, #tpu.memory_space<vmem>> -> memref<1x16xi32, #tpu.memory_space<vmem>>
    %dma_wait3A_272 = tpu.memref_squeeze %dma_wait3A_271 : memref<1x16xi32, #tpu.memory_space<vmem>> -> memref<16xi32, #tpu.memory_space<vmem>>
    %dma_wait3A_273 = arith.constant 0 : i32
    %dma_wait3A_274 = arith.constant 0 : i32
    %dma_wait3A_275 = tpu.memref_slice %arg3[%dma_wait3A_273, %dma_wait3A_274] : memref<100000x1024xf32, #tpu.memory_space<hbm>> -> memref<100000x1024xf32, #tpu.memory_space<hbm>>
    tpu.wait_indirect_dma semaphore(%arg18 : memref<!tpu.dma_semaphore, #tpu.memory_space<semaphore_mem>>) src(%dma_wait3A_275 : memref<100000x1024xf32, #tpu.memory_space<hbm>>) dst(%arg13 : memref<16x1024xf32, #tpu.memory_space<vmem>>)
    %dma_wait3A_276 = arith.constant 0 : i32
    %dma_wait3A_277 = arith.constant 0 : i32
    %dma_wait3A_278 = tpu.memref_slice %arg4[%dma_wait3A_276, %add3A_60, %dma_wait3A_277] : memref<1x2048x1024xf32, #tpu.memory_space<hbm>> -> memref<1x16x1024xf32, #tpu.memory_space<hbm>>
    %dma_wait3A_279 = tpu.memref_squeeze %dma_wait3A_278 : memref<1x16x1024xf32, #tpu.memory_space<hbm>> -> memref<16x1024xf32, #tpu.memory_space<hbm>>
    %dma_wait3A_280 = arith.constant 0 : i32
    %dma_wait3A_281 = tpu.memref_slice %arg4[%dma_wait3A_276, %add3A_60, %dma_wait3A_280] : memref<1x2048x1024xf32, #tpu.memory_space<hbm>> -> memref<1x16x1024xf32, #tpu.memory_space<hbm>>
    %dma_wait3A_282 = tpu.memref_squeeze %dma_wait3A_281 : memref<1x16x1024xf32, #tpu.memory_space<hbm>> -> memref<16x1024xf32, #tpu.memory_space<hbm>>
    tpu.wait_dma2 semaphore(%arg26 : memref<!tpu.dma_semaphore, #tpu.memory_space<semaphore_mem>>) src(%dma_wait3A_282 : memref<16x1024xf32, #tpu.memory_space<hbm>>) dst(%arg8 : memref<16x1024xf32, #tpu.memory_space<vmem>>)
    %dma_wait3A_283 = arith.constant 2 : i32
    %dma_wait3A_284 = arith.constant 0 : i32
    %dma_wait3A_285 = tpu.memref_slice %arg5[%dma_wait3A_283, %add3A_219, %dma_wait3A_284] : memref<4x2048x1024xf32, #tpu.memory_space<hbm>> -> memref<1x16x1024xf32, #tpu.memory_space<hbm>>
    %dma_wait3A_286 = tpu.memref_squeeze %dma_wait3A_285 : memref<1x16x1024xf32, #tpu.memory_space<hbm>> -> memref<16x1024xf32, #tpu.memory_space<hbm>>
    %dma_wait3A_287 = arith.constant 0 : i32
    %dma_wait3A_288 = tpu.memref_slice %arg5[%dma_wait3A_283, %add3A_219, %dma_wait3A_287] : memref<4x2048x1024xf32, #tpu.memory_space<hbm>> -> memref<1x16x1024xf32, #tpu.memory_space<hbm>>
    %dma_wait3A_289 = tpu.memref_squeeze %dma_wait3A_288 : memref<1x16x1024xf32, #tpu.memory_space<hbm>> -> memref<16x1024xf32, #tpu.memory_space<hbm>>
    tpu.wait_dma2 semaphore(%arg21 : memref<!tpu.dma_semaphore, #tpu.memory_space<semaphore_mem>>) src(%arg11 : memref<16x1024xf32, #tpu.memory_space<vmem>>) dst(%dma_wait3A_289 : memref<16x1024xf32, #tpu.memory_space<hbm>>)
    %dma_start3A_290 = arith.constant 3 : i32
    %dma_start3A_291 = arith.constant 16 : i32
    %dma_start3A_292 = tpu.memref_slice %arg6[%dma_start3A_290, %dma_start3A_291] : memref<4x64xi32, #tpu.memory_space<vmem>> -> memref<1x16xi32, #tpu.memory_space<vmem>>
    %dma_start3A_293 = tpu.memref_squeeze %dma_start3A_292 : memref<1x16xi32, #tpu.memory_space<vmem>> -> memref<16xi32, #tpu.memory_space<vmem>>
    %dma_start3A_294 = arith.constant 0 : i32
    %dma_start3A_295 = arith.constant 0 : i32
    %dma_start3A_296 = tpu.memref_slice %arg3[%dma_start3A_294, %dma_start3A_295] : memref<100000x1024xf32, #tpu.memory_space<hbm>> -> memref<100000x1024xf32, #tpu.memory_space<hbm>>
    tpu.enqueue_indirect_dma source(%dma_start3A_296 : memref<100000x1024xf32, #tpu.memory_space<hbm>>) target(%arg11 : memref<16x1024xf32, #tpu.memory_space<vmem>>) offsets(%dma_start3A_293 : memref<16xi32, #tpu.memory_space<vmem>>) semaphore(%arg16 : memref<!tpu.dma_semaphore, #tpu.memory_space<semaphore_mem>>)
    %parallel_loop3A_297 = arith.constant 0 : i32
    %parallel_loop3A_298 = arith.constant 1024 : i32
    %parallel_loop3A_299 = arith.constant 1 : i32
    scf.for %parallel_loop3A_688 = %parallel_loop3A_297 to %parallel_loop3A_298 step %parallel_loop3A_299  : i32 {
      %parallel_loop3A_689 = arith.constant 6 : i32
      %parallel_loop3A_690 = arith.shrsi %parallel_loop3A_688, %parallel_loop3A_689 : i32
      %parallel_loop3A_691 = arith.constant 63 : i32
      %parallel_loop3A_692 = arith.andi %parallel_loop3A_688, %parallel_loop3A_691 : i32
      %parallel_loop3A_693 = arith.constant 16 : i32
      %parallel_loop3A_694 = arith.muli %parallel_loop3A_692, %parallel_loop3A_693 : i32
      %parallel_loop3A_695 = arith.index_cast %parallel_loop3A_690 : i32 to index
      %parallel_loop3A_696 = arith.index_cast %parallel_loop3A_694 : i32 to index
      %parallel_loop3A_697 = tpu.vector_load %arg8[%parallel_loop3A_695, %parallel_loop3A_696] {strides = array<i32>} : memref<16x1024xf32, #tpu.memory_space<vmem>>, vector<1x16xf32>,
      %parallel_loop3A_698 = vector.shape_cast %parallel_loop3A_697 : vector<1x16xf32> to vector<16xf32>
      %parallel_loop3A_699 = arith.index_cast %parallel_loop3A_690 : i32 to index
      %parallel_loop3A_700 = arith.index_cast %parallel_loop3A_694 : i32 to index
      %parallel_loop3A_701 = tpu.vector_load %arg13[%parallel_loop3A_699, %parallel_loop3A_700] {strides = array<i32>} : memref<16x1024xf32, #tpu.memory_space<vmem>>, vector<1x16xf32>,
      %parallel_loop3A_702 = vector.shape_cast %parallel_loop3A_701 : vector<1x16xf32> to vector<16xf32>
      %parallel_loop3A_703 = vector.shape_cast %parallel_loop3A_698 : vector<16xf32> to vector<1x16xf32>
      tpu.vector_store %arg13[%parallel_loop3A_699, %parallel_loop3A_700], %parallel_loop3A_703 {add = true, strides = array<i32>} : memref<16x1024xf32, #tpu.memory_space<vmem>>, vector<1x16xf32>,
    } {sc.loop_unroll_factor = 8 : i64, sc.parallel_access}
    %add3A_300 = arith.constant 16 : i32
    %add3A_301 = arith.addi %mul3A_2, %add3A_300 : i32
    %dma_start3A_302 = arith.constant 0 : i32
    %dma_start3A_303 = arith.constant 0 : i32
    %dma_start3A_304 = tpu.memref_slice %arg5[%dma_start3A_302, %add3A_301, %dma_start3A_303] : memref<4x2048x1024xf32, #tpu.memory_space<hbm>> -> memref<1x16x1024xf32, #tpu.memory_space<hbm>>
    %dma_start3A_305 = tpu.memref_squeeze %dma_start3A_304 : memref<1x16x1024xf32, #tpu.memory_space<hbm>> -> memref<16x1024xf32, #tpu.memory_space<hbm>>
    %dma_start3A_306 = arith.constant 0 : i32
    %dma_start3A_307 = tpu.memref_slice %arg5[%dma_start3A_302, %add3A_301, %dma_start3A_306] : memref<4x2048x1024xf32, #tpu.memory_space<hbm>> -> memref<1x16x1024xf32, #tpu.memory_space<hbm>>
    %dma_start3A_308 = tpu.memref_squeeze %dma_start3A_307 : memref<1x16x1024xf32, #tpu.memory_space<hbm>> -> memref<16x1024xf32, #tpu.memory_space<hbm>>
    tpu.enqueue_dma source(%arg13 : memref<16x1024xf32, #tpu.memory_space<vmem>>) target(%dma_start3A_308 : memref<16x1024xf32, #tpu.memory_space<hbm>>) target_semaphore(%arg23 : memref<!tpu.dma_semaphore, #tpu.memory_space<semaphore_mem>>)
    %dma_wait3A_309 = arith.constant 1 : i32
    %dma_wait3A_310 = arith.constant 16 : i32
    %dma_wait3A_311 = tpu.memref_slice %arg6[%dma_wait3A_309, %dma_wait3A_310] : memref<4x64xi32, #tpu.memory_space<vmem>> -> memref<1x16xi32, #tpu.memory_space<vmem>>
    %dma_wait3A_312 = tpu.memref_squeeze %dma_wait3A_311 : memref<1x16xi32, #tpu.memory_space<vmem>> -> memref<16xi32, #tpu.memory_space<vmem>>
    %dma_wait3A_313 = arith.constant 0 : i32
    %dma_wait3A_314 = arith.constant 0 : i32
    %dma_wait3A_315 = tpu.memref_slice %arg3[%dma_wait3A_313, %dma_wait3A_314] : memref<100000x1024xf32, #tpu.memory_space<hbm>> -> memref<100000x1024xf32, #tpu.memory_space<hbm>>
    tpu.wait_indirect_dma semaphore(%arg14 : memref<!tpu.dma_semaphore, #tpu.memory_space<semaphore_mem>>) src(%dma_wait3A_315 : memref<100000x1024xf32, #tpu.memory_space<hbm>>) dst(%arg9 : memref<16x1024xf32, #tpu.memory_space<vmem>>)
    %dma_wait3A_316 = arith.constant 3 : i32
    %dma_wait3A_317 = arith.constant 0 : i32
    %dma_wait3A_318 = tpu.memref_slice %arg5[%dma_wait3A_316, %add3A_252, %dma_wait3A_317] : memref<4x2048x1024xf32, #tpu.memory_space<hbm>> -> memref<1x16x1024xf32, #tpu.memory_space<hbm>>
    %dma_wait3A_319 = tpu.memref_squeeze %dma_wait3A_318 : memref<1x16x1024xf32, #tpu.memory_space<hbm>> -> memref<16x1024xf32, #tpu.memory_space<hbm>>
    %dma_wait3A_320 = arith.constant 0 : i32
    %dma_wait3A_321 = tpu.memref_slice %arg5[%dma_wait3A_316, %add3A_252, %dma_wait3A_320] : memref<4x2048x1024xf32, #tpu.memory_space<hbm>> -> memref<1x16x1024xf32, #tpu.memory_space<hbm>>
    %dma_wait3A_322 = tpu.memref_squeeze %dma_wait3A_321 : memref<1x16x1024xf32, #tpu.memory_space<hbm>> -> memref<16x1024xf32, #tpu.memory_space<hbm>>
    tpu.wait_dma2 semaphore(%arg22 : memref<!tpu.dma_semaphore, #tpu.memory_space<semaphore_mem>>) src(%arg12 : memref<16x1024xf32, #tpu.memory_space<vmem>>) dst(%dma_wait3A_322 : memref<16x1024xf32, #tpu.memory_space<hbm>>)
    %dma_start3A_323 = arith.constant 0 : i32
    %dma_start3A_324 = arith.constant 32 : i32
    %dma_start3A_325 = tpu.memref_slice %arg6[%dma_start3A_323, %dma_start3A_324] : memref<4x64xi32, #tpu.memory_space<vmem>> -> memref<1x16xi32, #tpu.memory_space<vmem>>
    %dma_start3A_326 = tpu.memref_squeeze %dma_start3A_325 : memref<1x16xi32, #tpu.memory_space<vmem>> -> memref<16xi32, #tpu.memory_space<vmem>>
    %dma_start3A_327 = arith.constant 0 : i32
    %dma_start3A_328 = arith.constant 0 : i32
    %dma_start3A_329 = tpu.memref_slice %arg3[%dma_start3A_327, %dma_start3A_328] : memref<100000x1024xf32, #tpu.memory_space<hbm>> -> memref<100000x1024xf32, #tpu.memory_space<hbm>>
    tpu.enqueue_indirect_dma source(%dma_start3A_329 : memref<100000x1024xf32, #tpu.memory_space<hbm>>) target(%arg12 : memref<16x1024xf32, #tpu.memory_space<vmem>>) offsets(%dma_start3A_326 : memref<16xi32, #tpu.memory_space<vmem>>) semaphore(%arg17 : memref<!tpu.dma_semaphore, #tpu.memory_space<semaphore_mem>>)
    %parallel_loop3A_330 = arith.constant 0 : i32
    %parallel_loop3A_331 = arith.constant 1024 : i32
    %parallel_loop3A_332 = arith.constant 1 : i32
    scf.for %parallel_loop3A_688 = %parallel_loop3A_330 to %parallel_loop3A_331 step %parallel_loop3A_332  : i32 {
      %parallel_loop3A_689 = arith.constant 6 : i32
      %parallel_loop3A_690 = arith.shrsi %parallel_loop3A_688, %parallel_loop3A_689 : i32
      %parallel_loop3A_691 = arith.constant 63 : i32
      %parallel_loop3A_692 = arith.andi %parallel_loop3A_688, %parallel_loop3A_691 : i32
      %parallel_loop3A_693 = arith.constant 16 : i32
      %parallel_loop3A_694 = arith.muli %parallel_loop3A_692, %parallel_loop3A_693 : i32
      %parallel_loop3A_695 = arith.index_cast %parallel_loop3A_690 : i32 to index
      %parallel_loop3A_696 = arith.index_cast %parallel_loop3A_694 : i32 to index
      %parallel_loop3A_697 = tpu.vector_load %arg8[%parallel_loop3A_695, %parallel_loop3A_696] {strides = array<i32>} : memref<16x1024xf32, #tpu.memory_space<vmem>>, vector<1x16xf32>,
      %parallel_loop3A_698 = vector.shape_cast %parallel_loop3A_697 : vector<1x16xf32> to vector<16xf32>
      %parallel_loop3A_699 = arith.index_cast %parallel_loop3A_690 : i32 to index
      %parallel_loop3A_700 = arith.index_cast %parallel_loop3A_694 : i32 to index
      %parallel_loop3A_701 = tpu.vector_load %arg9[%parallel_loop3A_699, %parallel_loop3A_700] {strides = array<i32>} : memref<16x1024xf32, #tpu.memory_space<vmem>>, vector<1x16xf32>,
      %parallel_loop3A_702 = vector.shape_cast %parallel_loop3A_701 : vector<1x16xf32> to vector<16xf32>
      %parallel_loop3A_703 = vector.shape_cast %parallel_loop3A_698 : vector<16xf32> to vector<1x16xf32>
      tpu.vector_store %arg9[%parallel_loop3A_699, %parallel_loop3A_700], %parallel_loop3A_703 {add = true, strides = array<i32>} : memref<16x1024xf32, #tpu.memory_space<vmem>>, vector<1x16xf32>,
    } {sc.loop_unroll_factor = 8 : i64, sc.parallel_access}
    %add3A_333 = arith.constant 16 : i32
    %add3A_334 = arith.addi %mul3A_2, %add3A_333 : i32
    %dma_start3A_335 = arith.constant 1 : i32
    %dma_start3A_336 = arith.constant 0 : i32
    %dma_start3A_337 = tpu.memref_slice %arg5[%dma_start3A_335, %add3A_334, %dma_start3A_336] : memref<4x2048x1024xf32, #tpu.memory_space<hbm>> -> memref<1x16x1024xf32, #tpu.memory_space<hbm>>
    %dma_start3A_338 = tpu.memref_squeeze %dma_start3A_337 : memref<1x16x1024xf32, #tpu.memory_space<hbm>> -> memref<16x1024xf32, #tpu.memory_space<hbm>>
    %dma_start3A_339 = arith.constant 0 : i32
    %dma_start3A_340 = tpu.memref_slice %arg5[%dma_start3A_335, %add3A_334, %dma_start3A_339] : memref<4x2048x1024xf32, #tpu.memory_space<hbm>> -> memref<1x16x1024xf32, #tpu.memory_space<hbm>>
    %dma_start3A_341 = tpu.memref_squeeze %dma_start3A_340 : memref<1x16x1024xf32, #tpu.memory_space<hbm>> -> memref<16x1024xf32, #tpu.memory_space<hbm>>
    tpu.enqueue_dma source(%arg9 : memref<16x1024xf32, #tpu.memory_space<vmem>>) target(%dma_start3A_341 : memref<16x1024xf32, #tpu.memory_space<hbm>>) target_semaphore(%arg19 : memref<!tpu.dma_semaphore, #tpu.memory_space<semaphore_mem>>)
    %dma_wait3A_342 = arith.constant 2 : i32
    %dma_wait3A_343 = arith.constant 16 : i32
    %dma_wait3A_344 = tpu.memref_slice %arg6[%dma_wait3A_342, %dma_wait3A_343] : memref<4x64xi32, #tpu.memory_space<vmem>> -> memref<1x16xi32, #tpu.memory_space<vmem>>
    %dma_wait3A_345 = tpu.memref_squeeze %dma_wait3A_344 : memref<1x16xi32, #tpu.memory_space<vmem>> -> memref<16xi32, #tpu.memory_space<vmem>>
    %dma_wait3A_346 = arith.constant 0 : i32
    %dma_wait3A_347 = arith.constant 0 : i32
    %dma_wait3A_348 = tpu.memref_slice %arg3[%dma_wait3A_346, %dma_wait3A_347] : memref<100000x1024xf32, #tpu.memory_space<hbm>> -> memref<100000x1024xf32, #tpu.memory_space<hbm>>
    tpu.wait_indirect_dma semaphore(%arg15 : memref<!tpu.dma_semaphore, #tpu.memory_space<semaphore_mem>>) src(%dma_wait3A_348 : memref<100000x1024xf32, #tpu.memory_space<hbm>>) dst(%arg10 : memref<16x1024xf32, #tpu.memory_space<vmem>>)
    %dma_wait3A_349 = arith.constant 0 : i32
    %dma_wait3A_350 = arith.constant 0 : i32
    %dma_wait3A_351 = tpu.memref_slice %arg5[%dma_wait3A_349, %add3A_301, %dma_wait3A_350] : memref<4x2048x1024xf32, #tpu.memory_space<hbm>> -> memref<1x16x1024xf32, #tpu.memory_space<hbm>>
    %dma_wait3A_352 = tpu.memref_squeeze %dma_wait3A_351 : memref<1x16x1024xf32, #tpu.memory_space<hbm>> -> memref<16x1024xf32, #tpu.memory_space<hbm>>
    %dma_wait3A_353 = arith.constant 0 : i32
    %dma_wait3A_354 = tpu.memref_slice %arg5[%dma_wait3A_349, %add3A_301, %dma_wait3A_353] : memref<4x2048x1024xf32, #tpu.memory_space<hbm>> -> memref<1x16x1024xf32, #tpu.memory_space<hbm>>
    %dma_wait3A_355 = tpu.memref_squeeze %dma_wait3A_354 : memref<1x16x1024xf32, #tpu.memory_space<hbm>> -> memref<16x1024xf32, #tpu.memory_space<hbm>>
    tpu.wait_dma2 semaphore(%arg23 : memref<!tpu.dma_semaphore, #tpu.memory_space<semaphore_mem>>) src(%arg13 : memref<16x1024xf32, #tpu.memory_space<vmem>>) dst(%dma_wait3A_355 : memref<16x1024xf32, #tpu.memory_space<hbm>>)
    %dma_start3A_356 = arith.constant 1 : i32
    %dma_start3A_357 = arith.constant 32 : i32
    %dma_start3A_358 = tpu.memref_slice %arg6[%dma_start3A_356, %dma_start3A_357] : memref<4x64xi32, #tpu.memory_space<vmem>> -> memref<1x16xi32, #tpu.memory_space<vmem>>
    %dma_start3A_359 = tpu.memref_squeeze %dma_start3A_358 : memref<1x16xi32, #tpu.memory_space<vmem>> -> memref<16xi32, #tpu.memory_space<vmem>>
    %dma_start3A_360 = arith.constant 0 : i32
    %dma_start3A_361 = arith.constant 0 : i32
    %dma_start3A_362 = tpu.memref_slice %arg3[%dma_start3A_360, %dma_start3A_361] : memref<100000x1024xf32, #tpu.memory_space<hbm>> -> memref<100000x1024xf32, #tpu.memory_space<hbm>>
    tpu.enqueue_indirect_dma source(%dma_start3A_362 : memref<100000x1024xf32, #tpu.memory_space<hbm>>) target(%arg13 : memref<16x1024xf32, #tpu.memory_space<vmem>>) offsets(%dma_start3A_359 : memref<16xi32, #tpu.memory_space<vmem>>) semaphore(%arg18 : memref<!tpu.dma_semaphore, #tpu.memory_space<semaphore_mem>>)
    %parallel_loop3A_363 = arith.constant 0 : i32
    %parallel_loop3A_364 = arith.constant 1024 : i32
    %parallel_loop3A_365 = arith.constant 1 : i32
    scf.for %parallel_loop3A_688 = %parallel_loop3A_363 to %parallel_loop3A_364 step %parallel_loop3A_365  : i32 {
      %parallel_loop3A_689 = arith.constant 6 : i32
      %parallel_loop3A_690 = arith.shrsi %parallel_loop3A_688, %parallel_loop3A_689 : i32
      %parallel_loop3A_691 = arith.constant 63 : i32
      %parallel_loop3A_692 = arith.andi %parallel_loop3A_688, %parallel_loop3A_691 : i32
      %parallel_loop3A_693 = arith.constant 16 : i32
      %parallel_loop3A_694 = arith.muli %parallel_loop3A_692, %parallel_loop3A_693 : i32
      %parallel_loop3A_695 = arith.index_cast %parallel_loop3A_690 : i32 to index
      %parallel_loop3A_696 = arith.index_cast %parallel_loop3A_694 : i32 to index
      %parallel_loop3A_697 = tpu.vector_load %arg8[%parallel_loop3A_695, %parallel_loop3A_696] {strides = array<i32>} : memref<16x1024xf32, #tpu.memory_space<vmem>>, vector<1x16xf32>,
      %parallel_loop3A_698 = vector.shape_cast %parallel_loop3A_697 : vector<1x16xf32> to vector<16xf32>
      %parallel_loop3A_699 = arith.index_cast %parallel_loop3A_690 : i32 to index
      %parallel_loop3A_700 = arith.index_cast %parallel_loop3A_694 : i32 to index
      %parallel_loop3A_701 = tpu.vector_load %arg10[%parallel_loop3A_699, %parallel_loop3A_700] {strides = array<i32>} : memref<16x1024xf32, #tpu.memory_space<vmem>>, vector<1x16xf32>,
      %parallel_loop3A_702 = vector.shape_cast %parallel_loop3A_701 : vector<1x16xf32> to vector<16xf32>
      %parallel_loop3A_703 = vector.shape_cast %parallel_loop3A_698 : vector<16xf32> to vector<1x16xf32>
      tpu.vector_store %arg10[%parallel_loop3A_699, %parallel_loop3A_700], %parallel_loop3A_703 {add = true, strides = array<i32>} : memref<16x1024xf32, #tpu.memory_space<vmem>>, vector<1x16xf32>,
    } {sc.loop_unroll_factor = 8 : i64, sc.parallel_access}
    %add3A_366 = arith.constant 16 : i32
    %add3A_367 = arith.addi %mul3A_2, %add3A_366 : i32
    %dma_start3A_368 = arith.constant 2 : i32
    %dma_start3A_369 = arith.constant 0 : i32
    %dma_start3A_370 = tpu.memref_slice %arg5[%dma_start3A_368, %add3A_367, %dma_start3A_369] : memref<4x2048x1024xf32, #tpu.memory_space<hbm>> -> memref<1x16x1024xf32, #tpu.memory_space<hbm>>
    %dma_start3A_371 = tpu.memref_squeeze %dma_start3A_370 : memref<1x16x1024xf32, #tpu.memory_space<hbm>> -> memref<16x1024xf32, #tpu.memory_space<hbm>>
    %dma_start3A_372 = arith.constant 0 : i32
    %dma_start3A_373 = tpu.memref_slice %arg5[%dma_start3A_368, %add3A_367, %dma_start3A_372] : memref<4x2048x1024xf32, #tpu.memory_space<hbm>> -> memref<1x16x1024xf32, #tpu.memory_space<hbm>>
    %dma_start3A_374 = tpu.memref_squeeze %dma_start3A_373 : memref<1x16x1024xf32, #tpu.memory_space<hbm>> -> memref<16x1024xf32, #tpu.memory_space<hbm>>
    tpu.enqueue_dma source(%arg10 : memref<16x1024xf32, #tpu.memory_space<vmem>>) target(%dma_start3A_374 : memref<16x1024xf32, #tpu.memory_space<hbm>>) target_semaphore(%arg20 : memref<!tpu.dma_semaphore, #tpu.memory_space<semaphore_mem>>)
    %dma_wait3A_375 = arith.constant 3 : i32
    %dma_wait3A_376 = arith.constant 16 : i32
    %dma_wait3A_377 = tpu.memref_slice %arg6[%dma_wait3A_375, %dma_wait3A_376] : memref<4x64xi32, #tpu.memory_space<vmem>> -> memref<1x16xi32, #tpu.memory_space<vmem>>
    %dma_wait3A_378 = tpu.memref_squeeze %dma_wait3A_377 : memref<1x16xi32, #tpu.memory_space<vmem>> -> memref<16xi32, #tpu.memory_space<vmem>>
    %dma_wait3A_379 = arith.constant 0 : i32
    %dma_wait3A_380 = arith.constant 0 : i32
    %dma_wait3A_381 = tpu.memref_slice %arg3[%dma_wait3A_379, %dma_wait3A_380] : memref<100000x1024xf32, #tpu.memory_space<hbm>> -> memref<100000x1024xf32, #tpu.memory_space<hbm>>
    tpu.wait_indirect_dma semaphore(%arg16 : memref<!tpu.dma_semaphore, #tpu.memory_space<semaphore_mem>>) src(%dma_wait3A_381 : memref<100000x1024xf32, #tpu.memory_space<hbm>>) dst(%arg11 : memref<16x1024xf32, #tpu.memory_space<vmem>>)
    %dma_wait3A_382 = arith.constant 1 : i32
    %dma_wait3A_383 = arith.constant 0 : i32
    %dma_wait3A_384 = tpu.memref_slice %arg5[%dma_wait3A_382, %add3A_334, %dma_wait3A_383] : memref<4x2048x1024xf32, #tpu.memory_space<hbm>> -> memref<1x16x1024xf32, #tpu.memory_space<hbm>>
    %dma_wait3A_385 = tpu.memref_squeeze %dma_wait3A_384 : memref<1x16x1024xf32, #tpu.memory_space<hbm>> -> memref<16x1024xf32, #tpu.memory_space<hbm>>
    %dma_wait3A_386 = arith.constant 0 : i32
    %dma_wait3A_387 = tpu.memref_slice %arg5[%dma_wait3A_382, %add3A_334, %dma_wait3A_386] : memref<4x2048x1024xf32, #tpu.memory_space<hbm>> -> memref<1x16x1024xf32, #tpu.memory_space<hbm>>
    %dma_wait3A_388 = tpu.memref_squeeze %dma_wait3A_387 : memref<1x16x1024xf32, #tpu.memory_space<hbm>> -> memref<16x1024xf32, #tpu.memory_space<hbm>>
    tpu.wait_dma2 semaphore(%arg19 : memref<!tpu.dma_semaphore, #tpu.memory_space<semaphore_mem>>) src(%arg9 : memref<16x1024xf32, #tpu.memory_space<vmem>>) dst(%dma_wait3A_388 : memref<16x1024xf32, #tpu.memory_space<hbm>>)
    %dma_start3A_389 = arith.constant 2 : i32
    %dma_start3A_390 = arith.constant 32 : i32
    %dma_start3A_391 = tpu.memref_slice %arg6[%dma_start3A_389, %dma_start3A_390] : memref<4x64xi32, #tpu.memory_space<vmem>> -> memref<1x16xi32, #tpu.memory_space<vmem>>
    %dma_start3A_392 = tpu.memref_squeeze %dma_start3A_391 : memref<1x16xi32, #tpu.memory_space<vmem>> -> memref<16xi32, #tpu.memory_space<vmem>>
    %dma_start3A_393 = arith.constant 0 : i32
    %dma_start3A_394 = arith.constant 0 : i32
    %dma_start3A_395 = tpu.memref_slice %arg3[%dma_start3A_393, %dma_start3A_394] : memref<100000x1024xf32, #tpu.memory_space<hbm>> -> memref<100000x1024xf32, #tpu.memory_space<hbm>>
    tpu.enqueue_indirect_dma source(%dma_start3A_395 : memref<100000x1024xf32, #tpu.memory_space<hbm>>) target(%arg9 : memref<16x1024xf32, #tpu.memory_space<vmem>>) offsets(%dma_start3A_392 : memref<16xi32, #tpu.memory_space<vmem>>) semaphore(%arg14 : memref<!tpu.dma_semaphore, #tpu.memory_space<semaphore_mem>>)
    %parallel_loop3A_396 = arith.constant 0 : i32
    %parallel_loop3A_397 = arith.constant 1024 : i32
    %parallel_loop3A_398 = arith.constant 1 : i32
    scf.for %parallel_loop3A_688 = %parallel_loop3A_396 to %parallel_loop3A_397 step %parallel_loop3A_398  : i32 {
      %parallel_loop3A_689 = arith.constant 6 : i32
      %parallel_loop3A_690 = arith.shrsi %parallel_loop3A_688, %parallel_loop3A_689 : i32
      %parallel_loop3A_691 = arith.constant 63 : i32
      %parallel_loop3A_692 = arith.andi %parallel_loop3A_688, %parallel_loop3A_691 : i32
      %parallel_loop3A_693 = arith.constant 16 : i32
      %parallel_loop3A_694 = arith.muli %parallel_loop3A_692, %parallel_loop3A_693 : i32
      %parallel_loop3A_695 = arith.index_cast %parallel_loop3A_690 : i32 to index
      %parallel_loop3A_696 = arith.index_cast %parallel_loop3A_694 : i32 to index
      %parallel_loop3A_697 = tpu.vector_load %arg8[%parallel_loop3A_695, %parallel_loop3A_696] {strides = array<i32>} : memref<16x1024xf32, #tpu.memory_space<vmem>>, vector<1x16xf32>,
      %parallel_loop3A_698 = vector.shape_cast %parallel_loop3A_697 : vector<1x16xf32> to vector<16xf32>
      %parallel_loop3A_699 = arith.index_cast %parallel_loop3A_690 : i32 to index
      %parallel_loop3A_700 = arith.index_cast %parallel_loop3A_694 : i32 to index
      %parallel_loop3A_701 = tpu.vector_load %arg11[%parallel_loop3A_699, %parallel_loop3A_700] {strides = array<i32>} : memref<16x1024xf32, #tpu.memory_space<vmem>>, vector<1x16xf32>,
      %parallel_loop3A_702 = vector.shape_cast %parallel_loop3A_701 : vector<1x16xf32> to vector<16xf32>
      %parallel_loop3A_703 = vector.shape_cast %parallel_loop3A_698 : vector<16xf32> to vector<1x16xf32>
      tpu.vector_store %arg11[%parallel_loop3A_699, %parallel_loop3A_700], %parallel_loop3A_703 {add = true, strides = array<i32>} : memref<16x1024xf32, #tpu.memory_space<vmem>>, vector<1x16xf32>,
    } {sc.loop_unroll_factor = 8 : i64, sc.parallel_access}
    %add3A_399 = arith.constant 16 : i32
    %add3A_400 = arith.addi %mul3A_2, %add3A_399 : i32
    %dma_start3A_401 = arith.constant 3 : i32
    %dma_start3A_402 = arith.constant 0 : i32
    %dma_start3A_403 = tpu.memref_slice %arg5[%dma_start3A_401, %add3A_400, %dma_start3A_402] : memref<4x2048x1024xf32, #tpu.memory_space<hbm>> -> memref<1x16x1024xf32, #tpu.memory_space<hbm>>
    %dma_start3A_404 = tpu.memref_squeeze %dma_start3A_403 : memref<1x16x1024xf32, #tpu.memory_space<hbm>> -> memref<16x1024xf32, #tpu.memory_space<hbm>>
    %dma_start3A_405 = arith.constant 0 : i32
    %dma_start3A_406 = tpu.memref_slice %arg5[%dma_start3A_401, %add3A_400, %dma_start3A_405] : memref<4x2048x1024xf32, #tpu.memory_space<hbm>> -> memref<1x16x1024xf32, #tpu.memory_space<hbm>>
    %dma_start3A_407 = tpu.memref_squeeze %dma_start3A_406 : memref<1x16x1024xf32, #tpu.memory_space<hbm>> -> memref<16x1024xf32, #tpu.memory_space<hbm>>
    tpu.enqueue_dma source(%arg11 : memref<16x1024xf32, #tpu.memory_space<vmem>>) target(%dma_start3A_407 : memref<16x1024xf32, #tpu.memory_space<hbm>>) target_semaphore(%arg21 : memref<!tpu.dma_semaphore, #tpu.memory_space<semaphore_mem>>)
    %add3A_408 = arith.constant 48 : i32
    %add3A_409 = arith.addi %mul3A_2, %add3A_408 : i32
    %dma_start3A_410 = arith.constant 0 : i32
    %dma_start3A_411 = arith.constant 0 : i32
    %dma_start3A_412 = tpu.memref_slice %arg4[%dma_start3A_410, %add3A_409, %dma_start3A_411] : memref<1x2048x1024xf32, #tpu.memory_space<hbm>> -> memref<1x16x1024xf32, #tpu.memory_space<hbm>>
    %dma_start3A_413 = tpu.memref_squeeze %dma_start3A_412 : memref<1x16x1024xf32, #tpu.memory_space<hbm>> -> memref<16x1024xf32, #tpu.memory_space<hbm>>
    %dma_start3A_414 = arith.constant 0 : i32
    %dma_start3A_415 = tpu.memref_slice %arg4[%dma_start3A_410, %add3A_409, %dma_start3A_414] : memref<1x2048x1024xf32, #tpu.memory_space<hbm>> -> memref<1x16x1024xf32, #tpu.memory_space<hbm>>
    %dma_start3A_416 = tpu.memref_squeeze %dma_start3A_415 : memref<1x16x1024xf32, #tpu.memory_space<hbm>> -> memref<16x1024xf32, #tpu.memory_space<hbm>>
    tpu.enqueue_dma source(%dma_start3A_416 : memref<16x1024xf32, #tpu.memory_space<hbm>>) target(%arg8 : memref<16x1024xf32, #tpu.memory_space<vmem>>) target_semaphore(%arg26 : memref<!tpu.dma_semaphore, #tpu.memory_space<semaphore_mem>>)
    %dma_wait3A_417 = arith.constant 0 : i32
    %dma_wait3A_418 = arith.constant 32 : i32
    %dma_wait3A_419 = tpu.memref_slice %arg6[%dma_wait3A_417, %dma_wait3A_418] : memref<4x64xi32, #tpu.memory_space<vmem>> -> memref<1x16xi32, #tpu.memory_space<vmem>>
    %dma_wait3A_420 = tpu.memref_squeeze %dma_wait3A_419 : memref<1x16xi32, #tpu.memory_space<vmem>> -> memref<16xi32, #tpu.memory_space<vmem>>
    %dma_wait3A_421 = arith.constant 0 : i32
    %dma_wait3A_422 = arith.constant 0 : i32
    %dma_wait3A_423 = tpu.memref_slice %arg3[%dma_wait3A_421, %dma_wait3A_422] : memref<100000x1024xf32, #tpu.memory_space<hbm>> -> memref<100000x1024xf32, #tpu.memory_space<hbm>>
    tpu.wait_indirect_dma semaphore(%arg17 : memref<!tpu.dma_semaphore, #tpu.memory_space<semaphore_mem>>) src(%dma_wait3A_423 : memref<100000x1024xf32, #tpu.memory_space<hbm>>) dst(%arg12 : memref<16x1024xf32, #tpu.memory_space<vmem>>)
    %dma_wait3A_424 = arith.constant 0 : i32
    %dma_wait3A_425 = arith.constant 0 : i32
    %dma_wait3A_426 = tpu.memref_slice %arg4[%dma_wait3A_424, %add3A_261, %dma_wait3A_425] : memref<1x2048x1024xf32, #tpu.memory_space<hbm>> -> memref<1x16x1024xf32, #tpu.memory_space<hbm>>
    %dma_wait3A_427 = tpu.memref_squeeze %dma_wait3A_426 : memref<1x16x1024xf32, #tpu.memory_space<hbm>> -> memref<16x1024xf32, #tpu.memory_space<hbm>>
    %dma_wait3A_428 = arith.constant 0 : i32
    %dma_wait3A_429 = tpu.memref_slice %arg4[%dma_wait3A_424, %add3A_261, %dma_wait3A_428] : memref<1x2048x1024xf32, #tpu.memory_space<hbm>> -> memref<1x16x1024xf32, #tpu.memory_space<hbm>>
    %dma_wait3A_430 = tpu.memref_squeeze %dma_wait3A_429 : memref<1x16x1024xf32, #tpu.memory_space<hbm>> -> memref<16x1024xf32, #tpu.memory_space<hbm>>
    tpu.wait_dma2 semaphore(%arg25 : memref<!tpu.dma_semaphore, #tpu.memory_space<semaphore_mem>>) src(%dma_wait3A_430 : memref<16x1024xf32, #tpu.memory_space<hbm>>) dst(%arg7 : memref<16x1024xf32, #tpu.memory_space<vmem>>)
    %dma_wait3A_431 = arith.constant 2 : i32
    %dma_wait3A_432 = arith.constant 0 : i32
    %dma_wait3A_433 = tpu.memref_slice %arg5[%dma_wait3A_431, %add3A_367, %dma_wait3A_432] : memref<4x2048x1024xf32, #tpu.memory_space<hbm>> -> memref<1x16x1024xf32, #tpu.memory_space<hbm>>
    %dma_wait3A_434 = tpu.memref_squeeze %dma_wait3A_433 : memref<1x16x1024xf32, #tpu.memory_space<hbm>> -> memref<16x1024xf32, #tpu.memory_space<hbm>>
    %dma_wait3A_435 = arith.constant 0 : i32
    %dma_wait3A_436 = tpu.memref_slice %arg5[%dma_wait3A_431, %add3A_367, %dma_wait3A_435] : memref<4x2048x1024xf32, #tpu.memory_space<hbm>> -> memref<1x16x1024xf32, #tpu.memory_space<hbm>>
    %dma_wait3A_437 = tpu.memref_squeeze %dma_wait3A_436 : memref<1x16x1024xf32, #tpu.memory_space<hbm>> -> memref<16x1024xf32, #tpu.memory_space<hbm>>
    tpu.wait_dma2 semaphore(%arg20 : memref<!tpu.dma_semaphore, #tpu.memory_space<semaphore_mem>>) src(%arg10 : memref<16x1024xf32, #tpu.memory_space<vmem>>) dst(%dma_wait3A_437 : memref<16x1024xf32, #tpu.memory_space<hbm>>)
    %dma_start3A_438 = arith.constant 3 : i32
    %dma_start3A_439 = arith.constant 32 : i32
    %dma_start3A_440 = tpu.memref_slice %arg6[%dma_start3A_438, %dma_start3A_439] : memref<4x64xi32, #tpu.memory_space<vmem>> -> memref<1x16xi32, #tpu.memory_space<vmem>>
    %dma_start3A_441 = tpu.memref_squeeze %dma_start3A_440 : memref<1x16xi32, #tpu.memory_space<vmem>> -> memref<16xi32, #tpu.memory_space<vmem>>
    %dma_start3A_442 = arith.constant 0 : i32
    %dma_start3A_443 = arith.constant 0 : i32
    %dma_start3A_444 = tpu.memref_slice %arg3[%dma_start3A_442, %dma_start3A_443] : memref<100000x1024xf32, #tpu.memory_space<hbm>> -> memref<100000x1024xf32, #tpu.memory_space<hbm>>
    tpu.enqueue_indirect_dma source(%dma_start3A_444 : memref<100000x1024xf32, #tpu.memory_space<hbm>>) target(%arg10 : memref<16x1024xf32, #tpu.memory_space<vmem>>) offsets(%dma_start3A_441 : memref<16xi32, #tpu.memory_space<vmem>>) semaphore(%arg15 : memref<!tpu.dma_semaphore, #tpu.memory_space<semaphore_mem>>)
    %parallel_loop3A_445 = arith.constant 0 : i32
    %parallel_loop3A_446 = arith.constant 1024 : i32
    %parallel_loop3A_447 = arith.constant 1 : i32
    scf.for %parallel_loop3A_688 = %parallel_loop3A_445 to %parallel_loop3A_446 step %parallel_loop3A_447  : i32 {
      %parallel_loop3A_689 = arith.constant 6 : i32
      %parallel_loop3A_690 = arith.shrsi %parallel_loop3A_688, %parallel_loop3A_689 : i32
      %parallel_loop3A_691 = arith.constant 63 : i32
      %parallel_loop3A_692 = arith.andi %parallel_loop3A_688, %parallel_loop3A_691 : i32
      %parallel_loop3A_693 = arith.constant 16 : i32
      %parallel_loop3A_694 = arith.muli %parallel_loop3A_692, %parallel_loop3A_693 : i32
      %parallel_loop3A_695 = arith.index_cast %parallel_loop3A_690 : i32 to index
      %parallel_loop3A_696 = arith.index_cast %parallel_loop3A_694 : i32 to index
      %parallel_loop3A_697 = tpu.vector_load %arg7[%parallel_loop3A_695, %parallel_loop3A_696] {strides = array<i32>} : memref<16x1024xf32, #tpu.memory_space<vmem>>, vector<1x16xf32>,
      %parallel_loop3A_698 = vector.shape_cast %parallel_loop3A_697 : vector<1x16xf32> to vector<16xf32>
      %parallel_loop3A_699 = arith.index_cast %parallel_loop3A_690 : i32 to index
      %parallel_loop3A_700 = arith.index_cast %parallel_loop3A_694 : i32 to index
      %parallel_loop3A_701 = tpu.vector_load %arg12[%parallel_loop3A_699, %parallel_loop3A_700] {strides = array<i32>} : memref<16x1024xf32, #tpu.memory_space<vmem>>, vector<1x16xf32>,
      %parallel_loop3A_702 = vector.shape_cast %parallel_loop3A_701 : vector<1x16xf32> to vector<16xf32>
      %parallel_loop3A_703 = vector.shape_cast %parallel_loop3A_698 : vector<16xf32> to vector<1x16xf32>
      tpu.vector_store %arg12[%parallel_loop3A_699, %parallel_loop3A_700], %parallel_loop3A_703 {add = true, strides = array<i32>} : memref<16x1024xf32, #tpu.memory_space<vmem>>, vector<1x16xf32>,
    } {sc.loop_unroll_factor = 8 : i64, sc.parallel_access}
    %add3A_448 = arith.constant 32 : i32
    %add3A_449 = arith.addi %mul3A_2, %add3A_448 : i32
    %dma_start3A_450 = arith.constant 0 : i32
    %dma_start3A_451 = arith.constant 0 : i32
    %dma_start3A_452 = tpu.memref_slice %arg5[%dma_start3A_450, %add3A_449, %dma_start3A_451] : memref<4x2048x1024xf32, #tpu.memory_space<hbm>> -> memref<1x16x1024xf32, #tpu.memory_space<hbm>>
    %dma_start3A_453 = tpu.memref_squeeze %dma_start3A_452 : memref<1x16x1024xf32, #tpu.memory_space<hbm>> -> memref<16x1024xf32, #tpu.memory_space<hbm>>
    %dma_start3A_454 = arith.constant 0 : i32
    %dma_start3A_455 = tpu.memref_slice %arg5[%dma_start3A_450, %add3A_449, %dma_start3A_454] : memref<4x2048x1024xf32, #tpu.memory_space<hbm>> -> memref<1x16x1024xf32, #tpu.memory_space<hbm>>
    %dma_start3A_456 = tpu.memref_squeeze %dma_start3A_455 : memref<1x16x1024xf32, #tpu.memory_space<hbm>> -> memref<16x1024xf32, #tpu.memory_space<hbm>>
    tpu.enqueue_dma source(%arg12 : memref<16x1024xf32, #tpu.memory_space<vmem>>) target(%dma_start3A_456 : memref<16x1024xf32, #tpu.memory_space<hbm>>) target_semaphore(%arg22 : memref<!tpu.dma_semaphore, #tpu.memory_space<semaphore_mem>>)
    %dma_wait3A_457 = arith.constant 1 : i32
    %dma_wait3A_458 = arith.constant 32 : i32
    %dma_wait3A_459 = tpu.memref_slice %arg6[%dma_wait3A_457, %dma_wait3A_458] : memref<4x64xi32, #tpu.memory_space<vmem>> -> memref<1x16xi32, #tpu.memory_space<vmem>>
    %dma_wait3A_460 = tpu.memref_squeeze %dma_wait3A_459 : memref<1x16xi32, #tpu.memory_space<vmem>> -> memref<16xi32, #tpu.memory_space<vmem>>
    %dma_wait3A_461 = arith.constant 0 : i32
    %dma_wait3A_462 = arith.constant 0 : i32
    %dma_wait3A_463 = tpu.memref_slice %arg3[%dma_wait3A_461, %dma_wait3A_462] : memref<100000x1024xf32, #tpu.memory_space<hbm>> -> memref<100000x1024xf32, #tpu.memory_space<hbm>>
    tpu.wait_indirect_dma semaphore(%arg18 : memref<!tpu.dma_semaphore, #tpu.memory_space<semaphore_mem>>) src(%dma_wait3A_463 : memref<100000x1024xf32, #tpu.memory_space<hbm>>) dst(%arg13 : memref<16x1024xf32, #tpu.memory_space<vmem>>)
    %dma_wait3A_464 = arith.constant 3 : i32
    %dma_wait3A_465 = arith.constant 0 : i32
    %dma_wait3A_466 = tpu.memref_slice %arg5[%dma_wait3A_464, %add3A_400, %dma_wait3A_465] : memref<4x2048x1024xf32, #tpu.memory_space<hbm>> -> memref<1x16x1024xf32, #tpu.memory_space<hbm>>
    %dma_wait3A_467 = tpu.memref_squeeze %dma_wait3A_466 : memref<1x16x1024xf32, #tpu.memory_space<hbm>> -> memref<16x1024xf32, #tpu.memory_space<hbm>>
    %dma_wait3A_468 = arith.constant 0 : i32
    %dma_wait3A_469 = tpu.memref_slice %arg5[%dma_wait3A_464, %add3A_400, %dma_wait3A_468] : memref<4x2048x1024xf32, #tpu.memory_space<hbm>> -> memref<1x16x1024xf32, #tpu.memory_space<hbm>>
    %dma_wait3A_470 = tpu.memref_squeeze %dma_wait3A_469 : memref<1x16x1024xf32, #tpu.memory_space<hbm>> -> memref<16x1024xf32, #tpu.memory_space<hbm>>
    tpu.wait_dma2 semaphore(%arg21 : memref<!tpu.dma_semaphore, #tpu.memory_space<semaphore_mem>>) src(%arg11 : memref<16x1024xf32, #tpu.memory_space<vmem>>) dst(%dma_wait3A_470 : memref<16x1024xf32, #tpu.memory_space<hbm>>)
    %dma_start3A_471 = arith.constant 0 : i32
    %dma_start3A_472 = arith.constant 48 : i32
    %dma_start3A_473 = tpu.memref_slice %arg6[%dma_start3A_471, %dma_start3A_472] : memref<4x64xi32, #tpu.memory_space<vmem>> -> memref<1x16xi32, #tpu.memory_space<vmem>>
    %dma_start3A_474 = tpu.memref_squeeze %dma_start3A_473 : memref<1x16xi32, #tpu.memory_space<vmem>> -> memref<16xi32, #tpu.memory_space<vmem>>
    %dma_start3A_475 = arith.constant 0 : i32
    %dma_start3A_476 = arith.constant 0 : i32
    %dma_start3A_477 = tpu.memref_slice %arg3[%dma_start3A_475, %dma_start3A_476] : memref<100000x1024xf32, #tpu.memory_space<hbm>> -> memref<100000x1024xf32, #tpu.memory_space<hbm>>
    tpu.enqueue_indirect_dma source(%dma_start3A_477 : memref<100000x1024xf32, #tpu.memory_space<hbm>>) target(%arg11 : memref<16x1024xf32, #tpu.memory_space<vmem>>) offsets(%dma_start3A_474 : memref<16xi32, #tpu.memory_space<vmem>>) semaphore(%arg16 : memref<!tpu.dma_semaphore, #tpu.memory_space<semaphore_mem>>)
    %parallel_loop3A_478 = arith.constant 0 : i32
    %parallel_loop3A_479 = arith.constant 1024 : i32
    %parallel_loop3A_480 = arith.constant 1 : i32
    scf.for %parallel_loop3A_688 = %parallel_loop3A_478 to %parallel_loop3A_479 step %parallel_loop3A_480  : i32 {
      %parallel_loop3A_689 = arith.constant 6 : i32
      %parallel_loop3A_690 = arith.shrsi %parallel_loop3A_688, %parallel_loop3A_689 : i32
      %parallel_loop3A_691 = arith.constant 63 : i32
      %parallel_loop3A_692 = arith.andi %parallel_loop3A_688, %parallel_loop3A_691 : i32
      %parallel_loop3A_693 = arith.constant 16 : i32
      %parallel_loop3A_694 = arith.muli %parallel_loop3A_692, %parallel_loop3A_693 : i32
      %parallel_loop3A_695 = arith.index_cast %parallel_loop3A_690 : i32 to index
      %parallel_loop3A_696 = arith.index_cast %parallel_loop3A_694 : i32 to index
      %parallel_loop3A_697 = tpu.vector_load %arg7[%parallel_loop3A_695, %parallel_loop3A_696] {strides = array<i32>} : memref<16x1024xf32, #tpu.memory_space<vmem>>, vector<1x16xf32>,
      %parallel_loop3A_698 = vector.shape_cast %parallel_loop3A_697 : vector<1x16xf32> to vector<16xf32>
      %parallel_loop3A_699 = arith.index_cast %parallel_loop3A_690 : i32 to index
      %parallel_loop3A_700 = arith.index_cast %parallel_loop3A_694 : i32 to index
      %parallel_loop3A_701 = tpu.vector_load %arg13[%parallel_loop3A_699, %parallel_loop3A_700] {strides = array<i32>} : memref<16x1024xf32, #tpu.memory_space<vmem>>, vector<1x16xf32>,
      %parallel_loop3A_702 = vector.shape_cast %parallel_loop3A_701 : vector<1x16xf32> to vector<16xf32>
      %parallel_loop3A_703 = vector.shape_cast %parallel_loop3A_698 : vector<16xf32> to vector<1x16xf32>
      tpu.vector_store %arg13[%parallel_loop3A_699, %parallel_loop3A_700], %parallel_loop3A_703 {add = true, strides = array<i32>} : memref<16x1024xf32, #tpu.memory_space<vmem>>, vector<1x16xf32>,
    } {sc.loop_unroll_factor = 8 : i64, sc.parallel_access}
    %add3A_481 = arith.constant 32 : i32
    %add3A_482 = arith.addi %mul3A_2, %add3A_481 : i32
    %dma_start3A_483 = arith.constant 1 : i32
    %dma_start3A_484 = arith.constant 0 : i32
    %dma_start3A_485 = tpu.memref_slice %arg5[%dma_start3A_483, %add3A_482, %dma_start3A_484] : memref<4x2048x1024xf32, #tpu.memory_space<hbm>> -> memref<1x16x1024xf32, #tpu.memory_space<hbm>>
    %dma_start3A_486 = tpu.memref_squeeze %dma_start3A_485 : memref<1x16x1024xf32, #tpu.memory_space<hbm>> -> memref<16x1024xf32, #tpu.memory_space<hbm>>
    %dma_start3A_487 = arith.constant 0 : i32
    %dma_start3A_488 = tpu.memref_slice %arg5[%dma_start3A_483, %add3A_482, %dma_start3A_487] : memref<4x2048x1024xf32, #tpu.memory_space<hbm>> -> memref<1x16x1024xf32, #tpu.memory_space<hbm>>
    %dma_start3A_489 = tpu.memref_squeeze %dma_start3A_488 : memref<1x16x1024xf32, #tpu.memory_space<hbm>> -> memref<16x1024xf32, #tpu.memory_space<hbm>>
    tpu.enqueue_dma source(%arg13 : memref<16x1024xf32, #tpu.memory_space<vmem>>) target(%dma_start3A_489 : memref<16x1024xf32, #tpu.memory_space<hbm>>) target_semaphore(%arg23 : memref<!tpu.dma_semaphore, #tpu.memory_space<semaphore_mem>>)
    %dma_wait3A_490 = arith.constant 2 : i32
    %dma_wait3A_491 = arith.constant 32 : i32
    %dma_wait3A_492 = tpu.memref_slice %arg6[%dma_wait3A_490, %dma_wait3A_491] : memref<4x64xi32, #tpu.memory_space<vmem>> -> memref<1x16xi32, #tpu.memory_space<vmem>>
    %dma_wait3A_493 = tpu.memref_squeeze %dma_wait3A_492 : memref<1x16xi32, #tpu.memory_space<vmem>> -> memref<16xi32, #tpu.memory_space<vmem>>
    %dma_wait3A_494 = arith.constant 0 : i32
    %dma_wait3A_495 = arith.constant 0 : i32
    %dma_wait3A_496 = tpu.memref_slice %arg3[%dma_wait3A_494, %dma_wait3A_495] : memref<100000x1024xf32, #tpu.memory_space<hbm>> -> memref<100000x1024xf32, #tpu.memory_space<hbm>>
    tpu.wait_indirect_dma semaphore(%arg14 : memref<!tpu.dma_semaphore, #tpu.memory_space<semaphore_mem>>) src(%dma_wait3A_496 : memref<100000x1024xf32, #tpu.memory_space<hbm>>) dst(%arg9 : memref<16x1024xf32, #tpu.memory_space<vmem>>)
    %dma_wait3A_497 = arith.constant 0 : i32
    %dma_wait3A_498 = arith.constant 0 : i32
    %dma_wait3A_499 = tpu.memref_slice %arg5[%dma_wait3A_497, %add3A_449, %dma_wait3A_498] : memref<4x2048x1024xf32, #tpu.memory_space<hbm>> -> memref<1x16x1024xf32, #tpu.memory_space<hbm>>
    %dma_wait3A_500 = tpu.memref_squeeze %dma_wait3A_499 : memref<1x16x1024xf32, #tpu.memory_space<hbm>> -> memref<16x1024xf32, #tpu.memory_space<hbm>>
    %dma_wait3A_501 = arith.constant 0 : i32
    %dma_wait3A_502 = tpu.memref_slice %arg5[%dma_wait3A_497, %add3A_449, %dma_wait3A_501] : memref<4x2048x1024xf32, #tpu.memory_space<hbm>> -> memref<1x16x1024xf32, #tpu.memory_space<hbm>>
    %dma_wait3A_503 = tpu.memref_squeeze %dma_wait3A_502 : memref<1x16x1024xf32, #tpu.memory_space<hbm>> -> memref<16x1024xf32, #tpu.memory_space<hbm>>
    tpu.wait_dma2 semaphore(%arg22 : memref<!tpu.dma_semaphore, #tpu.memory_space<semaphore_mem>>) src(%arg12 : memref<16x1024xf32, #tpu.memory_space<vmem>>) dst(%dma_wait3A_503 : memref<16x1024xf32, #tpu.memory_space<hbm>>)
    %dma_start3A_504 = arith.constant 1 : i32
    %dma_start3A_505 = arith.constant 48 : i32
    %dma_start3A_506 = tpu.memref_slice %arg6[%dma_start3A_504, %dma_start3A_505] : memref<4x64xi32, #tpu.memory_space<vmem>> -> memref<1x16xi32, #tpu.memory_space<vmem>>
    %dma_start3A_507 = tpu.memref_squeeze %dma_start3A_506 : memref<1x16xi32, #tpu.memory_space<vmem>> -> memref<16xi32, #tpu.memory_space<vmem>>
    %dma_start3A_508 = arith.constant 0 : i32
    %dma_start3A_509 = arith.constant 0 : i32
    %dma_start3A_510 = tpu.memref_slice %arg3[%dma_start3A_508, %dma_start3A_509] : memref<100000x1024xf32, #tpu.memory_space<hbm>> -> memref<100000x1024xf32, #tpu.memory_space<hbm>>
    tpu.enqueue_indirect_dma source(%dma_start3A_510 : memref<100000x1024xf32, #tpu.memory_space<hbm>>) target(%arg12 : memref<16x1024xf32, #tpu.memory_space<vmem>>) offsets(%dma_start3A_507 : memref<16xi32, #tpu.memory_space<vmem>>) semaphore(%arg17 : memref<!tpu.dma_semaphore, #tpu.memory_space<semaphore_mem>>)
    %parallel_loop3A_511 = arith.constant 0 : i32
    %parallel_loop3A_512 = arith.constant 1024 : i32
    %parallel_loop3A_513 = arith.constant 1 : i32
    scf.for %parallel_loop3A_688 = %parallel_loop3A_511 to %parallel_loop3A_512 step %parallel_loop3A_513  : i32 {
      %parallel_loop3A_689 = arith.constant 6 : i32
      %parallel_loop3A_690 = arith.shrsi %parallel_loop3A_688, %parallel_loop3A_689 : i32
      %parallel_loop3A_691 = arith.constant 63 : i32
      %parallel_loop3A_692 = arith.andi %parallel_loop3A_688, %parallel_loop3A_691 : i32
      %parallel_loop3A_693 = arith.constant 16 : i32
      %parallel_loop3A_694 = arith.muli %parallel_loop3A_692, %parallel_loop3A_693 : i32
      %parallel_loop3A_695 = arith.index_cast %parallel_loop3A_690 : i32 to index
      %parallel_loop3A_696 = arith.index_cast %parallel_loop3A_694 : i32 to index
      %parallel_loop3A_697 = tpu.vector_load %arg7[%parallel_loop3A_695, %parallel_loop3A_696] {strides = array<i32>} : memref<16x1024xf32, #tpu.memory_space<vmem>>, vector<1x16xf32>,
      %parallel_loop3A_698 = vector.shape_cast %parallel_loop3A_697 : vector<1x16xf32> to vector<16xf32>
      %parallel_loop3A_699 = arith.index_cast %parallel_loop3A_690 : i32 to index
      %parallel_loop3A_700 = arith.index_cast %parallel_loop3A_694 : i32 to index
      %parallel_loop3A_701 = tpu.vector_load %arg9[%parallel_loop3A_699, %parallel_loop3A_700] {strides = array<i32>} : memref<16x1024xf32, #tpu.memory_space<vmem>>, vector<1x16xf32>,
      %parallel_loop3A_702 = vector.shape_cast %parallel_loop3A_701 : vector<1x16xf32> to vector<16xf32>
      %parallel_loop3A_703 = vector.shape_cast %parallel_loop3A_698 : vector<16xf32> to vector<1x16xf32>
      tpu.vector_store %arg9[%parallel_loop3A_699, %parallel_loop3A_700], %parallel_loop3A_703 {add = true, strides = array<i32>} : memref<16x1024xf32, #tpu.memory_space<vmem>>, vector<1x16xf32>,
    } {sc.loop_unroll_factor = 8 : i64, sc.parallel_access}
    %add3A_514 = arith.constant 32 : i32
    %add3A_515 = arith.addi %mul3A_2, %add3A_514 : i32
    %dma_start3A_516 = arith.constant 2 : i32
    %dma_start3A_517 = arith.constant 0 : i32
    %dma_start3A_518 = tpu.memref_slice %arg5[%dma_start3A_516, %add3A_515, %dma_start3A_517] : memref<4x2048x1024xf32, #tpu.memory_space<hbm>> -> memref<1x16x1024xf32, #tpu.memory_space<hbm>>
    %dma_start3A_519 = tpu.memref_squeeze %dma_start3A_518 : memref<1x16x1024xf32, #tpu.memory_space<hbm>> -> memref<16x1024xf32, #tpu.memory_space<hbm>>
    %dma_start3A_520 = arith.constant 0 : i32
    %dma_start3A_521 = tpu.memref_slice %arg5[%dma_start3A_516, %add3A_515, %dma_start3A_520] : memref<4x2048x1024xf32, #tpu.memory_space<hbm>> -> memref<1x16x1024xf32, #tpu.memory_space<hbm>>
    %dma_start3A_522 = tpu.memref_squeeze %dma_start3A_521 : memref<1x16x1024xf32, #tpu.memory_space<hbm>> -> memref<16x1024xf32, #tpu.memory_space<hbm>>
    tpu.enqueue_dma source(%arg9 : memref<16x1024xf32, #tpu.memory_space<vmem>>) target(%dma_start3A_522 : memref<16x1024xf32, #tpu.memory_space<hbm>>) target_semaphore(%arg19 : memref<!tpu.dma_semaphore, #tpu.memory_space<semaphore_mem>>)
    %dma_wait3A_523 = arith.constant 3 : i32
    %dma_wait3A_524 = arith.constant 32 : i32
    %dma_wait3A_525 = tpu.memref_slice %arg6[%dma_wait3A_523, %dma_wait3A_524] : memref<4x64xi32, #tpu.memory_space<vmem>> -> memref<1x16xi32, #tpu.memory_space<vmem>>
    %dma_wait3A_526 = tpu.memref_squeeze %dma_wait3A_525 : memref<1x16xi32, #tpu.memory_space<vmem>> -> memref<16xi32, #tpu.memory_space<vmem>>
    %dma_wait3A_527 = arith.constant 0 : i32
    %dma_wait3A_528 = arith.constant 0 : i32
    %dma_wait3A_529 = tpu.memref_slice %arg3[%dma_wait3A_527, %dma_wait3A_528] : memref<100000x1024xf32, #tpu.memory_space<hbm>> -> memref<100000x1024xf32, #tpu.memory_space<hbm>>
    tpu.wait_indirect_dma semaphore(%arg15 : memref<!tpu.dma_semaphore, #tpu.memory_space<semaphore_mem>>) src(%dma_wait3A_529 : memref<100000x1024xf32, #tpu.memory_space<hbm>>) dst(%arg10 : memref<16x1024xf32, #tpu.memory_space<vmem>>)
    %dma_wait3A_530 = arith.constant 1 : i32
    %dma_wait3A_531 = arith.constant 0 : i32
    %dma_wait3A_532 = tpu.memref_slice %arg5[%dma_wait3A_530, %add3A_482, %dma_wait3A_531] : memref<4x2048x1024xf32, #tpu.memory_space<hbm>> -> memref<1x16x1024xf32, #tpu.memory_space<hbm>>
    %dma_wait3A_533 = tpu.memref_squeeze %dma_wait3A_532 : memref<1x16x1024xf32, #tpu.memory_space<hbm>> -> memref<16x1024xf32, #tpu.memory_space<hbm>>
    %dma_wait3A_534 = arith.constant 0 : i32
    %dma_wait3A_535 = tpu.memref_slice %arg5[%dma_wait3A_530, %add3A_482, %dma_wait3A_534] : memref<4x2048x1024xf32, #tpu.memory_space<hbm>> -> memref<1x16x1024xf32, #tpu.memory_space<hbm>>
    %dma_wait3A_536 = tpu.memref_squeeze %dma_wait3A_535 : memref<1x16x1024xf32, #tpu.memory_space<hbm>> -> memref<16x1024xf32, #tpu.memory_space<hbm>>
    tpu.wait_dma2 semaphore(%arg23 : memref<!tpu.dma_semaphore, #tpu.memory_space<semaphore_mem>>) src(%arg13 : memref<16x1024xf32, #tpu.memory_space<vmem>>) dst(%dma_wait3A_536 : memref<16x1024xf32, #tpu.memory_space<hbm>>)
    %dma_start3A_537 = arith.constant 2 : i32
    %dma_start3A_538 = arith.constant 48 : i32
    %dma_start3A_539 = tpu.memref_slice %arg6[%dma_start3A_537, %dma_start3A_538] : memref<4x64xi32, #tpu.memory_space<vmem>> -> memref<1x16xi32, #tpu.memory_space<vmem>>
    %dma_start3A_540 = tpu.memref_squeeze %dma_start3A_539 : memref<1x16xi32, #tpu.memory_space<vmem>> -> memref<16xi32, #tpu.memory_space<vmem>>
    %dma_start3A_541 = arith.constant 0 : i32
    %dma_start3A_542 = arith.constant 0 : i32
    %dma_start3A_543 = tpu.memref_slice %arg3[%dma_start3A_541, %dma_start3A_542] : memref<100000x1024xf32, #tpu.memory_space<hbm>> -> memref<100000x1024xf32, #tpu.memory_space<hbm>>
    tpu.enqueue_indirect_dma source(%dma_start3A_543 : memref<100000x1024xf32, #tpu.memory_space<hbm>>) target(%arg13 : memref<16x1024xf32, #tpu.memory_space<vmem>>) offsets(%dma_start3A_540 : memref<16xi32, #tpu.memory_space<vmem>>) semaphore(%arg18 : memref<!tpu.dma_semaphore, #tpu.memory_space<semaphore_mem>>)
    %parallel_loop3A_544 = arith.constant 0 : i32
    %parallel_loop3A_545 = arith.constant 1024 : i32
    %parallel_loop3A_546 = arith.constant 1 : i32
    scf.for %parallel_loop3A_688 = %parallel_loop3A_544 to %parallel_loop3A_545 step %parallel_loop3A_546  : i32 {
      %parallel_loop3A_689 = arith.constant 6 : i32
      %parallel_loop3A_690 = arith.shrsi %parallel_loop3A_688, %parallel_loop3A_689 : i32
      %parallel_loop3A_691 = arith.constant 63 : i32
      %parallel_loop3A_692 = arith.andi %parallel_loop3A_688, %parallel_loop3A_691 : i32
      %parallel_loop3A_693 = arith.constant 16 : i32
      %parallel_loop3A_694 = arith.muli %parallel_loop3A_692, %parallel_loop3A_693 : i32
      %parallel_loop3A_695 = arith.index_cast %parallel_loop3A_690 : i32 to index
      %parallel_loop3A_696 = arith.index_cast %parallel_loop3A_694 : i32 to index
      %parallel_loop3A_697 = tpu.vector_load %arg7[%parallel_loop3A_695, %parallel_loop3A_696] {strides = array<i32>} : memref<16x1024xf32, #tpu.memory_space<vmem>>, vector<1x16xf32>,
      %parallel_loop3A_698 = vector.shape_cast %parallel_loop3A_697 : vector<1x16xf32> to vector<16xf32>
      %parallel_loop3A_699 = arith.index_cast %parallel_loop3A_690 : i32 to index
      %parallel_loop3A_700 = arith.index_cast %parallel_loop3A_694 : i32 to index
      %parallel_loop3A_701 = tpu.vector_load %arg10[%parallel_loop3A_699, %parallel_loop3A_700] {strides = array<i32>} : memref<16x1024xf32, #tpu.memory_space<vmem>>, vector<1x16xf32>,
      %parallel_loop3A_702 = vector.shape_cast %parallel_loop3A_701 : vector<1x16xf32> to vector<16xf32>
      %parallel_loop3A_703 = vector.shape_cast %parallel_loop3A_698 : vector<16xf32> to vector<1x16xf32>
      tpu.vector_store %arg10[%parallel_loop3A_699, %parallel_loop3A_700], %parallel_loop3A_703 {add = true, strides = array<i32>} : memref<16x1024xf32, #tpu.memory_space<vmem>>, vector<1x16xf32>,
    } {sc.loop_unroll_factor = 8 : i64, sc.parallel_access}
    %add3A_547 = arith.constant 32 : i32
    %add3A_548 = arith.addi %mul3A_2, %add3A_547 : i32
    %dma_start3A_549 = arith.constant 3 : i32
    %dma_start3A_550 = arith.constant 0 : i32
    %dma_start3A_551 = tpu.memref_slice %arg5[%dma_start3A_549, %add3A_548, %dma_start3A_550] : memref<4x2048x1024xf32, #tpu.memory_space<hbm>> -> memref<1x16x1024xf32, #tpu.memory_space<hbm>>
    %dma_start3A_552 = tpu.memref_squeeze %dma_start3A_551 : memref<1x16x1024xf32, #tpu.memory_space<hbm>> -> memref<16x1024xf32, #tpu.memory_space<hbm>>
    %dma_start3A_553 = arith.constant 0 : i32
    %dma_start3A_554 = tpu.memref_slice %arg5[%dma_start3A_549, %add3A_548, %dma_start3A_553] : memref<4x2048x1024xf32, #tpu.memory_space<hbm>> -> memref<1x16x1024xf32, #tpu.memory_space<hbm>>
    %dma_start3A_555 = tpu.memref_squeeze %dma_start3A_554 : memref<1x16x1024xf32, #tpu.memory_space<hbm>> -> memref<16x1024xf32, #tpu.memory_space<hbm>>
    tpu.enqueue_dma source(%arg10 : memref<16x1024xf32, #tpu.memory_space<vmem>>) target(%dma_start3A_555 : memref<16x1024xf32, #tpu.memory_space<hbm>>) target_semaphore(%arg20 : memref<!tpu.dma_semaphore, #tpu.memory_space<semaphore_mem>>)
    %dma_wait3A_556 = arith.constant 0 : i32
    %dma_wait3A_557 = arith.constant 48 : i32
    %dma_wait3A_558 = tpu.memref_slice %arg6[%dma_wait3A_556, %dma_wait3A_557] : memref<4x64xi32, #tpu.memory_space<vmem>> -> memref<1x16xi32, #tpu.memory_space<vmem>>
    %dma_wait3A_559 = tpu.memref_squeeze %dma_wait3A_558 : memref<1x16xi32, #tpu.memory_space<vmem>> -> memref<16xi32, #tpu.memory_space<vmem>>
    %dma_wait3A_560 = arith.constant 0 : i32
    %dma_wait3A_561 = arith.constant 0 : i32
    %dma_wait3A_562 = tpu.memref_slice %arg3[%dma_wait3A_560, %dma_wait3A_561] : memref<100000x1024xf32, #tpu.memory_space<hbm>> -> memref<100000x1024xf32, #tpu.memory_space<hbm>>
    tpu.wait_indirect_dma semaphore(%arg16 : memref<!tpu.dma_semaphore, #tpu.memory_space<semaphore_mem>>) src(%dma_wait3A_562 : memref<100000x1024xf32, #tpu.memory_space<hbm>>) dst(%arg11 : memref<16x1024xf32, #tpu.memory_space<vmem>>)
    %dma_wait3A_563 = arith.constant 0 : i32
    %dma_wait3A_564 = arith.constant 0 : i32
    %dma_wait3A_565 = tpu.memref_slice %arg4[%dma_wait3A_563, %add3A_409, %dma_wait3A_564] : memref<1x2048x1024xf32, #tpu.memory_space<hbm>> -> memref<1x16x1024xf32, #tpu.memory_space<hbm>>
    %dma_wait3A_566 = tpu.memref_squeeze %dma_wait3A_565 : memref<1x16x1024xf32, #tpu.memory_space<hbm>> -> memref<16x1024xf32, #tpu.memory_space<hbm>>
    %dma_wait3A_567 = arith.constant 0 : i32
    %dma_wait3A_568 = tpu.memref_slice %arg4[%dma_wait3A_563, %add3A_409, %dma_wait3A_567] : memref<1x2048x1024xf32, #tpu.memory_space<hbm>> -> memref<1x16x1024xf32, #tpu.memory_space<hbm>>
    %dma_wait3A_569 = tpu.memref_squeeze %dma_wait3A_568 : memref<1x16x1024xf32, #tpu.memory_space<hbm>> -> memref<16x1024xf32, #tpu.memory_space<hbm>>
    tpu.wait_dma2 semaphore(%arg26 : memref<!tpu.dma_semaphore, #tpu.memory_space<semaphore_mem>>) src(%dma_wait3A_569 : memref<16x1024xf32, #tpu.memory_space<hbm>>) dst(%arg8 : memref<16x1024xf32, #tpu.memory_space<vmem>>)
    %dma_wait3A_570 = arith.constant 2 : i32
    %dma_wait3A_571 = arith.constant 0 : i32
    %dma_wait3A_572 = tpu.memref_slice %arg5[%dma_wait3A_570, %add3A_515, %dma_wait3A_571] : memref<4x2048x1024xf32, #tpu.memory_space<hbm>> -> memref<1x16x1024xf32, #tpu.memory_space<hbm>>
    %dma_wait3A_573 = tpu.memref_squeeze %dma_wait3A_572 : memref<1x16x1024xf32, #tpu.memory_space<hbm>> -> memref<16x1024xf32, #tpu.memory_space<hbm>>
    %dma_wait3A_574 = arith.constant 0 : i32
    %dma_wait3A_575 = tpu.memref_slice %arg5[%dma_wait3A_570, %add3A_515, %dma_wait3A_574] : memref<4x2048x1024xf32, #tpu.memory_space<hbm>> -> memref<1x16x1024xf32, #tpu.memory_space<hbm>>
    %dma_wait3A_576 = tpu.memref_squeeze %dma_wait3A_575 : memref<1x16x1024xf32, #tpu.memory_space<hbm>> -> memref<16x1024xf32, #tpu.memory_space<hbm>>
    tpu.wait_dma2 semaphore(%arg19 : memref<!tpu.dma_semaphore, #tpu.memory_space<semaphore_mem>>) src(%arg9 : memref<16x1024xf32, #tpu.memory_space<vmem>>) dst(%dma_wait3A_576 : memref<16x1024xf32, #tpu.memory_space<hbm>>)
    %dma_start3A_577 = arith.constant 3 : i32
    %dma_start3A_578 = arith.constant 48 : i32
    %dma_start3A_579 = tpu.memref_slice %arg6[%dma_start3A_577, %dma_start3A_578] : memref<4x64xi32, #tpu.memory_space<vmem>> -> memref<1x16xi32, #tpu.memory_space<vmem>>
    %dma_start3A_580 = tpu.memref_squeeze %dma_start3A_579 : memref<1x16xi32, #tpu.memory_space<vmem>> -> memref<16xi32, #tpu.memory_space<vmem>>
    %dma_start3A_581 = arith.constant 0 : i32
    %dma_start3A_582 = arith.constant 0 : i32
    %dma_start3A_583 = tpu.memref_slice %arg3[%dma_start3A_581, %dma_start3A_582] : memref<100000x1024xf32, #tpu.memory_space<hbm>> -> memref<100000x1024xf32, #tpu.memory_space<hbm>>
    tpu.enqueue_indirect_dma source(%dma_start3A_583 : memref<100000x1024xf32, #tpu.memory_space<hbm>>) target(%arg9 : memref<16x1024xf32, #tpu.memory_space<vmem>>) offsets(%dma_start3A_580 : memref<16xi32, #tpu.memory_space<vmem>>) semaphore(%arg14 : memref<!tpu.dma_semaphore, #tpu.memory_space<semaphore_mem>>)
    %parallel_loop3A_584 = arith.constant 0 : i32
    %parallel_loop3A_585 = arith.constant 1024 : i32
    %parallel_loop3A_586 = arith.constant 1 : i32
    scf.for %parallel_loop3A_688 = %parallel_loop3A_584 to %parallel_loop3A_585 step %parallel_loop3A_586  : i32 {
      %parallel_loop3A_689 = arith.constant 6 : i32
      %parallel_loop3A_690 = arith.shrsi %parallel_loop3A_688, %parallel_loop3A_689 : i32
      %parallel_loop3A_691 = arith.constant 63 : i32
      %parallel_loop3A_692 = arith.andi %parallel_loop3A_688, %parallel_loop3A_691 : i32
      %parallel_loop3A_693 = arith.constant 16 : i32
      %parallel_loop3A_694 = arith.muli %parallel_loop3A_692, %parallel_loop3A_693 : i32
      %parallel_loop3A_695 = arith.index_cast %parallel_loop3A_690 : i32 to index
      %parallel_loop3A_696 = arith.index_cast %parallel_loop3A_694 : i32 to index
      %parallel_loop3A_697 = tpu.vector_load %arg8[%parallel_loop3A_695, %parallel_loop3A_696] {strides = array<i32>} : memref<16x1024xf32, #tpu.memory_space<vmem>>, vector<1x16xf32>,
      %parallel_loop3A_698 = vector.shape_cast %parallel_loop3A_697 : vector<1x16xf32> to vector<16xf32>
      %parallel_loop3A_699 = arith.index_cast %parallel_loop3A_690 : i32 to index
      %parallel_loop3A_700 = arith.index_cast %parallel_loop3A_694 : i32 to index
      %parallel_loop3A_701 = tpu.vector_load %arg11[%parallel_loop3A_699, %parallel_loop3A_700] {strides = array<i32>} : memref<16x1024xf32, #tpu.memory_space<vmem>>, vector<1x16xf32>,
      %parallel_loop3A_702 = vector.shape_cast %parallel_loop3A_701 : vector<1x16xf32> to vector<16xf32>
      %parallel_loop3A_703 = vector.shape_cast %parallel_loop3A_698 : vector<16xf32> to vector<1x16xf32>
      tpu.vector_store %arg11[%parallel_loop3A_699, %parallel_loop3A_700], %parallel_loop3A_703 {add = true, strides = array<i32>} : memref<16x1024xf32, #tpu.memory_space<vmem>>, vector<1x16xf32>,
    } {sc.loop_unroll_factor = 8 : i64, sc.parallel_access}
    %add3A_587 = arith.constant 48 : i32
    %add3A_588 = arith.addi %mul3A_2, %add3A_587 : i32
    %dma_start3A_589 = arith.constant 0 : i32
    %dma_start3A_590 = arith.constant 0 : i32
    %dma_start3A_591 = tpu.memref_slice %arg5[%dma_start3A_589, %add3A_588, %dma_start3A_590] : memref<4x2048x1024xf32, #tpu.memory_space<hbm>> -> memref<1x16x1024xf32, #tpu.memory_space<hbm>>
    %dma_start3A_592 = tpu.memref_squeeze %dma_start3A_591 : memref<1x16x1024xf32, #tpu.memory_space<hbm>> -> memref<16x1024xf32, #tpu.memory_space<hbm>>
    %dma_start3A_593 = arith.constant 0 : i32
    %dma_start3A_594 = tpu.memref_slice %arg5[%dma_start3A_589, %add3A_588, %dma_start3A_593] : memref<4x2048x1024xf32, #tpu.memory_space<hbm>> -> memref<1x16x1024xf32, #tpu.memory_space<hbm>>
    %dma_start3A_595 = tpu.memref_squeeze %dma_start3A_594 : memref<1x16x1024xf32, #tpu.memory_space<hbm>> -> memref<16x1024xf32, #tpu.memory_space<hbm>>
    tpu.enqueue_dma source(%arg11 : memref<16x1024xf32, #tpu.memory_space<vmem>>) target(%dma_start3A_595 : memref<16x1024xf32, #tpu.memory_space<hbm>>) target_semaphore(%arg21 : memref<!tpu.dma_semaphore, #tpu.memory_space<semaphore_mem>>)
    %dma_wait3A_596 = arith.constant 1 : i32
    %dma_wait3A_597 = arith.constant 48 : i32
    %dma_wait3A_598 = tpu.memref_slice %arg6[%dma_wait3A_596, %dma_wait3A_597] : memref<4x64xi32, #tpu.memory_space<vmem>> -> memref<1x16xi32, #tpu.memory_space<vmem>>
    %dma_wait3A_599 = tpu.memref_squeeze %dma_wait3A_598 : memref<1x16xi32, #tpu.memory_space<vmem>> -> memref<16xi32, #tpu.memory_space<vmem>>
    %dma_wait3A_600 = arith.constant 0 : i32
    %dma_wait3A_601 = arith.constant 0 : i32
    %dma_wait3A_602 = tpu.memref_slice %arg3[%dma_wait3A_600, %dma_wait3A_601] : memref<100000x1024xf32, #tpu.memory_space<hbm>> -> memref<100000x1024xf32, #tpu.memory_space<hbm>>
    tpu.wait_indirect_dma semaphore(%arg17 : memref<!tpu.dma_semaphore, #tpu.memory_space<semaphore_mem>>) src(%dma_wait3A_602 : memref<100000x1024xf32, #tpu.memory_space<hbm>>) dst(%arg12 : memref<16x1024xf32, #tpu.memory_space<vmem>>)
    %parallel_loop3A_603 = arith.constant 0 : i32
    %parallel_loop3A_604 = arith.constant 1024 : i32
    %parallel_loop3A_605 = arith.constant 1 : i32
    scf.for %parallel_loop3A_688 = %parallel_loop3A_603 to %parallel_loop3A_604 step %parallel_loop3A_605  : i32 {
      %parallel_loop3A_689 = arith.constant 6 : i32
      %parallel_loop3A_690 = arith.shrsi %parallel_loop3A_688, %parallel_loop3A_689 : i32
      %parallel_loop3A_691 = arith.constant 63 : i32
      %parallel_loop3A_692 = arith.andi %parallel_loop3A_688, %parallel_loop3A_691 : i32
      %parallel_loop3A_693 = arith.constant 16 : i32
      %parallel_loop3A_694 = arith.muli %parallel_loop3A_692, %parallel_loop3A_693 : i32
      %parallel_loop3A_695 = arith.index_cast %parallel_loop3A_690 : i32 to index
      %parallel_loop3A_696 = arith.index_cast %parallel_loop3A_694 : i32 to index
      %parallel_loop3A_697 = tpu.vector_load %arg8[%parallel_loop3A_695, %parallel_loop3A_696] {strides = array<i32>} : memref<16x1024xf32, #tpu.memory_space<vmem>>, vector<1x16xf32>,
      %parallel_loop3A_698 = vector.shape_cast %parallel_loop3A_697 : vector<1x16xf32> to vector<16xf32>
      %parallel_loop3A_699 = arith.index_cast %parallel_loop3A_690 : i32 to index
      %parallel_loop3A_700 = arith.index_cast %parallel_loop3A_694 : i32 to index
      %parallel_loop3A_701 = tpu.vector_load %arg12[%parallel_loop3A_699, %parallel_loop3A_700] {strides = array<i32>} : memref<16x1024xf32, #tpu.memory_space<vmem>>, vector<1x16xf32>,
      %parallel_loop3A_702 = vector.shape_cast %parallel_loop3A_701 : vector<1x16xf32> to vector<16xf32>
      %parallel_loop3A_703 = vector.shape_cast %parallel_loop3A_698 : vector<16xf32> to vector<1x16xf32>
      tpu.vector_store %arg12[%parallel_loop3A_699, %parallel_loop3A_700], %parallel_loop3A_703 {add = true, strides = array<i32>} : memref<16x1024xf32, #tpu.memory_space<vmem>>, vector<1x16xf32>,
    } {sc.loop_unroll_factor = 8 : i64, sc.parallel_access}
    %add3A_606 = arith.constant 48 : i32
    %add3A_607 = arith.addi %mul3A_2, %add3A_606 : i32
    %dma_start3A_608 = arith.constant 1 : i32
    %dma_start3A_609 = arith.constant 0 : i32
    %dma_start3A_610 = tpu.memref_slice %arg5[%dma_start3A_608, %add3A_607, %dma_start3A_609] : memref<4x2048x1024xf32, #tpu.memory_space<hbm>> -> memref<1x16x1024xf32, #tpu.memory_space<hbm>>
    %dma_start3A_611 = tpu.memref_squeeze %dma_start3A_610 : memref<1x16x1024xf32, #tpu.memory_space<hbm>> -> memref<16x1024xf32, #tpu.memory_space<hbm>>
    %dma_start3A_612 = arith.constant 0 : i32
    %dma_start3A_613 = tpu.memref_slice %arg5[%dma_start3A_608, %add3A_607, %dma_start3A_612] : memref<4x2048x1024xf32, #tpu.memory_space<hbm>> -> memref<1x16x1024xf32, #tpu.memory_space<hbm>>
    %dma_start3A_614 = tpu.memref_squeeze %dma_start3A_613 : memref<1x16x1024xf32, #tpu.memory_space<hbm>> -> memref<16x1024xf32, #tpu.memory_space<hbm>>
    tpu.enqueue_dma source(%arg12 : memref<16x1024xf32, #tpu.memory_space<vmem>>) target(%dma_start3A_614 : memref<16x1024xf32, #tpu.memory_space<hbm>>) target_semaphore(%arg22 : memref<!tpu.dma_semaphore, #tpu.memory_space<semaphore_mem>>)
    %dma_wait3A_615 = arith.constant 2 : i32
    %dma_wait3A_616 = arith.constant 48 : i32
    %dma_wait3A_617 = tpu.memref_slice %arg6[%dma_wait3A_615, %dma_wait3A_616] : memref<4x64xi32, #tpu.memory_space<vmem>> -> memref<1x16xi32, #tpu.memory_space<vmem>>
    %dma_wait3A_618 = tpu.memref_squeeze %dma_wait3A_617 : memref<1x16xi32, #tpu.memory_space<vmem>> -> memref<16xi32, #tpu.memory_space<vmem>>
    %dma_wait3A_619 = arith.constant 0 : i32
    %dma_wait3A_620 = arith.constant 0 : i32
    %dma_wait3A_621 = tpu.memref_slice %arg3[%dma_wait3A_619, %dma_wait3A_620] : memref<100000x1024xf32, #tpu.memory_space<hbm>> -> memref<100000x1024xf32, #tpu.memory_space<hbm>>
    tpu.wait_indirect_dma semaphore(%arg18 : memref<!tpu.dma_semaphore, #tpu.memory_space<semaphore_mem>>) src(%dma_wait3A_621 : memref<100000x1024xf32, #tpu.memory_space<hbm>>) dst(%arg13 : memref<16x1024xf32, #tpu.memory_space<vmem>>)
    %parallel_loop3A_622 = arith.constant 0 : i32
    %parallel_loop3A_623 = arith.constant 1024 : i32
    %parallel_loop3A_624 = arith.constant 1 : i32
    scf.for %parallel_loop3A_688 = %parallel_loop3A_622 to %parallel_loop3A_623 step %parallel_loop3A_624  : i32 {
      %parallel_loop3A_689 = arith.constant 6 : i32
      %parallel_loop3A_690 = arith.shrsi %parallel_loop3A_688, %parallel_loop3A_689 : i32
      %parallel_loop3A_691 = arith.constant 63 : i32
      %parallel_loop3A_692 = arith.andi %parallel_loop3A_688, %parallel_loop3A_691 : i32
      %parallel_loop3A_693 = arith.constant 16 : i32
      %parallel_loop3A_694 = arith.muli %parallel_loop3A_692, %parallel_loop3A_693 : i32
      %parallel_loop3A_695 = arith.index_cast %parallel_loop3A_690 : i32 to index
      %parallel_loop3A_696 = arith.index_cast %parallel_loop3A_694 : i32 to index
      %parallel_loop3A_697 = tpu.vector_load %arg8[%parallel_loop3A_695, %parallel_loop3A_696] {strides = array<i32>} : memref<16x1024xf32, #tpu.memory_space<vmem>>, vector<1x16xf32>,
      %parallel_loop3A_698 = vector.shape_cast %parallel_loop3A_697 : vector<1x16xf32> to vector<16xf32>
      %parallel_loop3A_699 = arith.index_cast %parallel_loop3A_690 : i32 to index
      %parallel_loop3A_700 = arith.index_cast %parallel_loop3A_694 : i32 to index
      %parallel_loop3A_701 = tpu.vector_load %arg13[%parallel_loop3A_699, %parallel_loop3A_700] {strides = array<i32>} : memref<16x1024xf32, #tpu.memory_space<vmem>>, vector<1x16xf32>,
      %parallel_loop3A_702 = vector.shape_cast %parallel_loop3A_701 : vector<1x16xf32> to vector<16xf32>
      %parallel_loop3A_703 = vector.shape_cast %parallel_loop3A_698 : vector<16xf32> to vector<1x16xf32>
      tpu.vector_store %arg13[%parallel_loop3A_699, %parallel_loop3A_700], %parallel_loop3A_703 {add = true, strides = array<i32>} : memref<16x1024xf32, #tpu.memory_space<vmem>>, vector<1x16xf32>,
    } {sc.loop_unroll_factor = 8 : i64, sc.parallel_access}
    %add3A_625 = arith.constant 48 : i32
    %add3A_626 = arith.addi %mul3A_2, %add3A_625 : i32
    %dma_start3A_627 = arith.constant 2 : i32
    %dma_start3A_628 = arith.constant 0 : i32
    %dma_start3A_629 = tpu.memref_slice %arg5[%dma_start3A_627, %add3A_626, %dma_start3A_628] : memref<4x2048x1024xf32, #tpu.memory_space<hbm>> -> memref<1x16x1024xf32, #tpu.memory_space<hbm>>
    %dma_start3A_630 = tpu.memref_squeeze %dma_start3A_629 : memref<1x16x1024xf32, #tpu.memory_space<hbm>> -> memref<16x1024xf32, #tpu.memory_space<hbm>>
    %dma_start3A_631 = arith.constant 0 : i32
    %dma_start3A_632 = tpu.memref_slice %arg5[%dma_start3A_627, %add3A_626, %dma_start3A_631] : memref<4x2048x1024xf32, #tpu.memory_space<hbm>> -> memref<1x16x1024xf32, #tpu.memory_space<hbm>>
    %dma_start3A_633 = tpu.memref_squeeze %dma_start3A_632 : memref<1x16x1024xf32, #tpu.memory_space<hbm>> -> memref<16x1024xf32, #tpu.memory_space<hbm>>
    tpu.enqueue_dma source(%arg13 : memref<16x1024xf32, #tpu.memory_space<vmem>>) target(%dma_start3A_633 : memref<16x1024xf32, #tpu.memory_space<hbm>>) target_semaphore(%arg23 : memref<!tpu.dma_semaphore, #tpu.memory_space<semaphore_mem>>)
    %dma_wait3A_634 = arith.constant 3 : i32
    %dma_wait3A_635 = arith.constant 48 : i32
    %dma_wait3A_636 = tpu.memref_slice %arg6[%dma_wait3A_634, %dma_wait3A_635] : memref<4x64xi32, #tpu.memory_space<vmem>> -> memref<1x16xi32, #tpu.memory_space<vmem>>
    %dma_wait3A_637 = tpu.memref_squeeze %dma_wait3A_636 : memref<1x16xi32, #tpu.memory_space<vmem>> -> memref<16xi32, #tpu.memory_space<vmem>>
    %dma_wait3A_638 = arith.constant 0 : i32
    %dma_wait3A_639 = arith.constant 0 : i32
    %dma_wait3A_640 = tpu.memref_slice %arg3[%dma_wait3A_638, %dma_wait3A_639] : memref<100000x1024xf32, #tpu.memory_space<hbm>> -> memref<100000x1024xf32, #tpu.memory_space<hbm>>
    tpu.wait_indirect_dma semaphore(%arg14 : memref<!tpu.dma_semaphore, #tpu.memory_space<semaphore_mem>>) src(%dma_wait3A_640 : memref<100000x1024xf32, #tpu.memory_space<hbm>>) dst(%arg9 : memref<16x1024xf32, #tpu.memory_space<vmem>>)
    %parallel_loop3A_641 = arith.constant 0 : i32
    %parallel_loop3A_642 = arith.constant 1024 : i32
    %parallel_loop3A_643 = arith.constant 1 : i32
    scf.for %parallel_loop3A_688 = %parallel_loop3A_641 to %parallel_loop3A_642 step %parallel_loop3A_643  : i32 {
      %parallel_loop3A_689 = arith.constant 6 : i32
      %parallel_loop3A_690 = arith.shrsi %parallel_loop3A_688, %parallel_loop3A_689 : i32
      %parallel_loop3A_691 = arith.constant 63 : i32
      %parallel_loop3A_692 = arith.andi %parallel_loop3A_688, %parallel_loop3A_691 : i32
      %parallel_loop3A_693 = arith.constant 16 : i32
      %parallel_loop3A_694 = arith.muli %parallel_loop3A_692, %parallel_loop3A_693 : i32
      %parallel_loop3A_695 = arith.index_cast %parallel_loop3A_690 : i32 to index
      %parallel_loop3A_696 = arith.index_cast %parallel_loop3A_694 : i32 to index
      %parallel_loop3A_697 = tpu.vector_load %arg8[%parallel_loop3A_695, %parallel_loop3A_696] {strides = array<i32>} : memref<16x1024xf32, #tpu.memory_space<vmem>>, vector<1x16xf32>,
      %parallel_loop3A_698 = vector.shape_cast %parallel_loop3A_697 : vector<1x16xf32> to vector<16xf32>
      %parallel_loop3A_699 = arith.index_cast %parallel_loop3A_690 : i32 to index
      %parallel_loop3A_700 = arith.index_cast %parallel_loop3A_694 : i32 to index
      %parallel_loop3A_701 = tpu.vector_load %arg9[%parallel_loop3A_699, %parallel_loop3A_700] {strides = array<i32>} : memref<16x1024xf32, #tpu.memory_space<vmem>>, vector<1x16xf32>,
      %parallel_loop3A_702 = vector.shape_cast %parallel_loop3A_701 : vector<1x16xf32> to vector<16xf32>
      %parallel_loop3A_703 = vector.shape_cast %parallel_loop3A_698 : vector<16xf32> to vector<1x16xf32>
      tpu.vector_store %arg9[%parallel_loop3A_699, %parallel_loop3A_700], %parallel_loop3A_703 {add = true, strides = array<i32>} : memref<16x1024xf32, #tpu.memory_space<vmem>>, vector<1x16xf32>,
    } {sc.loop_unroll_factor = 8 : i64, sc.parallel_access}
    %add3A_644 = arith.constant 48 : i32
    %add3A_645 = arith.addi %mul3A_2, %add3A_644 : i32
    %dma_start3A_646 = arith.constant 3 : i32
    %dma_start3A_647 = arith.constant 0 : i32
    %dma_start3A_648 = tpu.memref_slice %arg5[%dma_start3A_646, %add3A_645, %dma_start3A_647] : memref<4x2048x1024xf32, #tpu.memory_space<hbm>> -> memref<1x16x1024xf32, #tpu.memory_space<hbm>>
    %dma_start3A_649 = tpu.memref_squeeze %dma_start3A_648 : memref<1x16x1024xf32, #tpu.memory_space<hbm>> -> memref<16x1024xf32, #tpu.memory_space<hbm>>
    %dma_start3A_650 = arith.constant 0 : i32
    %dma_start3A_651 = tpu.memref_slice %arg5[%dma_start3A_646, %add3A_645, %dma_start3A_650] : memref<4x2048x1024xf32, #tpu.memory_space<hbm>> -> memref<1x16x1024xf32, #tpu.memory_space<hbm>>
    %dma_start3A_652 = tpu.memref_squeeze %dma_start3A_651 : memref<1x16x1024xf32, #tpu.memory_space<hbm>> -> memref<16x1024xf32, #tpu.memory_space<hbm>>
    tpu.enqueue_dma source(%arg9 : memref<16x1024xf32, #tpu.memory_space<vmem>>) target(%dma_start3A_652 : memref<16x1024xf32, #tpu.memory_space<hbm>>) target_semaphore(%arg19 : memref<!tpu.dma_semaphore, #tpu.memory_space<semaphore_mem>>)
    %dma_wait3A_653 = arith.constant 3 : i32
    %dma_wait3A_654 = arith.constant 0 : i32
    %dma_wait3A_655 = tpu.memref_slice %arg5[%dma_wait3A_653, %add3A_548, %dma_wait3A_654] : memref<4x2048x1024xf32, #tpu.memory_space<hbm>> -> memref<1x16x1024xf32, #tpu.memory_space<hbm>>
    %dma_wait3A_656 = tpu.memref_squeeze %dma_wait3A_655 : memref<1x16x1024xf32, #tpu.memory_space<hbm>> -> memref<16x1024xf32, #tpu.memory_space<hbm>>
    %dma_wait3A_657 = arith.constant 0 : i32
    %dma_wait3A_658 = tpu.memref_slice %arg5[%dma_wait3A_653, %add3A_548, %dma_wait3A_657] : memref<4x2048x1024xf32, #tpu.memory_space<hbm>> -> memref<1x16x1024xf32, #tpu.memory_space<hbm>>
    %dma_wait3A_659 = tpu.memref_squeeze %dma_wait3A_658 : memref<1x16x1024xf32, #tpu.memory_space<hbm>> -> memref<16x1024xf32, #tpu.memory_space<hbm>>
    tpu.wait_dma2 semaphore(%arg20 : memref<!tpu.dma_semaphore, #tpu.memory_space<semaphore_mem>>) src(%arg10 : memref<16x1024xf32, #tpu.memory_space<vmem>>) dst(%dma_wait3A_659 : memref<16x1024xf32, #tpu.memory_space<hbm>>)
    %dma_wait3A_660 = arith.constant 0 : i32
    %dma_wait3A_661 = arith.constant 0 : i32
    %dma_wait3A_662 = tpu.memref_slice %arg5[%dma_wait3A_660, %add3A_588, %dma_wait3A_661] : memref<4x2048x1024xf32, #tpu.memory_space<hbm>> -> memref<1x16x1024xf32, #tpu.memory_space<hbm>>
    %dma_wait3A_663 = tpu.memref_squeeze %dma_wait3A_662 : memref<1x16x1024xf32, #tpu.memory_space<hbm>> -> memref<16x1024xf32, #tpu.memory_space<hbm>>
    %dma_wait3A_664 = arith.constant 0 : i32
    %dma_wait3A_665 = tpu.memref_slice %arg5[%dma_wait3A_660, %add3A_588, %dma_wait3A_664] : memref<4x2048x1024xf32, #tpu.memory_space<hbm>> -> memref<1x16x1024xf32, #tpu.memory_space<hbm>>
    %dma_wait3A_666 = tpu.memref_squeeze %dma_wait3A_665 : memref<1x16x1024xf32, #tpu.memory_space<hbm>> -> memref<16x1024xf32, #tpu.memory_space<hbm>>
    tpu.wait_dma2 semaphore(%arg21 : memref<!tpu.dma_semaphore, #tpu.memory_space<semaphore_mem>>) src(%arg11 : memref<16x1024xf32, #tpu.memory_space<vmem>>) dst(%dma_wait3A_666 : memref<16x1024xf32, #tpu.memory_space<hbm>>)
    %dma_wait3A_667 = arith.constant 1 : i32
    %dma_wait3A_668 = arith.constant 0 : i32
    %dma_wait3A_669 = tpu.memref_slice %arg5[%dma_wait3A_667, %add3A_607, %dma_wait3A_668] : memref<4x2048x1024xf32, #tpu.memory_space<hbm>> -> memref<1x16x1024xf32, #tpu.memory_space<hbm>>
    %dma_wait3A_670 = tpu.memref_squeeze %dma_wait3A_669 : memref<1x16x1024xf32, #tpu.memory_space<hbm>> -> memref<16x1024xf32, #tpu.memory_space<hbm>>
    %dma_wait3A_671 = arith.constant 0 : i32
    %dma_wait3A_672 = tpu.memref_slice %arg5[%dma_wait3A_667, %add3A_607, %dma_wait3A_671] : memref<4x2048x1024xf32, #tpu.memory_space<hbm>> -> memref<1x16x1024xf32, #tpu.memory_space<hbm>>
    %dma_wait3A_673 = tpu.memref_squeeze %dma_wait3A_672 : memref<1x16x1024xf32, #tpu.memory_space<hbm>> -> memref<16x1024xf32, #tpu.memory_space<hbm>>
    tpu.wait_dma2 semaphore(%arg22 : memref<!tpu.dma_semaphore, #tpu.memory_space<semaphore_mem>>) src(%arg12 : memref<16x1024xf32, #tpu.memory_space<vmem>>) dst(%dma_wait3A_673 : memref<16x1024xf32, #tpu.memory_space<hbm>>)
    %dma_wait3A_674 = arith.constant 2 : i32
    %dma_wait3A_675 = arith.constant 0 : i32
    %dma_wait3A_676 = tpu.memref_slice %arg5[%dma_wait3A_674, %add3A_626, %dma_wait3A_675] : memref<4x2048x1024xf32, #tpu.memory_space<hbm>> -> memref<1x16x1024xf32, #tpu.memory_space<hbm>>
    %dma_wait3A_677 = tpu.memref_squeeze %dma_wait3A_676 : memref<1x16x1024xf32, #tpu.memory_space<hbm>> -> memref<16x1024xf32, #tpu.memory_space<hbm>>
    %dma_wait3A_678 = arith.constant 0 : i32
    %dma_wait3A_679 = tpu.memref_slice %arg5[%dma_wait3A_674, %add3A_626, %dma_wait3A_678] : memref<4x2048x1024xf32, #tpu.memory_space<hbm>> -> memref<1x16x1024xf32, #tpu.memory_space<hbm>>
    %dma_wait3A_680 = tpu.memref_squeeze %dma_wait3A_679 : memref<1x16x1024xf32, #tpu.memory_space<hbm>> -> memref<16x1024xf32, #tpu.memory_space<hbm>>
    tpu.wait_dma2 semaphore(%arg23 : memref<!tpu.dma_semaphore, #tpu.memory_space<semaphore_mem>>) src(%arg13 : memref<16x1024xf32, #tpu.memory_space<vmem>>) dst(%dma_wait3A_680 : memref<16x1024xf32, #tpu.memory_space<hbm>>)
    %dma_wait3A_681 = arith.constant 3 : i32
    %dma_wait3A_682 = arith.constant 0 : i32
    %dma_wait3A_683 = tpu.memref_slice %arg5[%dma_wait3A_681, %add3A_645, %dma_wait3A_682] : memref<4x2048x1024xf32, #tpu.memory_space<hbm>> -> memref<1x16x1024xf32, #tpu.memory_space<hbm>>
    %dma_wait3A_684 = tpu.memref_squeeze %dma_wait3A_683 : memref<1x16x1024xf32, #tpu.memory_space<hbm>> -> memref<16x1024xf32, #tpu.memory_space<hbm>>
    %dma_wait3A_685 = arith.constant 0 : i32
    %dma_wait3A_686 = tpu.memref_slice %arg5[%dma_wait3A_681, %add3A_645, %dma_wait3A_685] : memref<4x2048x1024xf32, #tpu.memory_space<hbm>> -> memref<1x16x1024xf32, #tpu.memory_space<hbm>>
    %dma_wait3A_687 = tpu.memref_squeeze %dma_wait3A_686 : memref<1x16x1024xf32, #tpu.memory_space<hbm>> -> memref<16x1024xf32, #tpu.memory_space<hbm>>
    tpu.wait_dma2 semaphore(%arg19 : memref<!tpu.dma_semaphore, #tpu.memory_space<semaphore_mem>>) src(%arg9 : memref<16x1024xf32, #tpu.memory_space<vmem>>) dst(%dma_wait3A_687 : memref<16x1024xf32, #tpu.memory_space<hbm>>)
    return
  }
}

</mosaic_0001>

<sc_bundles>
// kernel: kernel.3.cloned.1.call-start
scs
__scs_entry_jumppad:
0x0: {  	(pc) =	sbr.rel $0x88, $3  }
0x1: {  	(tag) =	ssettag $0x0;
	lr =	simm.s32 $0x1  }
0x2: {  	[smem:$0x3F9E] =	sst lr;
	_ =	strace $0xD0000000  }
0x3: {  	_ = 	snop  }
0x4: {  	_ = 	snop  }
0x5: {  	_ = 	snop  }
0x6: {  	_ = 	snop  }
0x7: {  	_ = 	snop  }
__scs_overlays_trampoline_lowered:
0x8: {  	[smem:$0x3FAD] =	sst s0  }
0x9: {  	[smem:$0x3FAE] =	sst s1  }
0xa: {  	[smem:$0x3FAF] =	sst s2  }
0xb: {  	[smem:$0x3FB0] =	sst s3  }
0xc: {  	[smem:$0x3FB1] =	sst s4  }
0xd: {  	[smem:$0x3FB2] =	sst s5  }
0xe: {  	[smem:$0x3FB3] =	sst s6  }
0xf: {  	[smem:$0x3FB4] =	sst s7  }
0x10: {  	[smem:$0x3FB5] =	sst s8  }
0x11: {  	[smem:$0x3FB6] =	sst s9;
	s0 =	simm.s32 @!p0 $0x0  }
0x12: {  	s1 =	sld [smem:$0x3F9C];
	s0 =	simm.s32 @p0 $0x1  }
0x13: {  	[smem:$0x3FB7] =	sst s0;
	s0 =	simm.s32 @!p1 $0x0  }
0x14: {  	s2 =	sld [smem:$0x3F9B];
	s0 =	simm.s32 @p1 $0x1  }
0x15: {  	[smem:$0x3FB8] =	sst s0;
	s0 =	simm.s32 @!p2 $0x0  }
0x16: {  	s3 =	sld [smem:$0x3FDB];
	s0 =	simm.s32 @p2 $0x1  }
0x17: {  	s4 =	simm.s32 $0x1BF5;
	[smem:$0x3FBA] =	sst s0  }
0x18: {  	s0 =	sld [smem:$0x3F9D];
	_ =	swait.ge [sflag:s4], $0x0  }
0x19: {  	s7 =	sld [smem:$0x3F9E]  }
0x1a: {  	s8 =	sadd.s32 $0xFFFFE003, lr  }
0x1b: {  	s9 =	sadd.s32 $0xFFFFFEF7, lr;
	s5 =	simm.s32 $0xFFFFFFFF;
	p2 =	slt.u32 s8, $0xFFFFF086  }
0x1c: {  	p1 =	slt.u32 s9, $0xF7A;
	s5 =	simm.s32 @!p2 $0x0  }
0x1d: {  	s5 =	simm.s32 @p1 $0x1;
	p0 =	seq.s32 s7, s2  }
0x1e: {  	s7 =	smul.u32 @!p0 $0xF7A, s2;
	p2 =	seq.s32 @!p0 s5, $0x0  }
0x1f: {  	s9 =	smul.u32 $0xF7A, s1;
	s8 =	simm.s32 @!p0 $0x1BF5;
	p2 =	por !p2, p0  }
0x20: {  	[sflag:s8] =	ssyncset.s32 @!p0 $0xFFFFF086;
	s6 =	sadd.s32 @!p0 s3, s7;
	s7 =	simm.s32 @!p0 $0x108  }
0x21: {  	s3 =	sadd.s32 s3, s9;
	s6 =	sadd.s32 @!p0 $0x88, s6;
	s7 =	simm.s32 @p2 $0x1082  }
0x22: {  	[simem:s7], [sflag:s8] =	dma.local @!p0 [hbm:s6], $0xF7A  }
0x23: {  	s9 =	sor.u32 $0xD0000000, s2;
	s6 =	simm.s32 $0x108;
	_ =	swait.ge @!p0 [sflag:s8], $0x0  }
0x24: {  	s3 =	sadd.s32 $0x88, s3;
	s6 =	simm.s32 @!p1 $0x1082;
	[sflag:s4] =	ssyncset.s32 $0xFFFFF086  }
0x25: {  	[simem:s6], [sflag:s4] =	dma.local [hbm:s3], $0xF7A  }
0x26: {  	[smem:$0x3F9E] =	sst s1;
	(tag) =	ssettag s2;
	_ =	strace s9  }
0x27: {  	s1 =	sld [smem:$0x3FAE]  }
0x28: {  	s2 =	sld [smem:$0x3FAF]  }
0x29: {  	s4 =	sld [smem:$0x3FB1]  }
0x2a: {  	p0 =	seq.s32 s5, $0x0;
	s5 =	sld [smem:$0x3FB2]  }
0x2b: {  	s6 =	sld [smem:$0x3FB3]  }
0x2c: {  	s7 =	sld [smem:$0x3FB4]  }
0x2d: {  	s3 =	simm.s32 $0x108;
	s8 =	sld [smem:$0x3FB5]  }
0x2e: {  	s3 =	simm.s32 @!p0 $0x1082;
	s9 =	sld [smem:$0x3FB6]  }
0x2f: {  	lr =	sadd.s32 s0, s3;
	s0 =	sld [smem:$0x3FAD]  }
0x30: {  	s3 =	sld [smem:$0x3FB0]  }
0x31: {  	[smem:$0x3FB9] =	sst s10  }
0x32: {  	s10 =	sld [smem:$0x3FB7];
	_ =	sdelay $0x3  }
0x33: {  	p0 =	seq.s32 s10, $0x1;
	s10 =	sld [smem:$0x3FB9];
	_ =	sdelay $0x3  }
0x34: {  	[smem:$0x3FB9] =	sst s10  }
0x35: {  	s10 =	sld [smem:$0x3FB8];
	_ =	sdelay $0x3  }
0x36: {  	p1 =	seq.s32 s10, $0x1;
	s10 =	sld [smem:$0x3FB9];
	_ =	sdelay $0x3  }
0x37: {  	[smem:$0x3FB9] =	sst s10  }
0x38: {  	s10 =	sld [smem:$0x3FBA]  }
0x39: {  	_ = 	snop;
	(pc) =	sbr.ind lr, $3  }
0x3a: {  	_ = 	snop  }
0x3b: {  	_ = 	snop  }
0x3c: {  	p2 =	seq.s32 s10, $0x1;
	s10 =	sld [smem:$0x3FB9]  }
0x3d: {  	_ =	shalt  }
0x3e: {  	_ =	shalt  }
0x3f: {  	_ =	shalt  }
0x40: {  	_ =	shalt  }
0x41: {  	_ =	shalt  }
0x42: {  	_ =	shalt  }
0x43: {  	_ =	shalt  }
0x44: {  	_ =	shalt  }
0x45: {  	_ =	shalt  }
0x46: {  	_ =	shalt  }
0x47: {  	_ =	shalt  }
0x48: {  	_ =	shalt  }
0x49: {  	_ =	shalt  }
0x4a: {  	_ =	shalt  }
0x4b: {  	_ =	shalt  }
0x4c: {  	_ =	shalt  }
0x4d: {  	_ =	shalt  }
0x4e: {  	_ =	shalt  }
0x4f: {  	_ =	shalt  }
0x50: {  	_ =	shalt  }
0x51: {  	_ =	shalt  }
0x52: {  	_ =	shalt  }
0x53: {  	_ =	shalt  }
0x54: {  	_ =	shalt  }
0x55: {  	_ =	shalt  }
0x56: {  	_ =	shalt  }
0x57: {  	_ =	shalt  }
0x58: {  	_ =	shalt  }
0x59: {  	_ =	shalt  }
0x5a: {  	_ =	shalt  }
0x5b: {  	_ =	shalt  }
0x5c: {  	_ =	shalt  }
0x5d: {  	_ =	shalt  }
0x5e: {  	_ =	shalt  }
0x5f: {  	_ =	shalt  }
0x60: {  	_ =	shalt  }
0x61: {  	_ =	shalt  }
0x62: {  	_ =	shalt  }
0x63: {  	_ =	shalt  }
0x64: {  	_ =	shalt  }
0x65: {  	_ =	shalt  }
0x66: {  	_ =	shalt  }
0x67: {  	_ =	shalt  }
0x68: {  	_ =	shalt  }
0x69: {  	_ =	shalt  }
0x6a: {  	_ =	shalt  }
0x6b: {  	_ =	shalt  }
0x6c: {  	_ =	shalt  }
0x6d: {  	_ =	shalt  }
0x6e: {  	_ =	shalt  }
0x6f: {  	_ =	shalt  }
0x70: {  	_ =	shalt  }
0x71: {  	_ =	shalt  }
0x72: {  	_ =	shalt  }
0x73: {  	_ =	shalt  }
0x74: {  	_ =	shalt  }
0x75: {  	_ =	shalt  }
0x76: {  	_ =	shalt  }
0x77: {  	_ =	shalt  }
0x78: {  	_ =	shalt  }
0x79: {  	_ =	shalt  }
0x7a: {  	_ =	shalt  }
0x7b: {  	_ =	shalt  }
0x7c: {  	_ =	shalt  }
0x7d: {  	_ =	shalt  }
0x7e: {  	_ =	shalt  }
0x7f: {  	_ =	shalt  }
0x80: {  	_ =	shalt  }
0x81: {  	_ =	shalt  }
0x82: {  	_ =	shalt  }
0x83: {  	_ =	shalt  }
0x84: {  	_ =	shalt  }
0x85: {  	_ =	shalt  }
0x86: {  	_ =	shalt  }
0x87: {  	_ =	shalt  }
.Lfunc_end0:
.L_simem_size_0:
called_computation_lowered:
.L_overlay_start_0:
0x88: {  	s2 =	sld [smem:$0x3FD9]  }
0x89: {  	s3 =	sld [smem:$0x3FFE];
	_ =	sdelay $0x1  }
0x8a: {  	s1 =	srdreg.scid  }
0x8b: {  	s0 =	sand.u32 $0x1, s1  }
0x8c: {  	s18 =	sshll.u32 s0, $0xA;
	s2 =	sadd.s32 s3, s2  }
0x8d: {  	s2 =	sadd.s32 s2, s18  }
0x8e: {  	[smem:$0x3FC5] =	sst s2  }
0x8f: {  	_ = 	snop  }
0x90: {  	s2 =	sld [smem:$0x3FC9]  }
0x91: {  	s19 =	sld [smem:$0x3FC8]  }
0x92: {  	s4 =	sld [smem:$0x3FC7]  }
0x93: {  	s5 =	sld [smem:$0x3FD0];
	(tm) =	ssettm $0x1  }
0x94: {  	s6 =	sld [smem:$0x3FFB];
	_ =	sdelay $0x3  }
0x95: {  	_ =	strace s6  }
0x96: {  	s6 =	sld [smem:$0x3FFC];
	_ =	sdelay $0x3  }
0x97: {  	_ =	strace s6  }
0x98: {  	s6 =	sld [smem:$0x3FFD];
	_ =	sdelay $0x3  }
0x99: {  	_ =	strace s6  }
0x9a: {  	_ =	strace $0x8FFFFFFF  }
0x9b: {  	s20 =	sld [smem:$0x3FDB];
	_ =	sdelay $0x1  }
0x9c: {  	s7 =	simm.s32 $_scs_section_size  }
0x9d: {  	s8 =	simm.s32 $_size__tile_overlayer_lowered;
	s9 =	simm.s32 $_tile_overlayer_lowered  }
0x9e: {  	s23 =	simm.s32 $0x1BFF;
	s22 =	sshll.u32 s9, $0x1;
	s6 =	sadd.s32 s7, s20  }
0x9f: {  	s10 =	simm.s32 $0x0;
	s21 =	sshll.u32 s8, $0x1;
	s8 =	sadd.s32 s22, s6  }
0xa0: {  	[timem:s10], [sflag:s23] =	dma.local [hbm:s8], s21  }
0xa1: {  	_ =	swait.ge [sflag:s23], s21  }
0xa2: {  	s7 =	ssub.s32 $0x0, s21;
	[sflag:s23] =	ssyncset.done $0x0  }
0xa3: {  	[sflag:s23] =	ssyncadd.s32 s7;
	_ =	sdelay $0x1  }
0xa4: {  	s24 =	simm.s32 $0x1B8B  }
0xa5: {  	_ =	swait.ge [sflag:s24], $0x1  }
0xa6: {  	[sflag:s24] =	ssyncset.done $0x0  }
0xa7: {  	s25 =	simm.s32 $0x1B8E;
	[sflag:s24] =	ssyncadd.s32 $0xFFFFFFFF  }
0xa8: {  	s26 =	simm.s32 $execute0_lowered;
	[smem:$0x3FD2] =	sst s25  }
0xa9: {  	s7 =	sshll.u32 s26, $0x1;
	_ =	strace $0x80000046;
	[dreg:$0x1] =	wrdreg $0xFFFFFFFF  }
0xaa: {  	s28 =	simm.s32 $_size_execute0_lowered;
	s6 =	sadd.s32 s6, s7;
	[dreg:$0x0] =	wrdreg $0x0  }
0xab: {  	s7 =	sshll.u32 s28, $0x1;
	[dreg:$0x2] =	wrdreg s6  }
0xac: {  	[dreg:$0x3] =	wrdreg s7  }
0xad: {  	[dreg:$0x4] =	wrdreg $0xC0  }
0xae: {  	_ =	task [dreg:s10], $0x5FFFF  }
0xaf: {  	[dreg:$0x1] =	wrdreg $0xFFFFFFFF  }
0xb0: {  	[dreg:$0x0] =	wrdreg $0x60  }
0xb1: {  	[dreg:$0x2] =	wrdreg s2  }
0xb2: {  	[dreg:$0x3] =	wrdreg s19  }
0xb3: {  	[dreg:$0x4] =	wrdreg s4  }
0xb4: {  	[dreg:$0x5] =	wrdreg s5  }
0xb5: {  	[dreg:$0x6] =	wrdreg $0x9  }
0xb6: {  	_ =	task.clear_ibuf [dreg:s10], $0x7FFFF;
	_ =	strace $0x90000046  }
0xb7: {  	s29 =	simm.s32 $0x9;
	_ =	strace $0x80000048  }
0xb8: {  	_ =	swait.ge [sflag:s29], $0x1  }
0xb9: {  	[sflag:s29] =	ssyncadd.s32 $0xFFFFFFFF  }
0xba: {  	_ =	strace $0x90000048  }
0xbb: {  	_ =	sfence  }
0xbc: {  	s30 =	sld [smem:$0x0];
	_ =	sdelay $0x2  }
0xbd: {  	s31 =	sshll.u32 s1, $0xD;
	s1 =	sshrl.u32 s1, $0x2  }
0xbe: {  	s3 =	sand.u32 $0x4000, s31;
	s1 =	sadd.s32 s1, s30  }
0xbf: {  	s0 =	sor.u32 s3, s0;
	s1 =	sshll.u32 s1, $0x11  }
0xc0: {  	s0 =	sor.u32 s1, s0  }
0xc1: {  	s0 =	sadd.s32 $0x8F2B, s0  }
0xc2: {  	[sflag:s0] =	ssyncadd.remote.s32 $0x1  }
0xc3: {  	_ =	sfence.sel $0xFFFF  }
0xc4: {  	[dreg:$0x0] =	wrdreg $0xFFFFFFFF;
	(pc) =	sbr.abs _section_cstart, $3  }
0xc5: {  	[dreg:$0x1] =	wrdreg $0xFFFFFFFF  }
0xc6: {  	_ =	task.clear_ibuf [dreg:s10], $0x2FFFF;
	_ =	strace $0x9FFFFFFF  }
0xc7: {  	(tm) =	ssettm $0x7FFFFFFF  }
tec
execute0_lowered:
.L_overlay_start_1:
0x0: {  	(tag) =	ssettag $0x1  }
0x1: {  	s0 =	rddreg [dreg:$0x0];
	s2 =	srdreg.scid  }
0x2: {  	s1 =	rddreg [dreg:$0x1];
	s3 =	stileid.u32;
	s2 =	sand.u32 $0x1, s2  }
0x3: {  	s4 =	rddreg [dreg:$0x2];
	s3 =	sshll.u32 s3, $0x7;
	s5 =	sshll.u32 s2, $0x6  }
0x4: {  	s6 =	rddreg [dreg:$0x3];
	s7 =	sor.u32 s5, s3;
	s3 =	simm.s32 $0x0  }
0x5: {  	s2 =	ssub.s32 $0x2, s2;
	s8 =	sshll.u32 s7, $0x2;
	[smem:$0x7FF] =	sst s3  }
0x6: {  	s7 =	sshll.u32 s7, $0x7;
	s9 =	sand.u32 $0x1E00, s8;
	_ =	strace $0x80000047  }
0x7: {  	s22 =	sadd.s32 s4, s7;
	s23 =	sor.u32 $0x800, s7;
	s11 =	sor.u32 $0x1000, s7  }
0x8: {  	s15 =	sor.u32 $0x1800, s7;
	[dreg:$0x9] =	wrdreg s22;
	s24 =	sadd.s32 s4, s23  }
0x9: {  	s9 =	sor.u32 s5, s9;
	s14 =	sadd.s32 s4, s11;
	[dreg:$0xa] =	wrdreg s24  }
0xa: {  	s5 =	sor.u32 s5, s8;
	s4 =	sadd.s32 s4, s15;
	[dreg:$0xf] =	wrdreg s14  }
0xb: {  	s18 =	sadd.s32 s6, s11;
	s9 =	sshrl.u32 s9, $0x3;
	[dreg:$0x13] =	wrdreg s4  }
0xc: {  	s5 =	sshrl.u32 s5, $0x3;
	[dreg:$0x14] =	wrdreg s18;
	s9 =	sadd.s32 s0, s9  }
0xd: {  	s21 =	sor.u32 $0x20, s5;
	[dreg:$0x5] =	wrdreg s9;
	s20 =	sadd.s32 $0x10, s9  }
0xe: {  	s5 =	sor.u32 $0x30, s5;
	s8 =	sadd.s32 s0, s21;
	[dreg:$0x6] =	wrdreg s20  }
0xf: {  	s19 =	sshrl.u32 s2, $0x1;
	s0 =	sadd.s32 s0, s5;
	[dreg:$0x7] =	wrdreg s8  }
0x10: {  	s2 =	ssub.s32 s2, s19;
	[dreg:$0x8] =	wrdreg s0;
	s0 =	sadd.s32 s6, s23  }
0x11: {  	s29 =	simm.s32 $0x2;
	s20 =	smax.u32 s2, $0x1;
	[dreg:$0x10] =	wrdreg s0  }
0x12: {  	s30 =	simm.s32 $0x18200;
	s8 =	sadd.s32 s6, s7;
	[dreg:$0x17] =	wrdreg s20  }
0x13: {  	s28 =	simm.s32 $0x4;
	s25 =	sadd.s32 $0x40000, s8;
	[dreg:$0xb] =	wrdreg s8  }
0x14: {  	s31 =	simm.s32 $0x7;
	s26 =	sadd.s32 $0x80000, s8;
	[dreg:$0xc] =	wrdreg s25  }
0x15: {  	s10 =	sadd.s32 $0x100, s1;
	s9 =	sadd.s32 $0xC0000, s8;
	[dreg:$0xd] =	wrdreg s26  }
0x16: {  	s12 =	sadd.s32 $0x200, s1;
	s16 =	sadd.s32 $0x40800, s8;
	[dreg:$0xe] =	wrdreg s9  }
0x17: {  	s13 =	sadd.s32 $0x300, s1;
	s17 =	sadd.s32 $0x80800, s8;
	[dreg:$0x11] =	wrdreg s16  }
0x18: {  	s11 =	simm.s32 $0x1;
	s0 =	sadd.s32 s6, s15;
	[dreg:$0x12] =	wrdreg s17  }
0x19: {  	s18 =	simm.s32 $0xC;
	s19 =	sadd.s32 $0xC0800, s8;
	[dreg:$0x15] =	wrdreg s0  }
0x1a: {  	s4 =	simm.s32 $0xD;
	s21 =	sadd.s32 $0x41000, s8;
	[dreg:$0x16] =	wrdreg s19  }
0x1b: {  	s7 =	simm.s32 $0x8200;
	s22 =	sadd.s32 $0x81000, s8;
	[dreg:$0x18] =	wrdreg s21  }
0x1c: {  	s2 =	simm.s32 $0x5;
	s23 =	sadd.s32 $0xC1000, s8;
	[dreg:$0x19] =	wrdreg s22  }
0x1d: {  	s24 =	sadd.s32 $0x41800, s8;
	s6 =	simm.s32 $0xB;
	[dreg:$0x1a] =	wrdreg s23  }
0x1e: {  	s20 =	simm.s32 $0x8;
	[dreg:$0x1b] =	wrdreg s24;
	s25 =	sadd.s32 $0x81800, s8  }
0x1f: {  	s26 =	sadd.s32 $0xC1800, s8;
	s16 =	simm.s32 $0xBA00;
	s17 =	simm.s32 $0xC200  }
0x20: {  	v2 =	vlaneseq.u32;
	s19 =	simm.s32 $0x14200;
	s24 =	simm.s32 $0x3;
	s21 =	simm.s32 $0x9  }
0x21: {  	vm0 =	vmmov $0xffff;
	v1 =	vshrl.u32 v2, $0x3;
	s22 =	simm.s32 $0xA;
	s23 =	simm.s32 $0x0;
	[dreg:$0x1c] =	wrdreg s25  }
0x22: {  	v0 =	vand.u32 $0x7, v2;
	v2 =	vor.u32 $0x8, v2;
	v1 =	vmul.u32 $0x8, v1;
	[dreg:$0x1d] =	wrdreg s26;
	s25 =	simm.s32 $0x10200;
	s26 =	simm.s32 $0x6  }
.LBB2_1:
0x23: {  	s0 =	rddreg [dreg:$0x5]  }
0x24: {  	[tilespmem:s3], [sflag:$0xB] =	stream.linear.gather [hbm4b:s0+s3], $0x40, $0x38;
	[tilespmem:$0x1C200] =	vst v63  }
0x25: {  	s15 =	rddreg [dreg:$0x6];
	s5 =	simm.s32 $0x80  }
0x26: {  	[tilespmem:s5], [sflag:$0xB] =	stream.linear.gather [hbm4b:s15+s3], $0x40, $0x38;
	[tilespmem:$0x1C200] =	vst v63  }
0x27: {  	s8 =	rddreg [dreg:$0x7];
	s9 =	simm.s32 $0x100  }
0x28: {  	[tilespmem:s9], [sflag:$0xB] =	stream.linear.gather [hbm4b:s8+s3], $0x40, $0x38;
	[tilespmem:$0x1C200] =	vst v63  }
0x29: {  	s14 =	rddreg [dreg:$0x8];
	s15 =	simm.s32 $0x180  }
0x2a: {  	[tilespmem:s15], [sflag:$0xB] =	stream.linear.gather [hbm4b:s14+s3], $0x40, $0x38;
	[tilespmem:$0x1C200] =	vst v63  }
0x2b: {  	s8 =	rddreg [dreg:$0x9];
	s9 =	simm.s32 $0x200  }
0x2c: {  	[tilespmem:s9], [sflag:$0xC] =	stream.linear.gather [hbm4b:s8+s3], $0x4000, $0x38;
	[tilespmem:$0x1C200] =	vst v63  }
0x2d: {  	s14 =	rddreg [dreg:$0xa];
	s15 =	simm.s32 $0x4200  }
0x2e: {  	[tilespmem:s15], [sflag:$0xD] =	stream.linear.gather [hbm4b:s14+s3], $0x4000, $0x38;
	[tilespmem:$0x1C200] =	vst v63  }
0x2f: {  	_ =	swait.ge [sflag:s6], $0x40  }
0x30: {  	[sflag:s6] =	ssyncset.done $0x0  }
0x31: {  	[sflag:s6] =	ssyncadd.s32 $0xFFFFFFC0  }
0x32: {  	_ =	swait.ge [sflag:s6], $0x40  }
0x33: {  	[sflag:s6] =	ssyncset.done $0x0  }
0x34: {  	[sflag:s6] =	ssyncadd.s32 $0xFFFFFFC0  }
0x35: {  	_ =	swait.ge [sflag:s6], $0x40  }
0x36: {  	[sflag:s6] =	ssyncset.done $0x0  }
0x37: {  	[sflag:s6] =	ssyncadd.s32 $0xFFFFFFC0  }
0x38: {  	_ =	swait.ge [sflag:s6], $0x40  }
0x39: {  	[sflag:s6] =	ssyncset.done $0x0  }
0x3a: {  	[sflag:s6] =	ssyncadd.s32 $0xFFFFFFC0  }
0x3b: {  	v3 =	vld [tilespmem:$0x0];
	_ =	sdelay $0x4  }
0x3c: {  	v4 =	vshll.u32 v3, $0x3  }
0x3d: {  	v3 =	vand.u32 $0x7, v3;
	v4 =	vand.u32 $0xFFFFFFC0, v4  }
0x3e: {  	v3 =	vor.u32 v3, v4  }
0x3f: {  	v4 =	vperm.xlane v3, v0;
	_ =	sdelay $0x1  }
0x40: {  	v4 =	vadd.s32 v1, v4;
	_ =	sdelay $0x4  }
0x41: {  	[tilespmem:s7], [sflag:$0x1] =	stream.indirect_vreg.gather [hbm4b:s1+s3], $0x80, v4, vm0, $0xb8;
	[tilespmem:$0x1C200] =	vst v63  }
0x42: {  	s8 =	simm.s32 $0x8A00;
	v3 =	vperm.xlane v3, v2  }
0x43: {  	[tilespmem:s8], [sflag:$0x1] =	stream.indirect_vreg.gather [hbm4b:s10+s3], $0x80, v4, vm0, $0xb8;
	[tilespmem:$0x1C200] =	vst v63  }
0x44: {  	s9 =	simm.s32 $0x9200;
	v3 =	vadd.s32 v1, v3  }
0x45: {  	[tilespmem:s9], [sflag:$0x1] =	stream.indirect_vreg.gather [hbm4b:s12+s3], $0x80, v4, vm0, $0xb8;
	[tilespmem:$0x1C200] =	vst v63  }
0x46: {  	s14 =	simm.s32 $0x9A00  }
0x47: {  	[tilespmem:s14], [sflag:$0x1] =	stream.indirect_vreg.gather [hbm4b:s13+s3], $0x80, v4, vm0, $0xb8;
	[tilespmem:$0x1C200] =	vst v63  }
0x48: {  	s15 =	simm.s32 $0xA200  }
0x49: {  	[tilespmem:s15], [sflag:$0x1] =	stream.indirect_vreg.gather [hbm4b:s1+s3], $0x80, v3, vm0, $0xb8;
	[tilespmem:$0x1C200] =	vst v63  }
0x4a: {  	s5 =	simm.s32 $0xAA00  }
0x4b: {  	[tilespmem:s5], [sflag:$0x1] =	stream.indirect_vreg.gather [hbm4b:s10+s3], $0x80, v3, vm0, $0xb8;
	[tilespmem:$0x1C200] =	vst v63  }
0x4c: {  	s8 =	simm.s32 $0xB200  }
0x4d: {  	[tilespmem:s8], [sflag:$0x1] =	stream.indirect_vreg.gather [hbm4b:s12+s3], $0x80, v3, vm0, $0xb8;
	[tilespmem:$0x1C200] =	vst v63  }
0x4e: {  	_ = 	snop  }
0x4f: {  	[tilespmem:s16], [sflag:$0x1] =	stream.indirect_vreg.gather [hbm4b:s13+s3], $0x80, v3, vm0, $0xb8;
	[tilespmem:$0x1C200] =	vst v63  }
0x50: {  	v3 =	vld [tilespmem:$0x80];
	_ =	sdelay $0x4  }
0x51: {  	v4 =	vshll.u32 v3, $0x3  }
0x52: {  	v3 =	vand.u32 $0x7, v3;
	v4 =	vand.u32 $0xFFFFFFC0, v4  }
0x53: {  	v3 =	vor.u32 v3, v4  }
0x54: {  	v4 =	vperm.xlane v3, v0;
	_ =	sdelay $0x1  }
0x55: {  	v4 =	vadd.s32 v1, v4;
	_ =	sdelay $0x4  }
0x56: {  	[tilespmem:s17], [sflag:$0x2] =	stream.indirect_vreg.gather [hbm4b:s1+s3], $0x80, v4, vm0, $0xb8;
	[tilespmem:$0x1C200] =	vst v63  }
0x57: {  	s9 =	simm.s32 $0xCA00;
	v3 =	vperm.xlane v3, v2  }
0x58: {  	[tilespmem:s9], [sflag:$0x2] =	stream.indirect_vreg.gather [hbm4b:s10+s3], $0x80, v4, vm0, $0xb8;
	[tilespmem:$0x1C200] =	vst v63  }
0x59: {  	s14 =	simm.s32 $0xD200;
	v3 =	vadd.s32 v1, v3  }
0x5a: {  	[tilespmem:s14], [sflag:$0x2] =	stream.indirect_vreg.gather [hbm4b:s12+s3], $0x80, v4, vm0, $0xb8;
	[tilespmem:$0x1C200] =	vst v63  }
0x5b: {  	s15 =	simm.s32 $0xDA00  }
0x5c: {  	[tilespmem:s15], [sflag:$0x2] =	stream.indirect_vreg.gather [hbm4b:s13+s3], $0x80, v4, vm0, $0xb8;
	[tilespmem:$0x1C200] =	vst v63  }
0x5d: {  	s5 =	simm.s32 $0xE200  }
0x5e: {  	[tilespmem:s5], [sflag:$0x2] =	stream.indirect_vreg.gather [hbm4b:s1+s3], $0x80, v3, vm0, $0xb8;
	[tilespmem:$0x1C200] =	vst v63  }
0x5f: {  	s8 =	simm.s32 $0xEA00  }
0x60: {  	[tilespmem:s8], [sflag:$0x2] =	stream.indirect_vreg.gather [hbm4b:s10+s3], $0x80, v3, vm0, $0xb8;
	[tilespmem:$0x1C200] =	vst v63  }
0x61: {  	s9 =	simm.s32 $0xF200  }
0x62: {  	[tilespmem:s9], [sflag:$0x2] =	stream.indirect_vreg.gather [hbm4b:s12+s3], $0x80, v3, vm0, $0xb8;
	[tilespmem:$0x1C200] =	vst v63  }
0x63: {  	s14 =	simm.s32 $0xFA00  }
0x64: {  	[tilespmem:s14], [sflag:$0x2] =	stream.indirect_vreg.gather [hbm4b:s13+s3], $0x80, v3, vm0, $0xb8;
	[tilespmem:$0x1C200] =	vst v63  }
0x65: {  	v3 =	vld [tilespmem:$0x100];
	_ =	sdelay $0x4  }
0x66: {  	v4 =	vshll.u32 v3, $0x3  }
0x67: {  	v3 =	vand.u32 $0x7, v3;
	v4 =	vand.u32 $0xFFFFFFC0, v4  }
0x68: {  	v3 =	vor.u32 v3, v4  }
0x69: {  	v4 =	vperm.xlane v3, v0;
	_ =	sdelay $0x1  }
0x6a: {  	v4 =	vadd.s32 v1, v4;
	_ =	sdelay $0x4  }
0x6b: {  	[tilespmem:s25], [sflag:$0x3] =	stream.indirect_vreg.gather [hbm4b:s1+s3], $0x80, v4, vm0, $0xb8;
	[tilespmem:$0x1C200] =	vst v63  }
0x6c: {  	s15 =	simm.s32 $0x10A00;
	v3 =	vperm.xlane v3, v2  }
0x6d: {  	[tilespmem:s15], [sflag:$0x3] =	stream.indirect_vreg.gather [hbm4b:s10+s3], $0x80, v4, vm0, $0xb8;
	[tilespmem:$0x1C200] =	vst v63  }
0x6e: {  	s5 =	simm.s32 $0x11200;
	v3 =	vadd.s32 v1, v3  }
0x6f: {  	[tilespmem:s5], [sflag:$0x3] =	stream.indirect_vreg.gather [hbm4b:s12+s3], $0x80, v4, vm0, $0xb8;
	[tilespmem:$0x1C200] =	vst v63  }
0x70: {  	s8 =	simm.s32 $0x11A00  }
0x71: {  	[tilespmem:s8], [sflag:$0x3] =	stream.indirect_vreg.gather [hbm4b:s13+s3], $0x80, v4, vm0, $0xb8;
	[tilespmem:$0x1C200] =	vst v63  }
0x72: {  	s9 =	simm.s32 $0x12200  }
0x73: {  	[tilespmem:s9], [sflag:$0x3] =	stream.indirect_vreg.gather [hbm4b:s1+s3], $0x80, v3, vm0, $0xb8;
	[tilespmem:$0x1C200] =	vst v63  }
0x74: {  	s14 =	simm.s32 $0x12A00  }
0x75: {  	[tilespmem:s14], [sflag:$0x3] =	stream.indirect_vreg.gather [hbm4b:s10+s3], $0x80, v3, vm0, $0xb8;
	[tilespmem:$0x1C200] =	vst v63  }
0x76: {  	s15 =	simm.s32 $0x13200  }
0x77: {  	[tilespmem:s15], [sflag:$0x3] =	stream.indirect_vreg.gather [hbm4b:s12+s3], $0x80, v3, vm0, $0xb8;
	[tilespmem:$0x1C200] =	vst v63  }
0x78: {  	s5 =	simm.s32 $0x13A00  }
0x79: {  	[tilespmem:s5], [sflag:$0x3] =	stream.indirect_vreg.gather [hbm4b:s13+s3], $0x80, v3, vm0, $0xb8;
	[tilespmem:$0x1C200] =	vst v63  }
0x7a: {  	_ =	swait.ge [sflag:s11], $0x4000  }
0x7b: {  	[sflag:s11] =	ssyncset.done $0x0  }
0x7c: {  	[sflag:s11] =	ssyncadd.s32 $0xFFFFC000  }
0x7d: {  	_ =	swait.ge [sflag:s18], $0x4000  }
0x7e: {  	[sflag:s18] =	ssyncset.done $0x0  }
0x7f: {  	[sflag:s18] =	ssyncadd.s32 $0xFFFFC000  }
0x80: {  	v3 =	vld [tilespmem:$0x180];
	_ =	sdelay $0x4  }
0x81: {  	v4 =	vshll.u32 v3, $0x3  }
0x82: {  	v3 =	vand.u32 $0x7, v3;
	v4 =	vand.u32 $0xFFFFFFC0, v4  }
0x83: {  	v3 =	vor.u32 v3, v4  }
0x84: {  	v4 =	vperm.xlane v3, v0;
	_ =	sdelay $0x1  }
0x85: {  	v4 =	vadd.s32 v1, v4;
	_ =	sdelay $0x4  }
0x86: {  	[tilespmem:s19], [sflag:$0x4] =	stream.indirect_vreg.gather [hbm4b:s1+s3], $0x80, v4, vm0, $0xb8;
	[tilespmem:$0x1C200] =	vst v63  }
0x87: {  	s8 =	simm.s32 $0x14A00;
	v3 =	vperm.xlane v3, v2  }
0x88: {  	[tilespmem:s8], [sflag:$0x4] =	stream.indirect_vreg.gather [hbm4b:s10+s3], $0x80, v4, vm0, $0xb8;
	[tilespmem:$0x1C200] =	vst v63  }
0x89: {  	s9 =	simm.s32 $0x15200;
	v3 =	vadd.s32 v1, v3  }
0x8a: {  	[tilespmem:s9], [sflag:$0x4] =	stream.indirect_vreg.gather [hbm4b:s12+s3], $0x80, v4, vm0, $0xb8;
	[tilespmem:$0x1C200] =	vst v63  }
0x8b: {  	s14 =	simm.s32 $0x15A00  }
0x8c: {  	[tilespmem:s14], [sflag:$0x4] =	stream.indirect_vreg.gather [hbm4b:s13+s3], $0x80, v4, vm0, $0xb8;
	[tilespmem:$0x1C200] =	vst v63  }
0x8d: {  	s15 =	simm.s32 $0x16200  }
0x8e: {  	[tilespmem:s15], [sflag:$0x4] =	stream.indirect_vreg.gather [hbm4b:s1+s3], $0x80, v3, vm0, $0xb8;
	[tilespmem:$0x1C200] =	vst v63  }
0x8f: {  	s5 =	simm.s32 $0x16A00  }
0x90: {  	[tilespmem:s5], [sflag:$0x4] =	stream.indirect_vreg.gather [hbm4b:s10+s3], $0x80, v3, vm0, $0xb8;
	[tilespmem:$0x1C200] =	vst v63  }
0x91: {  	s8 =	simm.s32 $0x17200  }
0x92: {  	[tilespmem:s8], [sflag:$0x4] =	stream.indirect_vreg.gather [hbm4b:s12+s3], $0x80, v3, vm0, $0xb8;
	[tilespmem:$0x1C200] =	vst v63  }
0x93: {  	s9 =	simm.s32 $0x17A00;
	s14 =	simm.s32 $0x0  }
0x94: {  	[tilespmem:s9], [sflag:$0x4] =	stream.indirect_vreg.gather [hbm4b:s13+s3], $0x80, v3, vm0, $0xb8;
	[tilespmem:$0x1C200] =	vst v63  }
0x95: {  	s0 =	sand.u32 $0x2000, s14;
	s8 =	sand.u32 $0x1C00, s3;
	s9 =	simm.s32 $0x0  }
0x96: {  	s0 =	sor.u32 s8, s0;
	s15 =	sand.u32 $0x380, s9  }
0x97: {  	s8 =	sor.u32 s15, s0  }
0x98: {  	v3 =	vld [tilespmem:s8+$0x270]  }
0x99: {  	v8 =	vld [tilespmem:s8+$0x200]  }
0x9a: {  	v9 =	vld [tilespmem:s8+$0x210]  }
0x9b: {  	v7 =	vld [tilespmem:s8+$0x220]  }
0x9c: {  	v6 =	vld [tilespmem:s8+$0x230]  }
0x9d: {  	v5 =	vld [tilespmem:s8+$0x240]  }
0x9e: {  	v4 =	vld [tilespmem:s8+$0x260]  }
0x9f: {  	[tilespmem:s8+$0x8270] =	vst.add.f32.msk $0xffff, v3  }
0xa0: {  	v3 =	vld [tilespmem:s8+$0x250]  }
0xa1: {  	[tilespmem:s8+$0x8200] =	vst.add.f32.msk $0xffff, v8  }
0xa2: {  	s9 =	simm.s32 $0x0;
	s0 =	simm.s32 $0x0;
	[tilespmem:s8+$0x8210] =	vst.add.f32.msk $0xffff, v9  }
.LBB2_2:
0xa3: {  	s9 =	sadd.s32 $0x8, s9;
	[tilespmem:s8+$0x8220] =	vst.add.f32.msk $0xffff, v7  }
0xa4: {  	s0 =	sadd.s32 $0x400, s0;
	s5 =	sshll.u32 s9, $0x4;
	p0 =	slt.u32 s9, $0x3F8;
	[tilespmem:s8+$0x8230] =	vst.add.f32.msk $0xffff, v6  }
0xa5: {  	s14 =	sand.u32 $0x1C00, s0;
	s15 =	sshll.u32 s9, $0x1;
	s5 =	sand.u32 $0x2000, s5;
	[tilespmem:s8+$0x8240] =	vst.add.f32.msk $0xffff, v5  }
0xa6: {  	s5 =	sor.u32 s14, s5;
	s14 =	sand.u32 $0x380, s15;
	[tilespmem:s8+$0x8250] =	vst.add.f32.msk $0xffff, v3  }
0xa7: {  	[tilespmem:s8+$0x8260] =	vst.add.f32.msk $0xffff, v4;
	s8 =	sor.u32 s14, s5  }
0xa8: {  	v3 =	vld [tilespmem:s8+$0x270]  }
0xa9: {  	v8 =	vld [tilespmem:s8+$0x200]  }
0xaa: {  	v9 =	vld [tilespmem:s8+$0x210]  }
0xab: {  	v7 =	vld [tilespmem:s8+$0x220]  }
0xac: {  	v6 =	vld [tilespmem:s8+$0x230]  }
0xad: {  	[tilespmem:s8+$0x8270] =	vst.add.f32.msk $0xffff, v3  }
.Ltmp0:
0xae: {  	v5 =	vld [tilespmem:s8+$0x240];
	(pc) =	sbr.rel @p0 .LBB2_2-.Ltmp0, $4  }
0xaf: {  	v3 =	vld [tilespmem:s8+$0x250]  }
0xb0: {  	v4 =	vld [tilespmem:s8+$0x260]  }
0xb1: {  	[tilespmem:s8+$0x8200] =	vst.add.f32.msk $0xffff, v8  }
0xb2: {  	[tilespmem:s8+$0x8210] =	vst.add.f32.msk $0xffff, v9  }
0xb3: {  	[tilespmem:s8+$0x8220] =	vst.add.f32.msk $0xffff, v7  }
0xb4: {  	[tilespmem:s8+$0x8230] =	vst.add.f32.msk $0xffff, v6  }
0xb5: {  	[tilespmem:s8+$0x8240] =	vst.add.f32.msk $0xffff, v5  }
0xb6: {  	[tilespmem:s8+$0x8250] =	vst.add.f32.msk $0xffff, v3  }
0xb7: {  	[tilespmem:s8+$0x8260] =	vst.add.f32.msk $0xffff, v4  }
0xb8: {  	s8 =	simm.s32 $0x0;
	s0 =	rddreg [dreg:$0xb]  }
0xb9: {  	[hbm4b:s0+s8] =	stream.linear.scatter [tilespmem:s7], [sflag:$0x6], $0x4000, $0x38;
	[tilespmem:$0x1C200] =	vst v63  }
0xba: {  	_ =	swait.ge [sflag:s29], $0x4000  }
0xbb: {  	[sflag:s29] =	ssyncset.done $0x0  }
0xbc: {  	[sflag:s29] =	ssyncadd.s32 $0xFFFFC000  }
0xbd: {  	v3 =	vld [tilespmem:$0x10];
	_ =	sdelay $0x4  }
0xbe: {  	v4 =	vshll.u32 v3, $0x3  }
0xbf: {  	v3 =	vand.u32 $0x7, v3;
	v4 =	vand.u32 $0xFFFFFFC0, v4  }
0xc0: {  	v3 =	vor.u32 v3, v4  }
0xc1: {  	v4 =	vperm.xlane v3, v0;
	_ =	sdelay $0x1  }
0xc2: {  	v4 =	vadd.s32 v1, v4;
	_ =	sdelay $0x4  }
0xc3: {  	[tilespmem:s30], [sflag:$0x5] =	stream.indirect_vreg.gather [hbm4b:s1+s8], $0x80, v4, vm0, $0xb8;
	[tilespmem:$0x1C200] =	vst v63  }
0xc4: {  	s15 =	simm.s32 $0x18A00;
	v3 =	vperm.xlane v3, v2  }
0xc5: {  	[tilespmem:s15], [sflag:$0x5] =	stream.indirect_vreg.gather [hbm4b:s10+s8], $0x80, v4, vm0, $0xb8;
	[tilespmem:$0x1C200] =	vst v63  }
0xc6: {  	s5 =	simm.s32 $0x19200;
	v3 =	vadd.s32 v1, v3  }
0xc7: {  	[tilespmem:s5], [sflag:$0x5] =	stream.indirect_vreg.gather [hbm4b:s12+s8], $0x80, v4, vm0, $0xb8;
	[tilespmem:$0x1C200] =	vst v63  }
0xc8: {  	s9 =	simm.s32 $0x19A00  }
0xc9: {  	[tilespmem:s9], [sflag:$0x5] =	stream.indirect_vreg.gather [hbm4b:s13+s8], $0x80, v4, vm0, $0xb8;
	[tilespmem:$0x1C200] =	vst v63  }
0xca: {  	s14 =	simm.s32 $0x1A200  }
0xcb: {  	[tilespmem:s14], [sflag:$0x5] =	stream.indirect_vreg.gather [hbm4b:s1+s8], $0x80, v3, vm0, $0xb8;
	[tilespmem:$0x1C200] =	vst v63  }
0xcc: {  	s15 =	simm.s32 $0x1AA00  }
0xcd: {  	[tilespmem:s15], [sflag:$0x5] =	stream.indirect_vreg.gather [hbm4b:s10+s8], $0x80, v3, vm0, $0xb8;
	[tilespmem:$0x1C200] =	vst v63  }
0xce: {  	s5 =	simm.s32 $0x1B200  }
0xcf: {  	[tilespmem:s5], [sflag:$0x5] =	stream.indirect_vreg.gather [hbm4b:s12+s8], $0x80, v3, vm0, $0xb8;
	[tilespmem:$0x1C200] =	vst v63  }
0xd0: {  	s9 =	simm.s32 $0x1BA00;
	s14 =	simm.s32 $0x0  }
0xd1: {  	[tilespmem:s9], [sflag:$0x5] =	stream.indirect_vreg.gather [hbm4b:s13+s8], $0x80, v3, vm0, $0xb8;
	[tilespmem:$0x1C200] =	vst v63  }
0xd2: {  	s0 =	sand.u32 $0x2000, s14;
	s5 =	sand.u32 $0x1C00, s8;
	s9 =	simm.s32 $0x0  }
0xd3: {  	s0 =	sor.u32 s5, s0;
	s15 =	sand.u32 $0x380, s9  }
0xd4: {  	s9 =	sor.u32 s15, s0  }
0xd5: {  	v3 =	vld [tilespmem:s9+$0x270]  }
0xd6: {  	v8 =	vld [tilespmem:s9+$0x200]  }
0xd7: {  	v9 =	vld [tilespmem:s9+$0x210]  }
0xd8: {  	v7 =	vld [tilespmem:s9+$0x220]  }
0xd9: {  	v6 =	vld [tilespmem:s9+$0x230]  }
0xda: {  	v5 =	vld [tilespmem:s9+$0x240]  }
0xdb: {  	v4 =	vld [tilespmem:s9+$0x260]  }
0xdc: {  	[tilespmem:s9+$0xC270] =	vst.add.f32.msk $0xffff, v3  }
0xdd: {  	v3 =	vld [tilespmem:s9+$0x250]  }
0xde: {  	[tilespmem:s9+$0xC200] =	vst.add.f32.msk $0xffff, v8  }
0xdf: {  	s0 =	simm.s32 $0x0;
	[tilespmem:s9+$0xC210] =	vst.add.f32.msk $0xffff, v9  }
.LBB2_4:
0xe0: {  	s0 =	sadd.s32 $0x8, s0;
	[tilespmem:s9+$0xC220] =	vst.add.f32.msk $0xffff, v7  }
0xe1: {  	s8 =	sadd.s32 $0x400, s8;
	s5 =	sshll.u32 s0, $0x4;
	p0 =	slt.u32 s0, $0x3F8;
	[tilespmem:s9+$0xC230] =	vst.add.f32.msk $0xffff, v6  }
0xe2: {  	s14 =	sand.u32 $0x1C00, s8;
	s15 =	sshll.u32 s0, $0x1;
	s5 =	sand.u32 $0x2000, s5;
	[tilespmem:s9+$0xC240] =	vst.add.f32.msk $0xffff, v5  }
0xe3: {  	s5 =	sor.u32 s14, s5;
	s14 =	sand.u32 $0x380, s15;
	[tilespmem:s9+$0xC250] =	vst.add.f32.msk $0xffff, v3  }
0xe4: {  	[tilespmem:s9+$0xC260] =	vst.add.f32.msk $0xffff, v4;
	s9 =	sor.u32 s14, s5  }
0xe5: {  	v3 =	vld [tilespmem:s9+$0x270]  }
0xe6: {  	v8 =	vld [tilespmem:s9+$0x200]  }
0xe7: {  	v9 =	vld [tilespmem:s9+$0x210]  }
0xe8: {  	v7 =	vld [tilespmem:s9+$0x220]  }
0xe9: {  	v6 =	vld [tilespmem:s9+$0x230]  }
0xea: {  	[tilespmem:s9+$0xC270] =	vst.add.f32.msk $0xffff, v3  }
.Ltmp1:
0xeb: {  	v5 =	vld [tilespmem:s9+$0x240];
	(pc) =	sbr.rel @p0 .LBB2_4-.Ltmp1, $4  }
0xec: {  	v3 =	vld [tilespmem:s9+$0x250]  }
0xed: {  	v4 =	vld [tilespmem:s9+$0x260]  }
0xee: {  	[tilespmem:s9+$0xC200] =	vst.add.f32.msk $0xffff, v8  }
0xef: {  	[tilespmem:s9+$0xC210] =	vst.add.f32.msk $0xffff, v9  }
0xf0: {  	[tilespmem:s9+$0xC220] =	vst.add.f32.msk $0xffff, v7  }
0xf1: {  	[tilespmem:s9+$0xC230] =	vst.add.f32.msk $0xffff, v6  }
0xf2: {  	[tilespmem:s9+$0xC240] =	vst.add.f32.msk $0xffff, v5  }
0xf3: {  	[tilespmem:s9+$0xC250] =	vst.add.f32.msk $0xffff, v3  }
0xf4: {  	[tilespmem:s9+$0xC260] =	vst.add.f32.msk $0xffff, v4  }
0xf5: {  	s8 =	simm.s32 $0x0;
	s0 =	rddreg [dreg:$0xc]  }
0xf6: {  	[hbm4b:s0+s8] =	stream.linear.scatter [tilespmem:s17], [sflag:$0x7], $0x4000, $0x38;
	[tilespmem:$0x1C200] =	vst v63  }
0xf7: {  	_ =	swait.ge [sflag:s24], $0x4000  }
0xf8: {  	[sflag:s24] =	ssyncset.done $0x0  }
0xf9: {  	[sflag:s24] =	ssyncadd.s32 $0xFFFFC000  }
0xfa: {  	_ =	swait.ge [sflag:s26], $0x4000  }
0xfb: {  	[sflag:s26] =	ssyncset.done $0x0  }
0xfc: {  	[sflag:s26] =	ssyncadd.s32 $0xFFFFC000  }
0xfd: {  	v3 =	vld [tilespmem:$0x90];
	_ =	sdelay $0x4  }
0xfe: {  	v4 =	vshll.u32 v3, $0x3  }
0xff: {  	v3 =	vand.u32 $0x7, v3;
	v4 =	vand.u32 $0xFFFFFFC0, v4  }
0x100: {  	v3 =	vor.u32 v3, v4  }
0x101: {  	v4 =	vperm.xlane v3, v0;
	_ =	sdelay $0x1  }
0x102: {  	v4 =	vadd.s32 v1, v4;
	_ =	sdelay $0x4  }
0x103: {  	[tilespmem:s7], [sflag:$0x1] =	stream.indirect_vreg.gather [hbm4b:s1+s8], $0x80, v4, vm0, $0xb8;
	[tilespmem:$0x1C200] =	vst v63  }
0x104: {  	s15 =	simm.s32 $0x8A00;
	v3 =	vperm.xlane v3, v2  }
0x105: {  	[tilespmem:s15], [sflag:$0x1] =	stream.indirect_vreg.gather [hbm4b:s10+s8], $0x80, v4, vm0, $0xb8;
	[tilespmem:$0x1C200] =	vst v63  }
0x106: {  	s5 =	simm.s32 $0x9200;
	v3 =	vadd.s32 v1, v3  }
0x107: {  	[tilespmem:s5], [sflag:$0x1] =	stream.indirect_vreg.gather [hbm4b:s12+s8], $0x80, v4, vm0, $0xb8;
	[tilespmem:$0x1C200] =	vst v63  }
0x108: {  	s9 =	simm.s32 $0x9A00  }
0x109: {  	[tilespmem:s9], [sflag:$0x1] =	stream.indirect_vreg.gather [hbm4b:s13+s8], $0x80, v4, vm0, $0xb8;
	[tilespmem:$0x1C200] =	vst v63  }
0x10a: {  	s14 =	simm.s32 $0xA200  }
0x10b: {  	[tilespmem:s14], [sflag:$0x1] =	stream.indirect_vreg.gather [hbm4b:s1+s8], $0x80, v3, vm0, $0xb8;
	[tilespmem:$0x1C200] =	vst v63  }
0x10c: {  	s15 =	simm.s32 $0xAA00  }
0x10d: {  	[tilespmem:s15], [sflag:$0x1] =	stream.indirect_vreg.gather [hbm4b:s10+s8], $0x80, v3, vm0, $0xb8;
	[tilespmem:$0x1C200] =	vst v63  }
0x10e: {  	s5 =	simm.s32 $0xB200;
	s9 =	simm.s32 $0x0  }
0x10f: {  	[tilespmem:s5], [sflag:$0x1] =	stream.indirect_vreg.gather [hbm4b:s12+s8], $0x80, v3, vm0, $0xb8;
	[tilespmem:$0x1C200] =	vst v63  }
0x110: {  	s0 =	sand.u32 $0x2000, s9;
	s14 =	simm.s32 $0x0;
	s5 =	sand.u32 $0x1C00, s8  }
0x111: {  	s15 =	sand.u32 $0x380, s14;
	s0 =	sor.u32 s5, s0  }
0x112: {  	[tilespmem:s16], [sflag:$0x1] =	stream.indirect_vreg.gather [hbm4b:s13+s8], $0x80, v3, vm0, $0xb8;
	[tilespmem:$0x1C200] =	vst v63  }
0x113: {  	s9 =	sor.u32 s15, s0  }
0x114: {  	v3 =	vld [tilespmem:s9+$0x270]  }
0x115: {  	v8 =	vld [tilespmem:s9+$0x200]  }
0x116: {  	v9 =	vld [tilespmem:s9+$0x210]  }
0x117: {  	v7 =	vld [tilespmem:s9+$0x220]  }
0x118: {  	v6 =	vld [tilespmem:s9+$0x230]  }
0x119: {  	v5 =	vld [tilespmem:s9+$0x240]  }
0x11a: {  	v4 =	vld [tilespmem:s9+$0x260]  }
0x11b: {  	[tilespmem:s9+$0x10270] =	vst.add.f32.msk $0xffff, v3  }
0x11c: {  	v3 =	vld [tilespmem:s9+$0x250]  }
0x11d: {  	[tilespmem:s9+$0x10200] =	vst.add.f32.msk $0xffff, v8  }
0x11e: {  	s0 =	simm.s32 $0x0;
	[tilespmem:s9+$0x10210] =	vst.add.f32.msk $0xffff, v9  }
.LBB2_6:
0x11f: {  	s0 =	sadd.s32 $0x8, s0;
	[tilespmem:s9+$0x10220] =	vst.add.f32.msk $0xffff, v7  }
0x120: {  	s8 =	sadd.s32 $0x400, s8;
	s5 =	sshll.u32 s0, $0x4;
	p0 =	slt.u32 s0, $0x3F8;
	[tilespmem:s9+$0x10230] =	vst.add.f32.msk $0xffff, v6  }
0x121: {  	s14 =	sand.u32 $0x1C00, s8;
	s15 =	sshll.u32 s0, $0x1;
	s5 =	sand.u32 $0x2000, s5;
	[tilespmem:s9+$0x10240] =	vst.add.f32.msk $0xffff, v5  }
0x122: {  	s5 =	sor.u32 s14, s5;
	s14 =	sand.u32 $0x380, s15;
	[tilespmem:s9+$0x10250] =	vst.add.f32.msk $0xffff, v3  }
0x123: {  	[tilespmem:s9+$0x10260] =	vst.add.f32.msk $0xffff, v4;
	s9 =	sor.u32 s14, s5  }
0x124: {  	v3 =	vld [tilespmem:s9+$0x270]  }
0x125: {  	v8 =	vld [tilespmem:s9+$0x200]  }
0x126: {  	v9 =	vld [tilespmem:s9+$0x210]  }
0x127: {  	v7 =	vld [tilespmem:s9+$0x220]  }
0x128: {  	v6 =	vld [tilespmem:s9+$0x230]  }
0x129: {  	[tilespmem:s9+$0x10270] =	vst.add.f32.msk $0xffff, v3  }
.Ltmp2:
0x12a: {  	v5 =	vld [tilespmem:s9+$0x240];
	(pc) =	sbr.rel @p0 .LBB2_6-.Ltmp2, $4  }
0x12b: {  	v3 =	vld [tilespmem:s9+$0x250]  }
0x12c: {  	v4 =	vld [tilespmem:s9+$0x260]  }
0x12d: {  	[tilespmem:s9+$0x10200] =	vst.add.f32.msk $0xffff, v8  }
0x12e: {  	[tilespmem:s9+$0x10210] =	vst.add.f32.msk $0xffff, v9  }
0x12f: {  	[tilespmem:s9+$0x10220] =	vst.add.f32.msk $0xffff, v7  }
0x130: {  	[tilespmem:s9+$0x10230] =	vst.add.f32.msk $0xffff, v6  }
0x131: {  	[tilespmem:s9+$0x10240] =	vst.add.f32.msk $0xffff, v5  }
0x132: {  	[tilespmem:s9+$0x10250] =	vst.add.f32.msk $0xffff, v3  }
0x133: {  	[tilespmem:s9+$0x10260] =	vst.add.f32.msk $0xffff, v4  }
0x134: {  	s8 =	simm.s32 $0x0;
	s0 =	rddreg [dreg:$0xd]  }
0x135: {  	[hbm4b:s0+s8] =	stream.linear.scatter [tilespmem:s25], [sflag:$0x8], $0x4000, $0x38;
	[tilespmem:$0x1C200] =	vst v63  }
0x136: {  	_ =	swait.ge [sflag:s28], $0x4000  }
0x137: {  	[sflag:s28] =	ssyncset.done $0x0  }
0x138: {  	[sflag:s28] =	ssyncadd.s32 $0xFFFFC000  }
0x139: {  	_ =	swait.ge [sflag:s31], $0x4000  }
0x13a: {  	[sflag:s31] =	ssyncset.done $0x0  }
0x13b: {  	[sflag:s31] =	ssyncadd.s32 $0xFFFFC000  }
0x13c: {  	v3 =	vld [tilespmem:$0x110];
	_ =	sdelay $0x4  }
0x13d: {  	v4 =	vshll.u32 v3, $0x3  }
0x13e: {  	v3 =	vand.u32 $0x7, v3;
	v4 =	vand.u32 $0xFFFFFFC0, v4  }
0x13f: {  	v3 =	vor.u32 v3, v4  }
0x140: {  	v4 =	vperm.xlane v3, v0;
	_ =	sdelay $0x1  }
0x141: {  	v4 =	vadd.s32 v1, v4;
	_ =	sdelay $0x4  }
0x142: {  	[tilespmem:s17], [sflag:$0x2] =	stream.indirect_vreg.gather [hbm4b:s1+s8], $0x80, v4, vm0, $0xb8;
	[tilespmem:$0x1C200] =	vst v63  }
0x143: {  	s14 =	simm.s32 $0xCA00;
	v3 =	vperm.xlane v3, v2  }
0x144: {  	[tilespmem:s14], [sflag:$0x2] =	stream.indirect_vreg.gather [hbm4b:s10+s8], $0x80, v4, vm0, $0xb8;
	[tilespmem:$0x1C200] =	vst v63  }
0x145: {  	s15 =	simm.s32 $0xD200;
	v3 =	vadd.s32 v1, v3  }
0x146: {  	[tilespmem:s15], [sflag:$0x2] =	stream.indirect_vreg.gather [hbm4b:s12+s8], $0x80, v4, vm0, $0xb8;
	[tilespmem:$0x1C200] =	vst v63  }
0x147: {  	s5 =	simm.s32 $0xDA00  }
0x148: {  	[tilespmem:s5], [sflag:$0x2] =	stream.indirect_vreg.gather [hbm4b:s13+s8], $0x80, v4, vm0, $0xb8;
	[tilespmem:$0x1C200] =	vst v63  }
0x149: {  	s9 =	simm.s32 $0xE200  }
0x14a: {  	[tilespmem:s9], [sflag:$0x2] =	stream.indirect_vreg.gather [hbm4b:s1+s8], $0x80, v3, vm0, $0xb8;
	[tilespmem:$0x1C200] =	vst v63  }
0x14b: {  	s14 =	simm.s32 $0xEA00  }
0x14c: {  	[tilespmem:s14], [sflag:$0x2] =	stream.indirect_vreg.gather [hbm4b:s10+s8], $0x80, v3, vm0, $0xb8;
	[tilespmem:$0x1C200] =	vst v63  }
0x14d: {  	s15 =	simm.s32 $0xF200  }
0x14e: {  	[tilespmem:s15], [sflag:$0x2] =	stream.indirect_vreg.gather [hbm4b:s12+s8], $0x80, v3, vm0, $0xb8;
	[tilespmem:$0x1C200] =	vst v63  }
0x14f: {  	s5 =	simm.s32 $0xFA00;
	s9 =	simm.s32 $0x0  }
0x150: {  	[tilespmem:s5], [sflag:$0x2] =	stream.indirect_vreg.gather [hbm4b:s13+s8], $0x80, v3, vm0, $0xb8;
	[tilespmem:$0x1C200] =	vst v63  }
0x151: {  	s0 =	sand.u32 $0x2000, s9;
	s14 =	simm.s32 $0x0;
	s5 =	sand.u32 $0x1C00, s8  }
0x152: {  	s15 =	sand.u32 $0x380, s14;
	s0 =	sor.u32 s5, s0  }
0x153: {  	s9 =	sor.u32 s15, s0  }
0x154: {  	v3 =	vld [tilespmem:s9+$0x270]  }
0x155: {  	v8 =	vld [tilespmem:s9+$0x200]  }
0x156: {  	v9 =	vld [tilespmem:s9+$0x210]  }
0x157: {  	v7 =	vld [tilespmem:s9+$0x220]  }
0x158: {  	v6 =	vld [tilespmem:s9+$0x230]  }
0x159: {  	v5 =	vld [tilespmem:s9+$0x240]  }
0x15a: {  	v4 =	vld [tilespmem:s9+$0x260]  }
0x15b: {  	[tilespmem:s9+$0x14270] =	vst.add.f32.msk $0xffff, v3  }
0x15c: {  	v3 =	vld [tilespmem:s9+$0x250]  }
0x15d: {  	[tilespmem:s9+$0x14200] =	vst.add.f32.msk $0xffff, v8  }
0x15e: {  	s0 =	simm.s32 $0x0;
	[tilespmem:s9+$0x14210] =	vst.add.f32.msk $0xffff, v9  }
.LBB2_8:
0x15f: {  	s0 =	sadd.s32 $0x8, s0;
	[tilespmem:s9+$0x14220] =	vst.add.f32.msk $0xffff, v7  }
0x160: {  	s8 =	sadd.s32 $0x400, s8;
	s5 =	sshll.u32 s0, $0x4;
	p0 =	slt.u32 s0, $0x3F8;
	[tilespmem:s9+$0x14230] =	vst.add.f32.msk $0xffff, v6  }
0x161: {  	s14 =	sand.u32 $0x1C00, s8;
	s15 =	sshll.u32 s0, $0x1;
	s5 =	sand.u32 $0x2000, s5;
	[tilespmem:s9+$0x14240] =	vst.add.f32.msk $0xffff, v5  }
0x162: {  	s5 =	sor.u32 s14, s5;
	s14 =	sand.u32 $0x380, s15;
	[tilespmem:s9+$0x14250] =	vst.add.f32.msk $0xffff, v3  }
0x163: {  	[tilespmem:s9+$0x14260] =	vst.add.f32.msk $0xffff, v4;
	s9 =	sor.u32 s14, s5  }
0x164: {  	v3 =	vld [tilespmem:s9+$0x270]  }
0x165: {  	v8 =	vld [tilespmem:s9+$0x200]  }
0x166: {  	v9 =	vld [tilespmem:s9+$0x210]  }
0x167: {  	v7 =	vld [tilespmem:s9+$0x220]  }
0x168: {  	v6 =	vld [tilespmem:s9+$0x230]  }
0x169: {  	[tilespmem:s9+$0x14270] =	vst.add.f32.msk $0xffff, v3  }
.Ltmp3:
0x16a: {  	v5 =	vld [tilespmem:s9+$0x240];
	(pc) =	sbr.rel @p0 .LBB2_8-.Ltmp3, $4  }
0x16b: {  	v3 =	vld [tilespmem:s9+$0x250]  }
0x16c: {  	v4 =	vld [tilespmem:s9+$0x260]  }
0x16d: {  	[tilespmem:s9+$0x14200] =	vst.add.f32.msk $0xffff, v8  }
0x16e: {  	[tilespmem:s9+$0x14210] =	vst.add.f32.msk $0xffff, v9  }
0x16f: {  	[tilespmem:s9+$0x14220] =	vst.add.f32.msk $0xffff, v7  }
0x170: {  	[tilespmem:s9+$0x14230] =	vst.add.f32.msk $0xffff, v6  }
0x171: {  	[tilespmem:s9+$0x14240] =	vst.add.f32.msk $0xffff, v5  }
0x172: {  	[tilespmem:s9+$0x14250] =	vst.add.f32.msk $0xffff, v3  }
0x173: {  	[tilespmem:s9+$0x14260] =	vst.add.f32.msk $0xffff, v4  }
0x174: {  	s8 =	simm.s32 $0x0;
	s0 =	rddreg [dreg:$0xe]  }
0x175: {  	[hbm4b:s0+s8] =	stream.linear.scatter [tilespmem:s19], [sflag:$0x9], $0x4000, $0x38;
	[tilespmem:$0x1C200] =	vst v63  }
0x176: {  	s5 =	simm.s32 $0x200;
	s15 =	rddreg [dreg:$0xf]  }
0x177: {  	[tilespmem:s5], [sflag:$0xC] =	stream.linear.gather [hbm4b:s15+s8], $0x4000, $0x38;
	[tilespmem:$0x1C200] =	vst v63  }
0x178: {  	_ =	swait.ge [sflag:s2], $0x4000  }
0x179: {  	[sflag:s2] =	ssyncset.done $0x0  }
0x17a: {  	[sflag:s2] =	ssyncadd.s32 $0xFFFFC000  }
0x17b: {  	_ =	swait.ge [sflag:s4], $0x4000  }
0x17c: {  	[sflag:s4] =	ssyncset.done $0x0  }
0x17d: {  	[sflag:s4] =	ssyncadd.s32 $0xFFFFC000  }
0x17e: {  	_ =	swait.ge [sflag:s20], $0x4000  }
0x17f: {  	[sflag:s20] =	ssyncset.done $0x0  }
0x180: {  	[sflag:s20] =	ssyncadd.s32 $0xFFFFC000  }
0x181: {  	v3 =	vld [tilespmem:$0x190];
	_ =	sdelay $0x4  }
0x182: {  	v4 =	vshll.u32 v3, $0x3  }
0x183: {  	v3 =	vand.u32 $0x7, v3;
	v4 =	vand.u32 $0xFFFFFFC0, v4  }
0x184: {  	v3 =	vor.u32 v3, v4  }
0x185: {  	v4 =	vperm.xlane v3, v0;
	_ =	sdelay $0x1  }
0x186: {  	v4 =	vadd.s32 v1, v4;
	_ =	sdelay $0x4  }
0x187: {  	[tilespmem:s25], [sflag:$0x3] =	stream.indirect_vreg.gather [hbm4b:s1+s8], $0x80, v4, vm0, $0xb8;
	[tilespmem:$0x1C200] =	vst v63  }
0x188: {  	s9 =	simm.s32 $0x10A00;
	v3 =	vperm.xlane v3, v2  }
0x189: {  	[tilespmem:s9], [sflag:$0x3] =	stream.indirect_vreg.gather [hbm4b:s10+s8], $0x80, v4, vm0, $0xb8;
	[tilespmem:$0x1C200] =	vst v63  }
0x18a: {  	s14 =	simm.s32 $0x11200;
	v3 =	vadd.s32 v1, v3  }
0x18b: {  	[tilespmem:s14], [sflag:$0x3] =	stream.indirect_vreg.gather [hbm4b:s12+s8], $0x80, v4, vm0, $0xb8;
	[tilespmem:$0x1C200] =	vst v63  }
0x18c: {  	s15 =	simm.s32 $0x11A00  }
0x18d: {  	[tilespmem:s15], [sflag:$0x3] =	stream.indirect_vreg.gather [hbm4b:s13+s8], $0x80, v4, vm0, $0xb8;
	[tilespmem:$0x1C200] =	vst v63  }
0x18e: {  	s5 =	simm.s32 $0x12200  }
0x18f: {  	[tilespmem:s5], [sflag:$0x3] =	stream.indirect_vreg.gather [hbm4b:s1+s8], $0x80, v3, vm0, $0xb8;
	[tilespmem:$0x1C200] =	vst v63  }
0x190: {  	s9 =	simm.s32 $0x12A00  }
0x191: {  	[tilespmem:s9], [sflag:$0x3] =	stream.indirect_vreg.gather [hbm4b:s10+s8], $0x80, v3, vm0, $0xb8;
	[tilespmem:$0x1C200] =	vst v63  }
0x192: {  	s14 =	simm.s32 $0x13200;
	s15 =	simm.s32 $0x13A00;
	s5 =	simm.s32 $0x0  }
0x193: {  	[tilespmem:s14], [sflag:$0x3] =	stream.indirect_vreg.gather [hbm4b:s12+s8], $0x80, v3, vm0, $0xb8;
	[tilespmem:$0x1C200] =	vst v63  }
0x194: {  	s0 =	sand.u32 $0x2000, s5;
	s9 =	sand.u32 $0x1C00, s8;
	s14 =	simm.s32 $0x0  }
0x195: {  	[tilespmem:s15], [sflag:$0x3] =	stream.indirect_vreg.gather [hbm4b:s13+s8], $0x80, v3, vm0, $0xb8;
	[tilespmem:$0x1C200] =	vst v63  }
0x196: {  	s0 =	sor.u32 s9, s0;
	s15 =	sand.u32 $0x380, s14  }
0x197: {  	s9 =	sor.u32 s15, s0  }
0x198: {  	v3 =	vld [tilespmem:s9+$0x4270]  }
0x199: {  	v8 =	vld [tilespmem:s9+$0x4200]  }
0x19a: {  	v9 =	vld [tilespmem:s9+$0x4210]  }
0x19b: {  	v7 =	vld [tilespmem:s9+$0x4220]  }
0x19c: {  	v6 =	vld [tilespmem:s9+$0x4230]  }
0x19d: {  	v5 =	vld [tilespmem:s9+$0x4240]  }
0x19e: {  	v4 =	vld [tilespmem:s9+$0x4260]  }
0x19f: {  	[tilespmem:s9+$0x18270] =	vst.add.f32.msk $0xffff, v3  }
0x1a0: {  	v3 =	vld [tilespmem:s9+$0x4250]  }
0x1a1: {  	[tilespmem:s9+$0x18200] =	vst.add.f32.msk $0xffff, v8  }
0x1a2: {  	s0 =	simm.s32 $0x0;
	[tilespmem:s9+$0x18210] =	vst.add.f32.msk $0xffff, v9  }
.LBB2_10:
0x1a3: {  	s0 =	sadd.s32 $0x8, s0;
	[tilespmem:s9+$0x18220] =	vst.add.f32.msk $0xffff, v7  }
0x1a4: {  	s8 =	sadd.s32 $0x400, s8;
	s5 =	sshll.u32 s0, $0x4;
	p0 =	slt.u32 s0, $0x3F8;
	[tilespmem:s9+$0x18230] =	vst.add.f32.msk $0xffff, v6  }
0x1a5: {  	s14 =	sand.u32 $0x1C00, s8;
	s15 =	sshll.u32 s0, $0x1;
	s5 =	sand.u32 $0x2000, s5;
	[tilespmem:s9+$0x18240] =	vst.add.f32.msk $0xffff, v5  }
0x1a6: {  	s5 =	sor.u32 s14, s5;
	s14 =	sand.u32 $0x380, s15;
	[tilespmem:s9+$0x18250] =	vst.add.f32.msk $0xffff, v3  }
0x1a7: {  	[tilespmem:s9+$0x18260] =	vst.add.f32.msk $0xffff, v4;
	s9 =	sor.u32 s14, s5  }
0x1a8: {  	v3 =	vld [tilespmem:s9+$0x4270]  }
0x1a9: {  	v8 =	vld [tilespmem:s9+$0x4200]  }
0x1aa: {  	v9 =	vld [tilespmem:s9+$0x4210]  }
0x1ab: {  	v7 =	vld [tilespmem:s9+$0x4220]  }
0x1ac: {  	v6 =	vld [tilespmem:s9+$0x4230]  }
0x1ad: {  	[tilespmem:s9+$0x18270] =	vst.add.f32.msk $0xffff, v3  }
.Ltmp4:
0x1ae: {  	v5 =	vld [tilespmem:s9+$0x4240];
	(pc) =	sbr.rel @p0 .LBB2_10-.Ltmp4, $4  }
0x1af: {  	v3 =	vld [tilespmem:s9+$0x4250]  }
0x1b0: {  	v4 =	vld [tilespmem:s9+$0x4260]  }
0x1b1: {  	[tilespmem:s9+$0x18200] =	vst.add.f32.msk $0xffff, v8  }
0x1b2: {  	[tilespmem:s9+$0x18210] =	vst.add.f32.msk $0xffff, v9  }
0x1b3: {  	[tilespmem:s9+$0x18220] =	vst.add.f32.msk $0xffff, v7  }
0x1b4: {  	[tilespmem:s9+$0x18230] =	vst.add.f32.msk $0xffff, v6  }
0x1b5: {  	[tilespmem:s9+$0x18240] =	vst.add.f32.msk $0xffff, v5  }
0x1b6: {  	[tilespmem:s9+$0x18250] =	vst.add.f32.msk $0xffff, v3  }
0x1b7: {  	[tilespmem:s9+$0x18260] =	vst.add.f32.msk $0xffff, v4  }
0x1b8: {  	s8 =	simm.s32 $0x0;
	s0 =	rddreg [dreg:$0x10]  }
0x1b9: {  	[hbm4b:s0+s8] =	stream.linear.scatter [tilespmem:s30], [sflag:$0xA], $0x4000, $0x38;
	[tilespmem:$0x1C200] =	vst v63  }
0x1ba: {  	_ =	swait.ge [sflag:s11], $0x4000  }
0x1bb: {  	[sflag:s11] =	ssyncset.done $0x0  }
0x1bc: {  	[sflag:s11] =	ssyncadd.s32 $0xFFFFC000  }
0x1bd: {  	_ =	swait.ge [sflag:s21], $0x4000  }
0x1be: {  	[sflag:s21] =	ssyncset.done $0x0  }
0x1bf: {  	[sflag:s21] =	ssyncadd.s32 $0xFFFFC000  }
0x1c0: {  	v3 =	vld [tilespmem:$0x20];
	_ =	sdelay $0x4  }
0x1c1: {  	v4 =	vshll.u32 v3, $0x3  }
0x1c2: {  	v3 =	vand.u32 $0x7, v3;
	v4 =	vand.u32 $0xFFFFFFC0, v4  }
0x1c3: {  	v3 =	vor.u32 v3, v4  }
0x1c4: {  	v4 =	vperm.xlane v3, v0;
	_ =	sdelay $0x1  }
0x1c5: {  	v4 =	vadd.s32 v1, v4;
	_ =	sdelay $0x4  }
0x1c6: {  	[tilespmem:s19], [sflag:$0x4] =	stream.indirect_vreg.gather [hbm4b:s1+s8], $0x80, v4, vm0, $0xb8;
	[tilespmem:$0x1C200] =	vst v63  }
0x1c7: {  	s14 =	simm.s32 $0x14A00;
	v3 =	vperm.xlane v3, v2  }
0x1c8: {  	[tilespmem:s14], [sflag:$0x4] =	stream.indirect_vreg.gather [hbm4b:s10+s8], $0x80, v4, vm0, $0xb8;
	[tilespmem:$0x1C200] =	vst v63  }
0x1c9: {  	s15 =	simm.s32 $0x15200;
	v3 =	vadd.s32 v1, v3  }
0x1ca: {  	[tilespmem:s15], [sflag:$0x4] =	stream.indirect_vreg.gather [hbm4b:s12+s8], $0x80, v4, vm0, $0xb8;
	[tilespmem:$0x1C200] =	vst v63  }
0x1cb: {  	s5 =	simm.s32 $0x15A00  }
0x1cc: {  	[tilespmem:s5], [sflag:$0x4] =	stream.indirect_vreg.gather [hbm4b:s13+s8], $0x80, v4, vm0, $0xb8;
	[tilespmem:$0x1C200] =	vst v63  }
0x1cd: {  	s9 =	simm.s32 $0x16200  }
0x1ce: {  	[tilespmem:s9], [sflag:$0x4] =	stream.indirect_vreg.gather [hbm4b:s1+s8], $0x80, v3, vm0, $0xb8;
	[tilespmem:$0x1C200] =	vst v63  }
0x1cf: {  	s14 =	simm.s32 $0x16A00  }
0x1d0: {  	[tilespmem:s14], [sflag:$0x4] =	stream.indirect_vreg.gather [hbm4b:s10+s8], $0x80, v3, vm0, $0xb8;
	[tilespmem:$0x1C200] =	vst v63  }
0x1d1: {  	s15 =	simm.s32 $0x17200  }
0x1d2: {  	[tilespmem:s15], [sflag:$0x4] =	stream.indirect_vreg.gather [hbm4b:s12+s8], $0x80, v3, vm0, $0xb8;
	[tilespmem:$0x1C200] =	vst v63  }
0x1d3: {  	s5 =	simm.s32 $0x17A00;
	s9 =	simm.s32 $0x0  }
0x1d4: {  	[tilespmem:s5], [sflag:$0x4] =	stream.indirect_vreg.gather [hbm4b:s13+s8], $0x80, v3, vm0, $0xb8;
	[tilespmem:$0x1C200] =	vst v63  }
0x1d5: {  	s0 =	sand.u32 $0x2000, s9;
	s14 =	simm.s32 $0x0;
	s5 =	sand.u32 $0x1C00, s8  }
0x1d6: {  	s15 =	sand.u32 $0x380, s14;
	s0 =	sor.u32 s5, s0  }
0x1d7: {  	s9 =	sor.u32 s15, s0  }
0x1d8: {  	v3 =	vld [tilespmem:s9+$0x4270]  }
0x1d9: {  	v8 =	vld [tilespmem:s9+$0x4200]  }
0x1da: {  	v9 =	vld [tilespmem:s9+$0x4210]  }
0x1db: {  	v7 =	vld [tilespmem:s9+$0x4220]  }
0x1dc: {  	v6 =	vld [tilespmem:s9+$0x4230]  }
0x1dd: {  	v5 =	vld [tilespmem:s9+$0x4240]  }
0x1de: {  	v4 =	vld [tilespmem:s9+$0x4260]  }
0x1df: {  	[tilespmem:s9+$0x8270] =	vst.add.f32.msk $0xffff, v3  }
0x1e0: {  	v3 =	vld [tilespmem:s9+$0x4250]  }
0x1e1: {  	[tilespmem:s9+$0x8200] =	vst.add.f32.msk $0xffff, v8  }
0x1e2: {  	s0 =	simm.s32 $0x0;
	[tilespmem:s9+$0x8210] =	vst.add.f32.msk $0xffff, v9  }
.LBB2_12:
0x1e3: {  	s0 =	sadd.s32 $0x8, s0;
	[tilespmem:s9+$0x8220] =	vst.add.f32.msk $0xffff, v7  }
0x1e4: {  	s8 =	sadd.s32 $0x400, s8;
	s5 =	sshll.u32 s0, $0x4;
	p0 =	slt.u32 s0, $0x3F8;
	[tilespmem:s9+$0x8230] =	vst.add.f32.msk $0xffff, v6  }
0x1e5: {  	s14 =	sand.u32 $0x1C00, s8;
	s15 =	sshll.u32 s0, $0x1;
	s5 =	sand.u32 $0x2000, s5;
	[tilespmem:s9+$0x8240] =	vst.add.f32.msk $0xffff, v5  }
0x1e6: {  	s5 =	sor.u32 s14, s5;
	s14 =	sand.u32 $0x380, s15;
	[tilespmem:s9+$0x8250] =	vst.add.f32.msk $0xffff, v3  }
0x1e7: {  	[tilespmem:s9+$0x8260] =	vst.add.f32.msk $0xffff, v4;
	s9 =	sor.u32 s14, s5  }
0x1e8: {  	v3 =	vld [tilespmem:s9+$0x4270]  }
0x1e9: {  	v8 =	vld [tilespmem:s9+$0x4200]  }
0x1ea: {  	v9 =	vld [tilespmem:s9+$0x4210]  }
0x1eb: {  	v7 =	vld [tilespmem:s9+$0x4220]  }
0x1ec: {  	v6 =	vld [tilespmem:s9+$0x4230]  }
0x1ed: {  	[tilespmem:s9+$0x8270] =	vst.add.f32.msk $0xffff, v3  }
.Ltmp5:
0x1ee: {  	v5 =	vld [tilespmem:s9+$0x4240];
	(pc) =	sbr.rel @p0 .LBB2_12-.Ltmp5, $4  }
0x1ef: {  	v3 =	vld [tilespmem:s9+$0x4250]  }
0x1f0: {  	v4 =	vld [tilespmem:s9+$0x4260]  }
0x1f1: {  	[tilespmem:s9+$0x8200] =	vst.add.f32.msk $0xffff, v8  }
0x1f2: {  	[tilespmem:s9+$0x8210] =	vst.add.f32.msk $0xffff, v9  }
0x1f3: {  	[tilespmem:s9+$0x8220] =	vst.add.f32.msk $0xffff, v7  }
0x1f4: {  	[tilespmem:s9+$0x8230] =	vst.add.f32.msk $0xffff, v6  }
0x1f5: {  	[tilespmem:s9+$0x8240] =	vst.add.f32.msk $0xffff, v5  }
0x1f6: {  	[tilespmem:s9+$0x8250] =	vst.add.f32.msk $0xffff, v3  }
0x1f7: {  	[tilespmem:s9+$0x8260] =	vst.add.f32.msk $0xffff, v4  }
0x1f8: {  	s8 =	simm.s32 $0x0;
	s0 =	rddreg [dreg:$0x11]  }
0x1f9: {  	[hbm4b:s0+s8] =	stream.linear.scatter [tilespmem:s7], [sflag:$0x6], $0x4000, $0x38;
	[tilespmem:$0x1C200] =	vst v63  }
0x1fa: {  	_ =	swait.ge [sflag:s29], $0x4000  }
0x1fb: {  	[sflag:s29] =	ssyncset.done $0x0  }
0x1fc: {  	[sflag:s29] =	ssyncadd.s32 $0xFFFFC000  }
0x1fd: {  	_ =	swait.ge [sflag:s22], $0x4000  }
0x1fe: {  	[sflag:s22] =	ssyncset.done $0x0  }
0x1ff: {  	[sflag:s22] =	ssyncadd.s32 $0xFFFFC000  }
0x200: {  	v3 =	vld [tilespmem:$0xA0];
	_ =	sdelay $0x4  }
0x201: {  	v4 =	vshll.u32 v3, $0x3  }
0x202: {  	v3 =	vand.u32 $0x7, v3;
	v4 =	vand.u32 $0xFFFFFFC0, v4  }
0x203: {  	v3 =	vor.u32 v3, v4  }
0x204: {  	v4 =	vperm.xlane v3, v0;
	_ =	sdelay $0x1  }
0x205: {  	v4 =	vadd.s32 v1, v4;
	_ =	sdelay $0x4  }
0x206: {  	[tilespmem:s30], [sflag:$0x5] =	stream.indirect_vreg.gather [hbm4b:s1+s8], $0x80, v4, vm0, $0xb8;
	[tilespmem:$0x1C200] =	vst v63  }
0x207: {  	s14 =	simm.s32 $0x18A00;
	v3 =	vperm.xlane v3, v2  }
0x208: {  	[tilespmem:s14], [sflag:$0x5] =	stream.indirect_vreg.gather [hbm4b:s10+s8], $0x80, v4, vm0, $0xb8;
	[tilespmem:$0x1C200] =	vst v63  }
0x209: {  	s15 =	simm.s32 $0x19200;
	v3 =	vadd.s32 v1, v3  }
0x20a: {  	[tilespmem:s15], [sflag:$0x5] =	stream.indirect_vreg.gather [hbm4b:s12+s8], $0x80, v4, vm0, $0xb8;
	[tilespmem:$0x1C200] =	vst v63  }
0x20b: {  	s5 =	simm.s32 $0x19A00  }
0x20c: {  	[tilespmem:s5], [sflag:$0x5] =	stream.indirect_vreg.gather [hbm4b:s13+s8], $0x80, v4, vm0, $0xb8;
	[tilespmem:$0x1C200] =	vst v63  }
0x20d: {  	s9 =	simm.s32 $0x1A200  }
0x20e: {  	[tilespmem:s9], [sflag:$0x5] =	stream.indirect_vreg.gather [hbm4b:s1+s8], $0x80, v3, vm0, $0xb8;
	[tilespmem:$0x1C200] =	vst v63  }
0x20f: {  	s14 =	simm.s32 $0x1AA00  }
0x210: {  	[tilespmem:s14], [sflag:$0x5] =	stream.indirect_vreg.gather [hbm4b:s10+s8], $0x80, v3, vm0, $0xb8;
	[tilespmem:$0x1C200] =	vst v63  }
0x211: {  	s15 =	simm.s32 $0x1B200  }
0x212: {  	[tilespmem:s15], [sflag:$0x5] =	stream.indirect_vreg.gather [hbm4b:s12+s8], $0x80, v3, vm0, $0xb8;
	[tilespmem:$0x1C200] =	vst v63  }
0x213: {  	s5 =	simm.s32 $0x1BA00;
	s9 =	simm.s32 $0x0  }
0x214: {  	[tilespmem:s5], [sflag:$0x5] =	stream.indirect_vreg.gather [hbm4b:s13+s8], $0x80, v3, vm0, $0xb8;
	[tilespmem:$0x1C200] =	vst v63  }
0x215: {  	s0 =	sand.u32 $0x2000, s9;
	s14 =	simm.s32 $0x0;
	s5 =	sand.u32 $0x1C00, s8  }
0x216: {  	s15 =	sand.u32 $0x380, s14;
	s0 =	sor.u32 s5, s0  }
0x217: {  	s9 =	sor.u32 s15, s0  }
0x218: {  	v3 =	vld [tilespmem:s9+$0x4270]  }
0x219: {  	v8 =	vld [tilespmem:s9+$0x4200]  }
0x21a: {  	v9 =	vld [tilespmem:s9+$0x4210]  }
0x21b: {  	v7 =	vld [tilespmem:s9+$0x4220]  }
0x21c: {  	v6 =	vld [tilespmem:s9+$0x4230]  }
0x21d: {  	v5 =	vld [tilespmem:s9+$0x4240]  }
0x21e: {  	v4 =	vld [tilespmem:s9+$0x4260]  }
0x21f: {  	[tilespmem:s9+$0xC270] =	vst.add.f32.msk $0xffff, v3  }
0x220: {  	v3 =	vld [tilespmem:s9+$0x4250]  }
0x221: {  	[tilespmem:s9+$0xC200] =	vst.add.f32.msk $0xffff, v8  }
0x222: {  	s0 =	simm.s32 $0x0;
	[tilespmem:s9+$0xC210] =	vst.add.f32.msk $0xffff, v9  }
.LBB2_14:
0x223: {  	s0 =	sadd.s32 $0x8, s0;
	[tilespmem:s9+$0xC220] =	vst.add.f32.msk $0xffff, v7  }
0x224: {  	s8 =	sadd.s32 $0x400, s8;
	s5 =	sshll.u32 s0, $0x4;
	p0 =	slt.u32 s0, $0x3F8;
	[tilespmem:s9+$0xC230] =	vst.add.f32.msk $0xffff, v6  }
0x225: {  	s14 =	sand.u32 $0x1C00, s8;
	s15 =	sshll.u32 s0, $0x1;
	s5 =	sand.u32 $0x2000, s5;
	[tilespmem:s9+$0xC240] =	vst.add.f32.msk $0xffff, v5  }
0x226: {  	s5 =	sor.u32 s14, s5;
	s14 =	sand.u32 $0x380, s15;
	[tilespmem:s9+$0xC250] =	vst.add.f32.msk $0xffff, v3  }
0x227: {  	[tilespmem:s9+$0xC260] =	vst.add.f32.msk $0xffff, v4;
	s9 =	sor.u32 s14, s5  }
0x228: {  	v3 =	vld [tilespmem:s9+$0x4270]  }
0x229: {  	v8 =	vld [tilespmem:s9+$0x4200]  }
0x22a: {  	v9 =	vld [tilespmem:s9+$0x4210]  }
0x22b: {  	v7 =	vld [tilespmem:s9+$0x4220]  }
0x22c: {  	v6 =	vld [tilespmem:s9+$0x4230]  }
0x22d: {  	[tilespmem:s9+$0xC270] =	vst.add.f32.msk $0xffff, v3  }
.Ltmp6:
0x22e: {  	v5 =	vld [tilespmem:s9+$0x4240];
	(pc) =	sbr.rel @p0 .LBB2_14-.Ltmp6, $4  }
0x22f: {  	v3 =	vld [tilespmem:s9+$0x4250]  }
0x230: {  	v4 =	vld [tilespmem:s9+$0x4260]  }
0x231: {  	[tilespmem:s9+$0xC200] =	vst.add.f32.msk $0xffff, v8  }
0x232: {  	[tilespmem:s9+$0xC210] =	vst.add.f32.msk $0xffff, v9  }
0x233: {  	[tilespmem:s9+$0xC220] =	vst.add.f32.msk $0xffff, v7  }
0x234: {  	[tilespmem:s9+$0xC230] =	vst.add.f32.msk $0xffff, v6  }
0x235: {  	[tilespmem:s9+$0xC240] =	vst.add.f32.msk $0xffff, v5  }
0x236: {  	[tilespmem:s9+$0xC250] =	vst.add.f32.msk $0xffff, v3  }
0x237: {  	[tilespmem:s9+$0xC260] =	vst.add.f32.msk $0xffff, v4  }
0x238: {  	s8 =	simm.s32 $0x0;
	s0 =	rddreg [dreg:$0x12]  }
0x239: {  	[hbm4b:s0+s8] =	stream.linear.scatter [tilespmem:s17], [sflag:$0x7], $0x4000, $0x38;
	[tilespmem:$0x1C200] =	vst v63  }
0x23a: {  	_ =	swait.ge [sflag:s24], $0x4000  }
0x23b: {  	[sflag:s24] =	ssyncset.done $0x0  }
0x23c: {  	[sflag:s24] =	ssyncadd.s32 $0xFFFFC000  }
0x23d: {  	_ =	swait.ge [sflag:s26], $0x4000  }
0x23e: {  	[sflag:s26] =	ssyncset.done $0x0  }
0x23f: {  	[sflag:s26] =	ssyncadd.s32 $0xFFFFC000  }
0x240: {  	v3 =	vld [tilespmem:$0x120];
	_ =	sdelay $0x4  }
0x241: {  	v4 =	vshll.u32 v3, $0x3  }
0x242: {  	v3 =	vand.u32 $0x7, v3;
	v4 =	vand.u32 $0xFFFFFFC0, v4  }
0x243: {  	v3 =	vor.u32 v3, v4  }
0x244: {  	v4 =	vperm.xlane v3, v0;
	_ =	sdelay $0x1  }
0x245: {  	v4 =	vadd.s32 v1, v4;
	_ =	sdelay $0x4  }
0x246: {  	[tilespmem:s7], [sflag:$0x1] =	stream.indirect_vreg.gather [hbm4b:s1+s8], $0x80, v4, vm0, $0xb8;
	[tilespmem:$0x1C200] =	vst v63  }
0x247: {  	s15 =	simm.s32 $0x8A00;
	v3 =	vperm.xlane v3, v2  }
0x248: {  	[tilespmem:s15], [sflag:$0x1] =	stream.indirect_vreg.gather [hbm4b:s10+s8], $0x80, v4, vm0, $0xb8;
	[tilespmem:$0x1C200] =	vst v63  }
0x249: {  	s5 =	simm.s32 $0x9200;
	v3 =	vadd.s32 v1, v3  }
0x24a: {  	[tilespmem:s5], [sflag:$0x1] =	stream.indirect_vreg.gather [hbm4b:s12+s8], $0x80, v4, vm0, $0xb8;
	[tilespmem:$0x1C200] =	vst v63  }
0x24b: {  	s9 =	simm.s32 $0x9A00  }
0x24c: {  	[tilespmem:s9], [sflag:$0x1] =	stream.indirect_vreg.gather [hbm4b:s13+s8], $0x80, v4, vm0, $0xb8;
	[tilespmem:$0x1C200] =	vst v63  }
0x24d: {  	s14 =	simm.s32 $0xA200  }
0x24e: {  	[tilespmem:s14], [sflag:$0x1] =	stream.indirect_vreg.gather [hbm4b:s1+s8], $0x80, v3, vm0, $0xb8;
	[tilespmem:$0x1C200] =	vst v63  }
0x24f: {  	s15 =	simm.s32 $0xAA00  }
0x250: {  	[tilespmem:s15], [sflag:$0x1] =	stream.indirect_vreg.gather [hbm4b:s10+s8], $0x80, v3, vm0, $0xb8;
	[tilespmem:$0x1C200] =	vst v63  }
0x251: {  	s5 =	simm.s32 $0xB200;
	s9 =	simm.s32 $0x0  }
0x252: {  	[tilespmem:s5], [sflag:$0x1] =	stream.indirect_vreg.gather [hbm4b:s12+s8], $0x80, v3, vm0, $0xb8;
	[tilespmem:$0x1C200] =	vst v63  }
0x253: {  	s0 =	sand.u32 $0x2000, s9;
	s14 =	simm.s32 $0x0;
	s5 =	sand.u32 $0x1C00, s8  }
0x254: {  	s15 =	sand.u32 $0x380, s14;
	s0 =	sor.u32 s5, s0  }
0x255: {  	[tilespmem:s16], [sflag:$0x1] =	stream.indirect_vreg.gather [hbm4b:s13+s8], $0x80, v3, vm0, $0xb8;
	[tilespmem:$0x1C200] =	vst v63  }
0x256: {  	s9 =	sor.u32 s15, s0  }
0x257: {  	v3 =	vld [tilespmem:s9+$0x4270]  }
0x258: {  	v8 =	vld [tilespmem:s9+$0x4200]  }
0x259: {  	v9 =	vld [tilespmem:s9+$0x4210]  }
0x25a: {  	v7 =	vld [tilespmem:s9+$0x4220]  }
0x25b: {  	v6 =	vld [tilespmem:s9+$0x4230]  }
0x25c: {  	v5 =	vld [tilespmem:s9+$0x4240]  }
0x25d: {  	v4 =	vld [tilespmem:s9+$0x4260]  }
0x25e: {  	[tilespmem:s9+$0x10270] =	vst.add.f32.msk $0xffff, v3  }
0x25f: {  	v3 =	vld [tilespmem:s9+$0x4250]  }
0x260: {  	[tilespmem:s9+$0x10200] =	vst.add.f32.msk $0xffff, v8  }
0x261: {  	s0 =	simm.s32 $0x0;
	[tilespmem:s9+$0x10210] =	vst.add.f32.msk $0xffff, v9  }
.LBB2_16:
0x262: {  	s0 =	sadd.s32 $0x8, s0;
	[tilespmem:s9+$0x10220] =	vst.add.f32.msk $0xffff, v7  }
0x263: {  	s8 =	sadd.s32 $0x400, s8;
	s5 =	sshll.u32 s0, $0x4;
	p0 =	slt.u32 s0, $0x3F8;
	[tilespmem:s9+$0x10230] =	vst.add.f32.msk $0xffff, v6  }
0x264: {  	s14 =	sand.u32 $0x1C00, s8;
	s15 =	sshll.u32 s0, $0x1;
	s5 =	sand.u32 $0x2000, s5;
	[tilespmem:s9+$0x10240] =	vst.add.f32.msk $0xffff, v5  }
0x265: {  	s5 =	sor.u32 s14, s5;
	s14 =	sand.u32 $0x380, s15;
	[tilespmem:s9+$0x10250] =	vst.add.f32.msk $0xffff, v3  }
0x266: {  	[tilespmem:s9+$0x10260] =	vst.add.f32.msk $0xffff, v4;
	s9 =	sor.u32 s14, s5  }
0x267: {  	v3 =	vld [tilespmem:s9+$0x4270]  }
0x268: {  	v8 =	vld [tilespmem:s9+$0x4200]  }
0x269: {  	v9 =	vld [tilespmem:s9+$0x4210]  }
0x26a: {  	v7 =	vld [tilespmem:s9+$0x4220]  }
0x26b: {  	v6 =	vld [tilespmem:s9+$0x4230]  }
0x26c: {  	[tilespmem:s9+$0x10270] =	vst.add.f32.msk $0xffff, v3  }
.Ltmp7:
0x26d: {  	v5 =	vld [tilespmem:s9+$0x4240];
	(pc) =	sbr.rel @p0 .LBB2_16-.Ltmp7, $4  }
0x26e: {  	v3 =	vld [tilespmem:s9+$0x4250]  }
0x26f: {  	v4 =	vld [tilespmem:s9+$0x4260]  }
0x270: {  	[tilespmem:s9+$0x10200] =	vst.add.f32.msk $0xffff, v8  }
0x271: {  	[tilespmem:s9+$0x10210] =	vst.add.f32.msk $0xffff, v9  }
0x272: {  	[tilespmem:s9+$0x10220] =	vst.add.f32.msk $0xffff, v7  }
0x273: {  	[tilespmem:s9+$0x10230] =	vst.add.f32.msk $0xffff, v6  }
0x274: {  	[tilespmem:s9+$0x10240] =	vst.add.f32.msk $0xffff, v5  }
0x275: {  	[tilespmem:s9+$0x10250] =	vst.add.f32.msk $0xffff, v3  }
0x276: {  	[tilespmem:s9+$0x10260] =	vst.add.f32.msk $0xffff, v4  }
0x277: {  	s8 =	simm.s32 $0x0;
	s0 =	rddreg [dreg:$0x16]  }
0x278: {  	[hbm4b:s0+s8] =	stream.linear.scatter [tilespmem:s25], [sflag:$0x8], $0x4000, $0x38;
	[tilespmem:$0x1C200] =	vst v63  }
0x279: {  	s5 =	simm.s32 $0x4200;
	s15 =	rddreg [dreg:$0x13]  }
0x27a: {  	[tilespmem:s5], [sflag:$0xD] =	stream.linear.gather [hbm4b:s15+s8], $0x4000, $0x38;
	[tilespmem:$0x1C200] =	vst v63  }
0x27b: {  	_ =	swait.ge [sflag:s28], $0x4000  }
0x27c: {  	[sflag:s28] =	ssyncset.done $0x0  }
0x27d: {  	[sflag:s28] =	ssyncadd.s32 $0xFFFFC000  }
0x27e: {  	_ =	swait.ge [sflag:s18], $0x4000  }
0x27f: {  	[sflag:s18] =	ssyncset.done $0x0  }
0x280: {  	[sflag:s18] =	ssyncadd.s32 $0xFFFFC000  }
0x281: {  	_ =	swait.ge [sflag:s31], $0x4000  }
0x282: {  	[sflag:s31] =	ssyncset.done $0x0  }
0x283: {  	[sflag:s31] =	ssyncadd.s32 $0xFFFFC000  }
0x284: {  	v3 =	vld [tilespmem:$0x1A0];
	_ =	sdelay $0x4  }
0x285: {  	v4 =	vshll.u32 v3, $0x3  }
0x286: {  	v3 =	vand.u32 $0x7, v3;
	v4 =	vand.u32 $0xFFFFFFC0, v4  }
0x287: {  	v3 =	vor.u32 v3, v4  }
0x288: {  	v4 =	vperm.xlane v3, v0;
	_ =	sdelay $0x1  }
0x289: {  	v4 =	vadd.s32 v1, v4;
	_ =	sdelay $0x4  }
0x28a: {  	[tilespmem:s17], [sflag:$0x2] =	stream.indirect_vreg.gather [hbm4b:s1+s8], $0x80, v4, vm0, $0xb8;
	[tilespmem:$0x1C200] =	vst v63  }
0x28b: {  	s9 =	simm.s32 $0xCA00;
	v3 =	vperm.xlane v3, v2  }
0x28c: {  	[tilespmem:s9], [sflag:$0x2] =	stream.indirect_vreg.gather [hbm4b:s10+s8], $0x80, v4, vm0, $0xb8;
	[tilespmem:$0x1C200] =	vst v63  }
0x28d: {  	s14 =	simm.s32 $0xD200;
	v3 =	vadd.s32 v1, v3  }
0x28e: {  	[tilespmem:s14], [sflag:$0x2] =	stream.indirect_vreg.gather [hbm4b:s12+s8], $0x80, v4, vm0, $0xb8;
	[tilespmem:$0x1C200] =	vst v63  }
0x28f: {  	s15 =	simm.s32 $0xDA00  }
0x290: {  	[tilespmem:s15], [sflag:$0x2] =	stream.indirect_vreg.gather [hbm4b:s13+s8], $0x80, v4, vm0, $0xb8;
	[tilespmem:$0x1C200] =	vst v63  }
0x291: {  	s5 =	simm.s32 $0xE200  }
0x292: {  	[tilespmem:s5], [sflag:$0x2] =	stream.indirect_vreg.gather [hbm4b:s1+s8], $0x80, v3, vm0, $0xb8;
	[tilespmem:$0x1C200] =	vst v63  }
0x293: {  	s9 =	simm.s32 $0xEA00  }
0x294: {  	[tilespmem:s9], [sflag:$0x2] =	stream.indirect_vreg.gather [hbm4b:s10+s8], $0x80, v3, vm0, $0xb8;
	[tilespmem:$0x1C200] =	vst v63  }
0x295: {  	s14 =	simm.s32 $0xF200;
	s15 =	simm.s32 $0xFA00;
	s5 =	simm.s32 $0x0  }
0x296: {  	[tilespmem:s14], [sflag:$0x2] =	stream.indirect_vreg.gather [hbm4b:s12+s8], $0x80, v3, vm0, $0xb8;
	[tilespmem:$0x1C200] =	vst v63  }
0x297: {  	s0 =	sand.u32 $0x2000, s5;
	s9 =	sand.u32 $0x1C00, s8;
	s14 =	simm.s32 $0x0  }
0x298: {  	[tilespmem:s15], [sflag:$0x2] =	stream.indirect_vreg.gather [hbm4b:s13+s8], $0x80, v3, vm0, $0xb8;
	[tilespmem:$0x1C200] =	vst v63  }
0x299: {  	s0 =	sor.u32 s9, s0;
	s15 =	sand.u32 $0x380, s14  }
0x29a: {  	s9 =	sor.u32 s15, s0  }
0x29b: {  	v3 =	vld [tilespmem:s9+$0x270]  }
0x29c: {  	v8 =	vld [tilespmem:s9+$0x200]  }
0x29d: {  	v9 =	vld [tilespmem:s9+$0x210]  }
0x29e: {  	v7 =	vld [tilespmem:s9+$0x220]  }
0x29f: {  	v6 =	vld [tilespmem:s9+$0x230]  }
0x2a0: {  	v5 =	vld [tilespmem:s9+$0x240]  }
0x2a1: {  	v4 =	vld [tilespmem:s9+$0x260]  }
0x2a2: {  	[tilespmem:s9+$0x14270] =	vst.add.f32.msk $0xffff, v3  }
0x2a3: {  	v3 =	vld [tilespmem:s9+$0x250]  }
0x2a4: {  	[tilespmem:s9+$0x14200] =	vst.add.f32.msk $0xffff, v8  }
0x2a5: {  	s0 =	simm.s32 $0x0;
	[tilespmem:s9+$0x14210] =	vst.add.f32.msk $0xffff, v9  }
.LBB2_18:
0x2a6: {  	s0 =	sadd.s32 $0x8, s0;
	[tilespmem:s9+$0x14220] =	vst.add.f32.msk $0xffff, v7  }
0x2a7: {  	s8 =	sadd.s32 $0x400, s8;
	s5 =	sshll.u32 s0, $0x4;
	p0 =	slt.u32 s0, $0x3F8;
	[tilespmem:s9+$0x14230] =	vst.add.f32.msk $0xffff, v6  }
0x2a8: {  	s14 =	sand.u32 $0x1C00, s8;
	s15 =	sshll.u32 s0, $0x1;
	s5 =	sand.u32 $0x2000, s5;
	[tilespmem:s9+$0x14240] =	vst.add.f32.msk $0xffff, v5  }
0x2a9: {  	s5 =	sor.u32 s14, s5;
	s14 =	sand.u32 $0x380, s15;
	[tilespmem:s9+$0x14250] =	vst.add.f32.msk $0xffff, v3  }
0x2aa: {  	[tilespmem:s9+$0x14260] =	vst.add.f32.msk $0xffff, v4;
	s9 =	sor.u32 s14, s5  }
0x2ab: {  	v3 =	vld [tilespmem:s9+$0x270]  }
0x2ac: {  	v8 =	vld [tilespmem:s9+$0x200]  }
0x2ad: {  	v9 =	vld [tilespmem:s9+$0x210]  }
0x2ae: {  	v7 =	vld [tilespmem:s9+$0x220]  }
0x2af: {  	v6 =	vld [tilespmem:s9+$0x230]  }
0x2b0: {  	[tilespmem:s9+$0x14270] =	vst.add.f32.msk $0xffff, v3  }
.Ltmp8:
0x2b1: {  	v5 =	vld [tilespmem:s9+$0x240];
	(pc) =	sbr.rel @p0 .LBB2_18-.Ltmp8, $4  }
0x2b2: {  	v3 =	vld [tilespmem:s9+$0x250]  }
0x2b3: {  	v4 =	vld [tilespmem:s9+$0x260]  }
0x2b4: {  	[tilespmem:s9+$0x14200] =	vst.add.f32.msk $0xffff, v8  }
0x2b5: {  	[tilespmem:s9+$0x14210] =	vst.add.f32.msk $0xffff, v9  }
0x2b6: {  	[tilespmem:s9+$0x14220] =	vst.add.f32.msk $0xffff, v7  }
0x2b7: {  	[tilespmem:s9+$0x14230] =	vst.add.f32.msk $0xffff, v6  }
0x2b8: {  	[tilespmem:s9+$0x14240] =	vst.add.f32.msk $0xffff, v5  }
0x2b9: {  	[tilespmem:s9+$0x14250] =	vst.add.f32.msk $0xffff, v3  }
0x2ba: {  	[tilespmem:s9+$0x14260] =	vst.add.f32.msk $0xffff, v4  }
0x2bb: {  	s8 =	simm.s32 $0x0;
	s0 =	rddreg [dreg:$0x14]  }
0x2bc: {  	[hbm4b:s0+s8] =	stream.linear.scatter [tilespmem:s19], [sflag:$0x9], $0x4000, $0x38;
	[tilespmem:$0x1C200] =	vst v63  }
0x2bd: {  	_ =	swait.ge [sflag:s2], $0x4000  }
0x2be: {  	[sflag:s2] =	ssyncset.done $0x0  }
0x2bf: {  	[sflag:s2] =	ssyncadd.s32 $0xFFFFC000  }
0x2c0: {  	_ =	swait.ge [sflag:s20], $0x4000  }
0x2c1: {  	[sflag:s20] =	ssyncset.done $0x0  }
0x2c2: {  	[sflag:s20] =	ssyncadd.s32 $0xFFFFC000  }
0x2c3: {  	v3 =	vld [tilespmem:$0x30];
	_ =	sdelay $0x4  }
0x2c4: {  	v4 =	vshll.u32 v3, $0x3  }
0x2c5: {  	v3 =	vand.u32 $0x7, v3;
	v4 =	vand.u32 $0xFFFFFFC0, v4  }
0x2c6: {  	v3 =	vor.u32 v3, v4  }
0x2c7: {  	v4 =	vperm.xlane v3, v0;
	_ =	sdelay $0x1  }
0x2c8: {  	v4 =	vadd.s32 v1, v4;
	_ =	sdelay $0x4  }
0x2c9: {  	[tilespmem:s25], [sflag:$0x3] =	stream.indirect_vreg.gather [hbm4b:s1+s8], $0x80, v4, vm0, $0xb8;
	[tilespmem:$0x1C200] =	vst v63  }
0x2ca: {  	s14 =	simm.s32 $0x10A00;
	v3 =	vperm.xlane v3, v2  }
0x2cb: {  	[tilespmem:s14], [sflag:$0x3] =	stream.indirect_vreg.gather [hbm4b:s10+s8], $0x80, v4, vm0, $0xb8;
	[tilespmem:$0x1C200] =	vst v63  }
0x2cc: {  	s15 =	simm.s32 $0x11200;
	v3 =	vadd.s32 v1, v3  }
0x2cd: {  	[tilespmem:s15], [sflag:$0x3] =	stream.indirect_vreg.gather [hbm4b:s12+s8], $0x80, v4, vm0, $0xb8;
	[tilespmem:$0x1C200] =	vst v63  }
0x2ce: {  	s5 =	simm.s32 $0x11A00  }
0x2cf: {  	[tilespmem:s5], [sflag:$0x3] =	stream.indirect_vreg.gather [hbm4b:s13+s8], $0x80, v4, vm0, $0xb8;
	[tilespmem:$0x1C200] =	vst v63  }
0x2d0: {  	s9 =	simm.s32 $0x12200  }
0x2d1: {  	[tilespmem:s9], [sflag:$0x3] =	stream.indirect_vreg.gather [hbm4b:s1+s8], $0x80, v3, vm0, $0xb8;
	[tilespmem:$0x1C200] =	vst v63  }
0x2d2: {  	s14 =	simm.s32 $0x12A00  }
0x2d3: {  	[tilespmem:s14], [sflag:$0x3] =	stream.indirect_vreg.gather [hbm4b:s10+s8], $0x80, v3, vm0, $0xb8;
	[tilespmem:$0x1C200] =	vst v63  }
0x2d4: {  	s15 =	simm.s32 $0x13200  }
0x2d5: {  	[tilespmem:s15], [sflag:$0x3] =	stream.indirect_vreg.gather [hbm4b:s12+s8], $0x80, v3, vm0, $0xb8;
	[tilespmem:$0x1C200] =	vst v63  }
0x2d6: {  	s5 =	simm.s32 $0x13A00;
	s9 =	simm.s32 $0x0  }
0x2d7: {  	[tilespmem:s5], [sflag:$0x3] =	stream.indirect_vreg.gather [hbm4b:s13+s8], $0x80, v3, vm0, $0xb8;
	[tilespmem:$0x1C200] =	vst v63  }
0x2d8: {  	s0 =	sand.u32 $0x2000, s9;
	s14 =	simm.s32 $0x0;
	s5 =	sand.u32 $0x1C00, s8  }
0x2d9: {  	s15 =	sand.u32 $0x380, s14;
	s0 =	sor.u32 s5, s0  }
0x2da: {  	s9 =	sor.u32 s15, s0  }
0x2db: {  	v3 =	vld [tilespmem:s9+$0x270]  }
0x2dc: {  	v8 =	vld [tilespmem:s9+$0x200]  }
0x2dd: {  	v9 =	vld [tilespmem:s9+$0x210]  }
0x2de: {  	v7 =	vld [tilespmem:s9+$0x220]  }
0x2df: {  	v6 =	vld [tilespmem:s9+$0x230]  }
0x2e0: {  	v5 =	vld [tilespmem:s9+$0x240]  }
0x2e1: {  	v4 =	vld [tilespmem:s9+$0x260]  }
0x2e2: {  	[tilespmem:s9+$0x18270] =	vst.add.f32.msk $0xffff, v3  }
0x2e3: {  	v3 =	vld [tilespmem:s9+$0x250]  }
0x2e4: {  	[tilespmem:s9+$0x18200] =	vst.add.f32.msk $0xffff, v8  }
0x2e5: {  	s0 =	simm.s32 $0x0;
	[tilespmem:s9+$0x18210] =	vst.add.f32.msk $0xffff, v9  }
.LBB2_20:
0x2e6: {  	s0 =	sadd.s32 $0x8, s0;
	[tilespmem:s9+$0x18220] =	vst.add.f32.msk $0xffff, v7  }
0x2e7: {  	s8 =	sadd.s32 $0x400, s8;
	s5 =	sshll.u32 s0, $0x4;
	p0 =	slt.u32 s0, $0x3F8;
	[tilespmem:s9+$0x18230] =	vst.add.f32.msk $0xffff, v6  }
0x2e8: {  	s14 =	sand.u32 $0x1C00, s8;
	s15 =	sshll.u32 s0, $0x1;
	s5 =	sand.u32 $0x2000, s5;
	[tilespmem:s9+$0x18240] =	vst.add.f32.msk $0xffff, v5  }
0x2e9: {  	s5 =	sor.u32 s14, s5;
	s14 =	sand.u32 $0x380, s15;
	[tilespmem:s9+$0x18250] =	vst.add.f32.msk $0xffff, v3  }
0x2ea: {  	[tilespmem:s9+$0x18260] =	vst.add.f32.msk $0xffff, v4;
	s9 =	sor.u32 s14, s5  }
0x2eb: {  	v3 =	vld [tilespmem:s9+$0x270]  }
0x2ec: {  	v8 =	vld [tilespmem:s9+$0x200]  }
0x2ed: {  	v9 =	vld [tilespmem:s9+$0x210]  }
0x2ee: {  	v7 =	vld [tilespmem:s9+$0x220]  }
0x2ef: {  	v6 =	vld [tilespmem:s9+$0x230]  }
0x2f0: {  	[tilespmem:s9+$0x18270] =	vst.add.f32.msk $0xffff, v3  }
.Ltmp9:
0x2f1: {  	v5 =	vld [tilespmem:s9+$0x240];
	(pc) =	sbr.rel @p0 .LBB2_20-.Ltmp9, $4  }
0x2f2: {  	v3 =	vld [tilespmem:s9+$0x250]  }
0x2f3: {  	v4 =	vld [tilespmem:s9+$0x260]  }
0x2f4: {  	[tilespmem:s9+$0x18200] =	vst.add.f32.msk $0xffff, v8  }
0x2f5: {  	[tilespmem:s9+$0x18210] =	vst.add.f32.msk $0xffff, v9  }
0x2f6: {  	[tilespmem:s9+$0x18220] =	vst.add.f32.msk $0xffff, v7  }
0x2f7: {  	[tilespmem:s9+$0x18230] =	vst.add.f32.msk $0xffff, v6  }
0x2f8: {  	[tilespmem:s9+$0x18240] =	vst.add.f32.msk $0xffff, v5  }
0x2f9: {  	[tilespmem:s9+$0x18250] =	vst.add.f32.msk $0xffff, v3  }
0x2fa: {  	[tilespmem:s9+$0x18260] =	vst.add.f32.msk $0xffff, v4  }
0x2fb: {  	s8 =	simm.s32 $0x0;
	s0 =	rddreg [dreg:$0x18]  }
0x2fc: {  	[hbm4b:s0+s8] =	stream.linear.scatter [tilespmem:s30], [sflag:$0xA], $0x4000, $0x38;
	[tilespmem:$0x1C200] =	vst v63  }
0x2fd: {  	_ =	swait.ge [sflag:s11], $0x4000  }
0x2fe: {  	[sflag:s11] =	ssyncset.done $0x0  }
0x2ff: {  	[sflag:s11] =	ssyncadd.s32 $0xFFFFC000  }
0x300: {  	_ =	swait.ge [sflag:s21], $0x4000  }
0x301: {  	[sflag:s21] =	ssyncset.done $0x0  }
0x302: {  	[sflag:s21] =	ssyncadd.s32 $0xFFFFC000  }
0x303: {  	v3 =	vld [tilespmem:$0xB0];
	_ =	sdelay $0x4  }
0x304: {  	v4 =	vshll.u32 v3, $0x3  }
0x305: {  	v3 =	vand.u32 $0x7, v3;
	v4 =	vand.u32 $0xFFFFFFC0, v4  }
0x306: {  	v3 =	vor.u32 v3, v4  }
0x307: {  	v4 =	vperm.xlane v3, v0;
	_ =	sdelay $0x1  }
0x308: {  	v4 =	vadd.s32 v1, v4;
	_ =	sdelay $0x4  }
0x309: {  	[tilespmem:s19], [sflag:$0x4] =	stream.indirect_vreg.gather [hbm4b:s1+s8], $0x80, v4, vm0, $0xb8;
	[tilespmem:$0x1C200] =	vst v63  }
0x30a: {  	s14 =	simm.s32 $0x14A00;
	v3 =	vperm.xlane v3, v2  }
0x30b: {  	[tilespmem:s14], [sflag:$0x4] =	stream.indirect_vreg.gather [hbm4b:s10+s8], $0x80, v4, vm0, $0xb8;
	[tilespmem:$0x1C200] =	vst v63  }
0x30c: {  	s15 =	simm.s32 $0x15200;
	v3 =	vadd.s32 v1, v3  }
0x30d: {  	[tilespmem:s15], [sflag:$0x4] =	stream.indirect_vreg.gather [hbm4b:s12+s8], $0x80, v4, vm0, $0xb8;
	[tilespmem:$0x1C200] =	vst v63  }
0x30e: {  	s5 =	simm.s32 $0x15A00  }
0x30f: {  	[tilespmem:s5], [sflag:$0x4] =	stream.indirect_vreg.gather [hbm4b:s13+s8], $0x80, v4, vm0, $0xb8;
	[tilespmem:$0x1C200] =	vst v63  }
0x310: {  	s9 =	simm.s32 $0x16200  }
0x311: {  	[tilespmem:s9], [sflag:$0x4] =	stream.indirect_vreg.gather [hbm4b:s1+s8], $0x80, v3, vm0, $0xb8;
	[tilespmem:$0x1C200] =	vst v63  }
0x312: {  	s14 =	simm.s32 $0x16A00  }
0x313: {  	[tilespmem:s14], [sflag:$0x4] =	stream.indirect_vreg.gather [hbm4b:s10+s8], $0x80, v3, vm0, $0xb8;
	[tilespmem:$0x1C200] =	vst v63  }
0x314: {  	s15 =	simm.s32 $0x17200  }
0x315: {  	[tilespmem:s15], [sflag:$0x4] =	stream.indirect_vreg.gather [hbm4b:s12+s8], $0x80, v3, vm0, $0xb8;
	[tilespmem:$0x1C200] =	vst v63  }
0x316: {  	s5 =	simm.s32 $0x17A00;
	s9 =	simm.s32 $0x0  }
0x317: {  	[tilespmem:s5], [sflag:$0x4] =	stream.indirect_vreg.gather [hbm4b:s13+s8], $0x80, v3, vm0, $0xb8;
	[tilespmem:$0x1C200] =	vst v63  }
0x318: {  	s0 =	sand.u32 $0x2000, s9;
	s14 =	simm.s32 $0x0;
	s5 =	sand.u32 $0x1C00, s8  }
0x319: {  	s15 =	sand.u32 $0x380, s14;
	s0 =	sor.u32 s5, s0  }
0x31a: {  	s9 =	sor.u32 s15, s0  }
0x31b: {  	v3 =	vld [tilespmem:s9+$0x270]  }
0x31c: {  	v8 =	vld [tilespmem:s9+$0x200]  }
0x31d: {  	v9 =	vld [tilespmem:s9+$0x210]  }
0x31e: {  	v7 =	vld [tilespmem:s9+$0x220]  }
0x31f: {  	v6 =	vld [tilespmem:s9+$0x230]  }
0x320: {  	v5 =	vld [tilespmem:s9+$0x240]  }
0x321: {  	v4 =	vld [tilespmem:s9+$0x260]  }
0x322: {  	[tilespmem:s9+$0x8270] =	vst.add.f32.msk $0xffff, v3  }
0x323: {  	v3 =	vld [tilespmem:s9+$0x250]  }
0x324: {  	[tilespmem:s9+$0x8200] =	vst.add.f32.msk $0xffff, v8  }
0x325: {  	s0 =	simm.s32 $0x0;
	[tilespmem:s9+$0x8210] =	vst.add.f32.msk $0xffff, v9  }
.LBB2_22:
0x326: {  	s0 =	sadd.s32 $0x8, s0;
	[tilespmem:s9+$0x8220] =	vst.add.f32.msk $0xffff, v7  }
0x327: {  	s8 =	sadd.s32 $0x400, s8;
	s5 =	sshll.u32 s0, $0x4;
	p0 =	slt.u32 s0, $0x3F8;
	[tilespmem:s9+$0x8230] =	vst.add.f32.msk $0xffff, v6  }
0x328: {  	s14 =	sand.u32 $0x1C00, s8;
	s15 =	sshll.u32 s0, $0x1;
	s5 =	sand.u32 $0x2000, s5;
	[tilespmem:s9+$0x8240] =	vst.add.f32.msk $0xffff, v5  }
0x329: {  	s5 =	sor.u32 s14, s5;
	s14 =	sand.u32 $0x380, s15;
	[tilespmem:s9+$0x8250] =	vst.add.f32.msk $0xffff, v3  }
0x32a: {  	[tilespmem:s9+$0x8260] =	vst.add.f32.msk $0xffff, v4;
	s9 =	sor.u32 s14, s5  }
0x32b: {  	v3 =	vld [tilespmem:s9+$0x270]  }
0x32c: {  	v8 =	vld [tilespmem:s9+$0x200]  }
0x32d: {  	v9 =	vld [tilespmem:s9+$0x210]  }
0x32e: {  	v7 =	vld [tilespmem:s9+$0x220]  }
0x32f: {  	v6 =	vld [tilespmem:s9+$0x230]  }
0x330: {  	[tilespmem:s9+$0x8270] =	vst.add.f32.msk $0xffff, v3  }
.Ltmp10:
0x331: {  	v5 =	vld [tilespmem:s9+$0x240];
	(pc) =	sbr.rel @p0 .LBB2_22-.Ltmp10, $4  }
0x332: {  	v3 =	vld [tilespmem:s9+$0x250]  }
0x333: {  	v4 =	vld [tilespmem:s9+$0x260]  }
0x334: {  	[tilespmem:s9+$0x8200] =	vst.add.f32.msk $0xffff, v8  }
0x335: {  	[tilespmem:s9+$0x8210] =	vst.add.f32.msk $0xffff, v9  }
0x336: {  	[tilespmem:s9+$0x8220] =	vst.add.f32.msk $0xffff, v7  }
0x337: {  	[tilespmem:s9+$0x8230] =	vst.add.f32.msk $0xffff, v6  }
0x338: {  	[tilespmem:s9+$0x8240] =	vst.add.f32.msk $0xffff, v5  }
0x339: {  	[tilespmem:s9+$0x8250] =	vst.add.f32.msk $0xffff, v3  }
0x33a: {  	[tilespmem:s9+$0x8260] =	vst.add.f32.msk $0xffff, v4  }
0x33b: {  	s8 =	simm.s32 $0x0;
	s0 =	rddreg [dreg:$0x19]  }
0x33c: {  	[hbm4b:s0+s8] =	stream.linear.scatter [tilespmem:s7], [sflag:$0x6], $0x4000, $0x38;
	[tilespmem:$0x1C200] =	vst v63  }
0x33d: {  	_ =	swait.ge [sflag:s29], $0x4000  }
0x33e: {  	[sflag:s29] =	ssyncset.done $0x0  }
0x33f: {  	[sflag:s29] =	ssyncadd.s32 $0xFFFFC000  }
0x340: {  	_ =	swait.ge [sflag:s22], $0x4000  }
0x341: {  	[sflag:s22] =	ssyncset.done $0x0  }
0x342: {  	[sflag:s22] =	ssyncadd.s32 $0xFFFFC000  }
0x343: {  	v3 =	vld [tilespmem:$0x130];
	_ =	sdelay $0x4  }
0x344: {  	v4 =	vshll.u32 v3, $0x3  }
0x345: {  	v3 =	vand.u32 $0x7, v3;
	v4 =	vand.u32 $0xFFFFFFC0, v4  }
0x346: {  	v3 =	vor.u32 v3, v4  }
0x347: {  	v4 =	vperm.xlane v3, v0;
	_ =	sdelay $0x1  }
0x348: {  	v4 =	vadd.s32 v1, v4;
	_ =	sdelay $0x4  }
0x349: {  	[tilespmem:s30], [sflag:$0x5] =	stream.indirect_vreg.gather [hbm4b:s1+s8], $0x80, v4, vm0, $0xb8;
	[tilespmem:$0x1C200] =	vst v63  }
0x34a: {  	s14 =	simm.s32 $0x18A00;
	v3 =	vperm.xlane v3, v2  }
0x34b: {  	[tilespmem:s14], [sflag:$0x5] =	stream.indirect_vreg.gather [hbm4b:s10+s8], $0x80, v4, vm0, $0xb8;
	[tilespmem:$0x1C200] =	vst v63  }
0x34c: {  	s15 =	simm.s32 $0x19200;
	v3 =	vadd.s32 v1, v3  }
0x34d: {  	[tilespmem:s15], [sflag:$0x5] =	stream.indirect_vreg.gather [hbm4b:s12+s8], $0x80, v4, vm0, $0xb8;
	[tilespmem:$0x1C200] =	vst v63  }
0x34e: {  	s5 =	simm.s32 $0x19A00  }
0x34f: {  	[tilespmem:s5], [sflag:$0x5] =	stream.indirect_vreg.gather [hbm4b:s13+s8], $0x80, v4, vm0, $0xb8;
	[tilespmem:$0x1C200] =	vst v63  }
0x350: {  	s9 =	simm.s32 $0x1A200  }
0x351: {  	[tilespmem:s9], [sflag:$0x5] =	stream.indirect_vreg.gather [hbm4b:s1+s8], $0x80, v3, vm0, $0xb8;
	[tilespmem:$0x1C200] =	vst v63  }
0x352: {  	s14 =	simm.s32 $0x1AA00  }
0x353: {  	[tilespmem:s14], [sflag:$0x5] =	stream.indirect_vreg.gather [hbm4b:s10+s8], $0x80, v3, vm0, $0xb8;
	[tilespmem:$0x1C200] =	vst v63  }
0x354: {  	s15 =	simm.s32 $0x1B200  }
0x355: {  	[tilespmem:s15], [sflag:$0x5] =	stream.indirect_vreg.gather [hbm4b:s12+s8], $0x80, v3, vm0, $0xb8;
	[tilespmem:$0x1C200] =	vst v63  }
0x356: {  	s5 =	simm.s32 $0x1BA00;
	s9 =	simm.s32 $0x0  }
0x357: {  	[tilespmem:s5], [sflag:$0x5] =	stream.indirect_vreg.gather [hbm4b:s13+s8], $0x80, v3, vm0, $0xb8;
	[tilespmem:$0x1C200] =	vst v63  }
0x358: {  	s0 =	sand.u32 $0x2000, s9;
	s14 =	simm.s32 $0x0;
	s5 =	sand.u32 $0x1C00, s8  }
0x359: {  	s15 =	sand.u32 $0x380, s14;
	s0 =	sor.u32 s5, s0  }
0x35a: {  	s9 =	sor.u32 s15, s0  }
0x35b: {  	v3 =	vld [tilespmem:s9+$0x270]  }
0x35c: {  	v8 =	vld [tilespmem:s9+$0x200]  }
0x35d: {  	v9 =	vld [tilespmem:s9+$0x210]  }
0x35e: {  	v7 =	vld [tilespmem:s9+$0x220]  }
0x35f: {  	v6 =	vld [tilespmem:s9+$0x230]  }
0x360: {  	v5 =	vld [tilespmem:s9+$0x240]  }
0x361: {  	v4 =	vld [tilespmem:s9+$0x260]  }
0x362: {  	[tilespmem:s9+$0xC270] =	vst.add.f32.msk $0xffff, v3  }
0x363: {  	v3 =	vld [tilespmem:s9+$0x250]  }
0x364: {  	[tilespmem:s9+$0xC200] =	vst.add.f32.msk $0xffff, v8  }
0x365: {  	s0 =	simm.s32 $0x0;
	[tilespmem:s9+$0xC210] =	vst.add.f32.msk $0xffff, v9  }
.LBB2_24:
0x366: {  	s0 =	sadd.s32 $0x8, s0;
	[tilespmem:s9+$0xC220] =	vst.add.f32.msk $0xffff, v7  }
0x367: {  	s8 =	sadd.s32 $0x400, s8;
	s5 =	sshll.u32 s0, $0x4;
	p0 =	slt.u32 s0, $0x3F8;
	[tilespmem:s9+$0xC230] =	vst.add.f32.msk $0xffff, v6  }
0x368: {  	s14 =	sand.u32 $0x1C00, s8;
	s15 =	sshll.u32 s0, $0x1;
	s5 =	sand.u32 $0x2000, s5;
	[tilespmem:s9+$0xC240] =	vst.add.f32.msk $0xffff, v5  }
0x369: {  	s5 =	sor.u32 s14, s5;
	s14 =	sand.u32 $0x380, s15;
	[tilespmem:s9+$0xC250] =	vst.add.f32.msk $0xffff, v3  }
0x36a: {  	[tilespmem:s9+$0xC260] =	vst.add.f32.msk $0xffff, v4;
	s9 =	sor.u32 s14, s5  }
0x36b: {  	v3 =	vld [tilespmem:s9+$0x270]  }
0x36c: {  	v8 =	vld [tilespmem:s9+$0x200]  }
0x36d: {  	v9 =	vld [tilespmem:s9+$0x210]  }
0x36e: {  	v7 =	vld [tilespmem:s9+$0x220]  }
0x36f: {  	v6 =	vld [tilespmem:s9+$0x230]  }
0x370: {  	[tilespmem:s9+$0xC270] =	vst.add.f32.msk $0xffff, v3  }
.Ltmp11:
0x371: {  	v5 =	vld [tilespmem:s9+$0x240];
	(pc) =	sbr.rel @p0 .LBB2_24-.Ltmp11, $4  }
0x372: {  	v3 =	vld [tilespmem:s9+$0x250]  }
0x373: {  	v4 =	vld [tilespmem:s9+$0x260]  }
0x374: {  	[tilespmem:s9+$0xC200] =	vst.add.f32.msk $0xffff, v8  }
0x375: {  	[tilespmem:s9+$0xC210] =	vst.add.f32.msk $0xffff, v9  }
0x376: {  	[tilespmem:s9+$0xC220] =	vst.add.f32.msk $0xffff, v7  }
0x377: {  	[tilespmem:s9+$0xC230] =	vst.add.f32.msk $0xffff, v6  }
0x378: {  	[tilespmem:s9+$0xC240] =	vst.add.f32.msk $0xffff, v5  }
0x379: {  	[tilespmem:s9+$0xC250] =	vst.add.f32.msk $0xffff, v3  }
0x37a: {  	[tilespmem:s9+$0xC260] =	vst.add.f32.msk $0xffff, v4  }
0x37b: {  	s8 =	simm.s32 $0x0;
	s0 =	rddreg [dreg:$0x1a]  }
0x37c: {  	[hbm4b:s0+s8] =	stream.linear.scatter [tilespmem:s17], [sflag:$0x7], $0x4000, $0x38;
	[tilespmem:$0x1C200] =	vst v63  }
0x37d: {  	_ =	swait.ge [sflag:s24], $0x4000  }
0x37e: {  	[sflag:s24] =	ssyncset.done $0x0  }
0x37f: {  	[sflag:s24] =	ssyncadd.s32 $0xFFFFC000  }
0x380: {  	_ =	swait.ge [sflag:s4], $0x4000  }
0x381: {  	[sflag:s4] =	ssyncset.done $0x0  }
0x382: {  	[sflag:s4] =	ssyncadd.s32 $0xFFFFC000  }
0x383: {  	_ =	swait.ge [sflag:s26], $0x4000  }
0x384: {  	[sflag:s26] =	ssyncset.done $0x0  }
0x385: {  	[sflag:s26] =	ssyncadd.s32 $0xFFFFC000  }
0x386: {  	v3 =	vld [tilespmem:$0x1B0];
	_ =	sdelay $0x4  }
0x387: {  	v4 =	vshll.u32 v3, $0x3  }
0x388: {  	v3 =	vand.u32 $0x7, v3;
	v4 =	vand.u32 $0xFFFFFFC0, v4  }
0x389: {  	v3 =	vor.u32 v3, v4  }
0x38a: {  	v4 =	vperm.xlane v3, v0;
	_ =	sdelay $0x1  }
0x38b: {  	v4 =	vadd.s32 v1, v4;
	_ =	sdelay $0x4  }
0x38c: {  	[tilespmem:s7], [sflag:$0x1] =	stream.indirect_vreg.gather [hbm4b:s1+s8], $0x80, v4, vm0, $0xb8;
	[tilespmem:$0x1C200] =	vst v63  }
0x38d: {  	s15 =	simm.s32 $0x8A00;
	v3 =	vperm.xlane v3, v2  }
0x38e: {  	[tilespmem:s15], [sflag:$0x1] =	stream.indirect_vreg.gather [hbm4b:s10+s8], $0x80, v4, vm0, $0xb8;
	[tilespmem:$0x1C200] =	vst v63  }
0x38f: {  	s5 =	simm.s32 $0x9200;
	v3 =	vadd.s32 v1, v3  }
0x390: {  	[tilespmem:s5], [sflag:$0x1] =	stream.indirect_vreg.gather [hbm4b:s12+s8], $0x80, v4, vm0, $0xb8;
	[tilespmem:$0x1C200] =	vst v63  }
0x391: {  	s9 =	simm.s32 $0x9A00  }
0x392: {  	[tilespmem:s9], [sflag:$0x1] =	stream.indirect_vreg.gather [hbm4b:s13+s8], $0x80, v4, vm0, $0xb8;
	[tilespmem:$0x1C200] =	vst v63  }
0x393: {  	s14 =	simm.s32 $0xA200  }
0x394: {  	[tilespmem:s14], [sflag:$0x1] =	stream.indirect_vreg.gather [hbm4b:s1+s8], $0x80, v3, vm0, $0xb8;
	[tilespmem:$0x1C200] =	vst v63  }
0x395: {  	s15 =	simm.s32 $0xAA00  }
0x396: {  	[tilespmem:s15], [sflag:$0x1] =	stream.indirect_vreg.gather [hbm4b:s10+s8], $0x80, v3, vm0, $0xb8;
	[tilespmem:$0x1C200] =	vst v63  }
0x397: {  	s5 =	simm.s32 $0xB200;
	s9 =	simm.s32 $0x0  }
0x398: {  	[tilespmem:s5], [sflag:$0x1] =	stream.indirect_vreg.gather [hbm4b:s12+s8], $0x80, v3, vm0, $0xb8;
	[tilespmem:$0x1C200] =	vst v63  }
0x399: {  	s0 =	sand.u32 $0x2000, s9;
	s14 =	simm.s32 $0x0;
	s5 =	sand.u32 $0x1C00, s8  }
0x39a: {  	s15 =	sand.u32 $0x380, s14;
	s0 =	sor.u32 s5, s0  }
0x39b: {  	[tilespmem:s16], [sflag:$0x1] =	stream.indirect_vreg.gather [hbm4b:s13+s8], $0x80, v3, vm0, $0xb8;
	[tilespmem:$0x1C200] =	vst v63  }
0x39c: {  	s9 =	sor.u32 s15, s0  }
0x39d: {  	v3 =	vld [tilespmem:s9+$0x4270]  }
0x39e: {  	v8 =	vld [tilespmem:s9+$0x4200]  }
0x39f: {  	v9 =	vld [tilespmem:s9+$0x4210]  }
0x3a0: {  	v7 =	vld [tilespmem:s9+$0x4220]  }
0x3a1: {  	v6 =	vld [tilespmem:s9+$0x4230]  }
0x3a2: {  	v5 =	vld [tilespmem:s9+$0x4240]  }
0x3a3: {  	v4 =	vld [tilespmem:s9+$0x4260]  }
0x3a4: {  	[tilespmem:s9+$0x10270] =	vst.add.f32.msk $0xffff, v3  }
0x3a5: {  	v3 =	vld [tilespmem:s9+$0x4250]  }
0x3a6: {  	[tilespmem:s9+$0x10200] =	vst.add.f32.msk $0xffff, v8  }
0x3a7: {  	s0 =	simm.s32 $0x0;
	[tilespmem:s9+$0x10210] =	vst.add.f32.msk $0xffff, v9  }
.LBB2_26:
0x3a8: {  	s0 =	sadd.s32 $0x8, s0;
	[tilespmem:s9+$0x10220] =	vst.add.f32.msk $0xffff, v7  }
0x3a9: {  	s8 =	sadd.s32 $0x400, s8;
	s5 =	sshll.u32 s0, $0x4;
	p0 =	slt.u32 s0, $0x3F8;
	[tilespmem:s9+$0x10230] =	vst.add.f32.msk $0xffff, v6  }
0x3aa: {  	s14 =	sand.u32 $0x1C00, s8;
	s15 =	sshll.u32 s0, $0x1;
	s5 =	sand.u32 $0x2000, s5;
	[tilespmem:s9+$0x10240] =	vst.add.f32.msk $0xffff, v5  }
0x3ab: {  	s5 =	sor.u32 s14, s5;
	s14 =	sand.u32 $0x380, s15;
	[tilespmem:s9+$0x10250] =	vst.add.f32.msk $0xffff, v3  }
0x3ac: {  	[tilespmem:s9+$0x10260] =	vst.add.f32.msk $0xffff, v4;
	s9 =	sor.u32 s14, s5  }
0x3ad: {  	v3 =	vld [tilespmem:s9+$0x4270]  }
0x3ae: {  	v8 =	vld [tilespmem:s9+$0x4200]  }
0x3af: {  	v9 =	vld [tilespmem:s9+$0x4210]  }
0x3b0: {  	v7 =	vld [tilespmem:s9+$0x4220]  }
0x3b1: {  	v6 =	vld [tilespmem:s9+$0x4230]  }
0x3b2: {  	[tilespmem:s9+$0x10270] =	vst.add.f32.msk $0xffff, v3  }
.Ltmp12:
0x3b3: {  	v5 =	vld [tilespmem:s9+$0x4240];
	(pc) =	sbr.rel @p0 .LBB2_26-.Ltmp12, $4  }
0x3b4: {  	v3 =	vld [tilespmem:s9+$0x4250]  }
0x3b5: {  	v4 =	vld [tilespmem:s9+$0x4260]  }
0x3b6: {  	[tilespmem:s9+$0x10200] =	vst.add.f32.msk $0xffff, v8  }
0x3b7: {  	[tilespmem:s9+$0x10210] =	vst.add.f32.msk $0xffff, v9  }
0x3b8: {  	[tilespmem:s9+$0x10220] =	vst.add.f32.msk $0xffff, v7  }
0x3b9: {  	[tilespmem:s9+$0x10230] =	vst.add.f32.msk $0xffff, v6  }
0x3ba: {  	[tilespmem:s9+$0x10240] =	vst.add.f32.msk $0xffff, v5  }
0x3bb: {  	[tilespmem:s9+$0x10250] =	vst.add.f32.msk $0xffff, v3  }
0x3bc: {  	s8 =	simm.s32 $0x0;
	[tilespmem:s9+$0x10260] =	vst.add.f32.msk $0xffff, v4  }
0x3bd: {  	s14 =	simm.s32 $0x0;
	s9 =	simm.s32 $0x0;
	s0 =	rddreg [dreg:$0x15]  }
0x3be: {  	[hbm4b:s0+s8] =	stream.linear.scatter [tilespmem:s25], [sflag:$0x8], $0x4000, $0x38;
	[tilespmem:$0x1C200] =	vst v63  }
0x3bf: {  	s5 =	sand.u32 $0x1C00, s8;
	s0 =	sand.u32 $0x2000, s9;
	_ =	swait.ge [sflag:s28], $0x4000  }
0x3c0: {  	s15 =	sand.u32 $0x380, s14;
	s0 =	sor.u32 s5, s0;
	[sflag:s28] =	ssyncset.done $0x0  }
0x3c1: {  	s9 =	sor.u32 s15, s0;
	[sflag:s28] =	ssyncadd.s32 $0xFFFFC000  }
0x3c2: {  	v3 =	vld [tilespmem:s9+$0x4270]  }
0x3c3: {  	v8 =	vld [tilespmem:s9+$0x4200]  }
0x3c4: {  	v9 =	vld [tilespmem:s9+$0x4210]  }
0x3c5: {  	v7 =	vld [tilespmem:s9+$0x4220]  }
0x3c6: {  	v6 =	vld [tilespmem:s9+$0x4230]  }
0x3c7: {  	v5 =	vld [tilespmem:s9+$0x4240]  }
0x3c8: {  	v4 =	vld [tilespmem:s9+$0x4260]  }
0x3c9: {  	[tilespmem:s9+$0x14270] =	vst.add.f32.msk $0xffff, v3  }
0x3ca: {  	v3 =	vld [tilespmem:s9+$0x4250]  }
0x3cb: {  	[tilespmem:s9+$0x14200] =	vst.add.f32.msk $0xffff, v8  }
0x3cc: {  	s0 =	simm.s32 $0x0;
	[tilespmem:s9+$0x14210] =	vst.add.f32.msk $0xffff, v9  }
.LBB2_28:
0x3cd: {  	s0 =	sadd.s32 $0x8, s0;
	[tilespmem:s9+$0x14220] =	vst.add.f32.msk $0xffff, v7  }
0x3ce: {  	s8 =	sadd.s32 $0x400, s8;
	s5 =	sshll.u32 s0, $0x4;
	p0 =	slt.u32 s0, $0x3F8;
	[tilespmem:s9+$0x14230] =	vst.add.f32.msk $0xffff, v6  }
0x3cf: {  	s14 =	sand.u32 $0x1C00, s8;
	s15 =	sshll.u32 s0, $0x1;
	s5 =	sand.u32 $0x2000, s5;
	[tilespmem:s9+$0x14240] =	vst.add.f32.msk $0xffff, v5  }
0x3d0: {  	s5 =	sor.u32 s14, s5;
	s14 =	sand.u32 $0x380, s15;
	[tilespmem:s9+$0x14250] =	vst.add.f32.msk $0xffff, v3  }
0x3d1: {  	[tilespmem:s9+$0x14260] =	vst.add.f32.msk $0xffff, v4;
	s9 =	sor.u32 s14, s5  }
0x3d2: {  	v3 =	vld [tilespmem:s9+$0x4270]  }
0x3d3: {  	v8 =	vld [tilespmem:s9+$0x4200]  }
0x3d4: {  	v9 =	vld [tilespmem:s9+$0x4210]  }
0x3d5: {  	v7 =	vld [tilespmem:s9+$0x4220]  }
0x3d6: {  	v6 =	vld [tilespmem:s9+$0x4230]  }
0x3d7: {  	[tilespmem:s9+$0x14270] =	vst.add.f32.msk $0xffff, v3  }
.Ltmp13:
0x3d8: {  	v5 =	vld [tilespmem:s9+$0x4240];
	(pc) =	sbr.rel @p0 .LBB2_28-.Ltmp13, $4  }
0x3d9: {  	v3 =	vld [tilespmem:s9+$0x4250]  }
0x3da: {  	v4 =	vld [tilespmem:s9+$0x4260]  }
0x3db: {  	[tilespmem:s9+$0x14200] =	vst.add.f32.msk $0xffff, v8  }
0x3dc: {  	[tilespmem:s9+$0x14210] =	vst.add.f32.msk $0xffff, v9  }
0x3dd: {  	[tilespmem:s9+$0x14220] =	vst.add.f32.msk $0xffff, v7  }
0x3de: {  	[tilespmem:s9+$0x14230] =	vst.add.f32.msk $0xffff, v6  }
0x3df: {  	[tilespmem:s9+$0x14240] =	vst.add.f32.msk $0xffff, v5  }
0x3e0: {  	[tilespmem:s9+$0x14250] =	vst.add.f32.msk $0xffff, v3  }
0x3e1: {  	s8 =	simm.s32 $0x0;
	[tilespmem:s9+$0x14260] =	vst.add.f32.msk $0xffff, v4  }
0x3e2: {  	s14 =	simm.s32 $0x0;
	s9 =	simm.s32 $0x0;
	s0 =	rddreg [dreg:$0x1b]  }
0x3e3: {  	[hbm4b:s0+s8] =	stream.linear.scatter [tilespmem:s19], [sflag:$0x9], $0x4000, $0x38;
	[tilespmem:$0x1C200] =	vst v63  }
0x3e4: {  	s5 =	sand.u32 $0x1C00, s8;
	s0 =	sand.u32 $0x2000, s9;
	_ =	swait.ge [sflag:s2], $0x4000  }
0x3e5: {  	s15 =	sand.u32 $0x380, s14;
	s0 =	sor.u32 s5, s0;
	[sflag:s2] =	ssyncset.done $0x0  }
0x3e6: {  	s9 =	sor.u32 s15, s0;
	[sflag:s2] =	ssyncadd.s32 $0xFFFFC000  }
0x3e7: {  	v3 =	vld [tilespmem:s9+$0x4270]  }
0x3e8: {  	v8 =	vld [tilespmem:s9+$0x4200]  }
0x3e9: {  	v9 =	vld [tilespmem:s9+$0x4210]  }
0x3ea: {  	v7 =	vld [tilespmem:s9+$0x4220]  }
0x3eb: {  	v6 =	vld [tilespmem:s9+$0x4230]  }
0x3ec: {  	v5 =	vld [tilespmem:s9+$0x4240]  }
0x3ed: {  	v4 =	vld [tilespmem:s9+$0x4260]  }
0x3ee: {  	[tilespmem:s9+$0x18270] =	vst.add.f32.msk $0xffff, v3  }
0x3ef: {  	v3 =	vld [tilespmem:s9+$0x4250]  }
0x3f0: {  	[tilespmem:s9+$0x18200] =	vst.add.f32.msk $0xffff, v8  }
0x3f1: {  	s0 =	simm.s32 $0x0;
	[tilespmem:s9+$0x18210] =	vst.add.f32.msk $0xffff, v9  }
.LBB2_30:
0x3f2: {  	s0 =	sadd.s32 $0x8, s0;
	[tilespmem:s9+$0x18220] =	vst.add.f32.msk $0xffff, v7  }
0x3f3: {  	s8 =	sadd.s32 $0x400, s8;
	s5 =	sshll.u32 s0, $0x4;
	p0 =	slt.u32 s0, $0x3F8;
	[tilespmem:s9+$0x18230] =	vst.add.f32.msk $0xffff, v6  }
0x3f4: {  	s14 =	sand.u32 $0x1C00, s8;
	s15 =	sshll.u32 s0, $0x1;
	s5 =	sand.u32 $0x2000, s5;
	[tilespmem:s9+$0x18240] =	vst.add.f32.msk $0xffff, v5  }
0x3f5: {  	s5 =	sor.u32 s14, s5;
	s14 =	sand.u32 $0x380, s15;
	[tilespmem:s9+$0x18250] =	vst.add.f32.msk $0xffff, v3  }
0x3f6: {  	[tilespmem:s9+$0x18260] =	vst.add.f32.msk $0xffff, v4;
	s9 =	sor.u32 s14, s5  }
0x3f7: {  	v3 =	vld [tilespmem:s9+$0x4270]  }
0x3f8: {  	v8 =	vld [tilespmem:s9+$0x4200]  }
0x3f9: {  	v9 =	vld [tilespmem:s9+$0x4210]  }
0x3fa: {  	v7 =	vld [tilespmem:s9+$0x4220]  }
0x3fb: {  	v6 =	vld [tilespmem:s9+$0x4230]  }
0x3fc: {  	[tilespmem:s9+$0x18270] =	vst.add.f32.msk $0xffff, v3  }
.Ltmp14:
0x3fd: {  	v5 =	vld [tilespmem:s9+$0x4240];
	(pc) =	sbr.rel @p0 .LBB2_30-.Ltmp14, $4  }
0x3fe: {  	v3 =	vld [tilespmem:s9+$0x4250]  }
0x3ff: {  	v4 =	vld [tilespmem:s9+$0x4260]  }
0x400: {  	[tilespmem:s9+$0x18200] =	vst.add.f32.msk $0xffff, v8  }
0x401: {  	[tilespmem:s9+$0x18210] =	vst.add.f32.msk $0xffff, v9  }
0x402: {  	[tilespmem:s9+$0x18220] =	vst.add.f32.msk $0xffff, v7  }
0x403: {  	[tilespmem:s9+$0x18230] =	vst.add.f32.msk $0xffff, v6  }
0x404: {  	[tilespmem:s9+$0x18240] =	vst.add.f32.msk $0xffff, v5  }
0x405: {  	[tilespmem:s9+$0x18250] =	vst.add.f32.msk $0xffff, v3  }
0x406: {  	s8 =	simm.s32 $0x0;
	[tilespmem:s9+$0x18260] =	vst.add.f32.msk $0xffff, v4  }
0x407: {  	s14 =	simm.s32 $0x0;
	s9 =	simm.s32 $0x0;
	s0 =	rddreg [dreg:$0x1c]  }
0x408: {  	[hbm4b:s0+s8] =	stream.linear.scatter [tilespmem:s30], [sflag:$0xA], $0x4000, $0x38;
	[tilespmem:$0x1C200] =	vst v63  }
0x409: {  	s5 =	sand.u32 $0x1C00, s8;
	s0 =	sand.u32 $0x2000, s9;
	_ =	swait.ge [sflag:s11], $0x4000  }
0x40a: {  	s15 =	sand.u32 $0x380, s14;
	s0 =	sor.u32 s5, s0;
	[sflag:s11] =	ssyncset.done $0x0  }
0x40b: {  	s9 =	sor.u32 s15, s0;
	[sflag:s11] =	ssyncadd.s32 $0xFFFFC000  }
0x40c: {  	v3 =	vld [tilespmem:s9+$0x4270]  }
0x40d: {  	v8 =	vld [tilespmem:s9+$0x4200]  }
0x40e: {  	v9 =	vld [tilespmem:s9+$0x4210]  }
0x40f: {  	v7 =	vld [tilespmem:s9+$0x4220]  }
0x410: {  	v6 =	vld [tilespmem:s9+$0x4230]  }
0x411: {  	v5 =	vld [tilespmem:s9+$0x4240]  }
0x412: {  	v4 =	vld [tilespmem:s9+$0x4260]  }
0x413: {  	[tilespmem:s9+$0x8270] =	vst.add.f32.msk $0xffff, v3  }
0x414: {  	v3 =	vld [tilespmem:s9+$0x4250]  }
0x415: {  	[tilespmem:s9+$0x8200] =	vst.add.f32.msk $0xffff, v8  }
0x416: {  	s0 =	simm.s32 $0x0;
	[tilespmem:s9+$0x8210] =	vst.add.f32.msk $0xffff, v9  }
.LBB2_32:
0x417: {  	s0 =	sadd.s32 $0x8, s0;
	[tilespmem:s9+$0x8220] =	vst.add.f32.msk $0xffff, v7  }
0x418: {  	s8 =	sadd.s32 $0x400, s8;
	s5 =	sshll.u32 s0, $0x4;
	p0 =	slt.u32 s0, $0x3F8;
	[tilespmem:s9+$0x8230] =	vst.add.f32.msk $0xffff, v6  }
0x419: {  	s14 =	sand.u32 $0x1C00, s8;
	s15 =	sshll.u32 s0, $0x1;
	s5 =	sand.u32 $0x2000, s5;
	[tilespmem:s9+$0x8240] =	vst.add.f32.msk $0xffff, v5  }
0x41a: {  	s5 =	sor.u32 s14, s5;
	s14 =	sand.u32 $0x380, s15;
	[tilespmem:s9+$0x8250] =	vst.add.f32.msk $0xffff, v3  }
0x41b: {  	[tilespmem:s9+$0x8260] =	vst.add.f32.msk $0xffff, v4;
	s9 =	sor.u32 s14, s5  }
0x41c: {  	v3 =	vld [tilespmem:s9+$0x4270]  }
0x41d: {  	v8 =	vld [tilespmem:s9+$0x4200]  }
0x41e: {  	v9 =	vld [tilespmem:s9+$0x4210]  }
0x41f: {  	v7 =	vld [tilespmem:s9+$0x4220]  }
0x420: {  	v6 =	vld [tilespmem:s9+$0x4230]  }
0x421: {  	[tilespmem:s9+$0x8270] =	vst.add.f32.msk $0xffff, v3  }
.Ltmp15:
0x422: {  	v5 =	vld [tilespmem:s9+$0x4240];
	(pc) =	sbr.rel @p0 .LBB2_32-.Ltmp15, $4  }
0x423: {  	v3 =	vld [tilespmem:s9+$0x4250]  }
0x424: {  	v4 =	vld [tilespmem:s9+$0x4260]  }
0x425: {  	[tilespmem:s9+$0x8200] =	vst.add.f32.msk $0xffff, v8  }
0x426: {  	[tilespmem:s9+$0x8210] =	vst.add.f32.msk $0xffff, v9  }
0x427: {  	[tilespmem:s9+$0x8220] =	vst.add.f32.msk $0xffff, v7  }
0x428: {  	[tilespmem:s9+$0x8230] =	vst.add.f32.msk $0xffff, v6  }
0x429: {  	[tilespmem:s9+$0x8240] =	vst.add.f32.msk $0xffff, v5  }
0x42a: {  	[tilespmem:s9+$0x8250] =	vst.add.f32.msk $0xffff, v3  }
0x42b: {  	[tilespmem:s9+$0x8260] =	vst.add.f32.msk $0xffff, v4  }
0x42c: {  	s0 =	rddreg [dreg:$0x1d]  }
0x42d: {  	[hbm4b:s0+s3] =	stream.linear.scatter [tilespmem:s7], [sflag:$0x6], $0x4000, $0x38;
	[tilespmem:$0x1C200] =	vst v63  }
0x42e: {  	_ =	swait.ge [sflag:s31], $0x4000  }
0x42f: {  	[sflag:s31] =	ssyncset.done $0x0  }
0x430: {  	[sflag:s31] =	ssyncadd.s32 $0xFFFFC000  }
0x431: {  	_ =	swait.ge [sflag:s20], $0x4000  }
0x432: {  	[sflag:s20] =	ssyncset.done $0x0  }
0x433: {  	[sflag:s20] =	ssyncadd.s32 $0xFFFFC000  }
0x434: {  	_ =	swait.ge [sflag:s21], $0x4000  }
0x435: {  	[sflag:s21] =	ssyncset.done $0x0  }
0x436: {  	[sflag:s21] =	ssyncadd.s32 $0xFFFFC000  }
0x437: {  	_ =	swait.ge [sflag:s22], $0x4000  }
0x438: {  	[sflag:s22] =	ssyncset.done $0x0  }
0x439: {  	[sflag:s22] =	ssyncadd.s32 $0xFFFFC000  }
0x43a: {  	_ =	swait.ge [sflag:s26], $0x4000  }
0x43b: {  	s23 =	sadd.s32 $0x1, s23;
	s15 =	rddreg [dreg:$0x17]  }
0x43c: {  	p0 =	sne.s32 s23, s15  }
.Ltmp16:
0x43d: {  	_ = 	snop;
	(pc) =	sbr.rel @p0 .LBB2_1-.Ltmp16, $3  }
0x43e: {  	_ =	sdelay $0x1  }
0x43f: {  	[sflag:s26] =	ssyncset.done $0x0  }
0x440: {  	[sflag:s26] =	ssyncadd.s32 $0xFFFFC000  }
0x441: {  	_ =	sfence.sel $0x180000  }
0x442: {  	[bflag:$0x0] =	sbarrier.arrive $0xFFFF  }
0x443: {  	_ =	strace $0x90000047  }
0x444: {  	s0 =	stileid.u32;
	[bflag:$0x2] =	sbarrier.arrive $0xFFFF  }
0x445: {  	p0 =	sne.s32 s0, $0x0;
	s0 =	rddreg [dreg:$0x4]  }
0x446: {  	s0 =	sadd.s32 @!p0 $0x100000, s0  }
0x447: {  	[sflag:s0] =	ssyncadd.tile.s32 @!p0 $0x1;
	_ =	shalt  }
.Lfunc_end2:
_tile_overlayer_lowered:
.L_overlay_start_2:
0x448: {  	(tag) =	ssettag $0x2  }
0x449: {  	s0 =	rddreg [dreg:$0x0];
	s2 =	stileid.u32  }
0x44a: {  	s1 =	rddreg [dreg:$0x1];
	p0 =	sne.s32 s2, $0x0  }
0x44b: {  	s3 =	rddreg [dreg:$0x2];
	[bflag:$0x3] =	sbarrier.arrive $0xFFFF;
	s2 =	simm.s32 @!p0 $0x1C0E  }
0x44c: {  	[timem:s3], [sflag:s2] =	dma.local @!p0 [hbm:s0], s1  }
0x44d: {  	s0 =	simm.s32 @!p0 $0xE  }
0x44e: {  	_ =	swait.ge @!p0 [sflag:s0], s1  }
0x44f: {  	s1 =	ssub.s32 @!p0 $0x0, s1;
	[sflag:s0] =	ssyncset.done @!p0 $0x0  }
0x450: {  	[sflag:s0] =	ssyncadd.s32 @!p0 s1  }
0x451: {  	[bflag:$0x3] =	sbarrier.arrive $0xFFFF  }
0x452: {  	_ =	shalt  }

</sc_bundles>
